<compile_context>
chip_gen: v7x
topology: tpu7x:2x2x1
jax: 0.10.2.dev20260603
libtpu: 0.0.44.dev20260713+nightly
codegen_flags: <defaults>
</compile_context>

<pallas_src>
import functools

import jax
import jax.numpy as jnp
from jax import lax
from jax.experimental import pallas as pl
from jax.experimental.pallas import tpu as pltpu
from jax.experimental.pallas import tpu_sc as plsc

_SEG = 100000
_EPS = 1e-08
_NC = 2
_NS = 16
_NW = _NC * _NS
_SQRT_MAGIC = 0x1FBD1DF5


def _dg(v, idx):
    return lax.gather(
        v,
        idx[:, None],
        lax.GatherDimensionNumbers(
            offset_dims=(), collapsed_slice_dims=(0,), start_index_map=(0,)
        ),
        (1,),
        mode=lax.GatherScatterMode.PROMISE_IN_BOUNDS,
    )


def _lane_iota():
    return lax.iota(jnp.int32, 16)


def _bcast_lane(v, lane):
    return _dg(v, jnp.full((16,), lane, dtype=jnp.int32))


def _inv_std_from_var(var):
    bits = lax.bitcast_convert_type(var, jnp.int32)
    s = lax.bitcast_convert_type((bits >> 1) + _SQRT_MAGIC, jnp.float32)
    s = 0.5 * (s + var / s)
    s = 0.5 * (s + var / s)
    s = 0.5 * (s + var / s)
    return 1.0 / (s + _EPS)


def _transpose16(vs, lane):
    cur = list(vs)
    for d in (1, 2, 4, 8):
        idm = (lane - d) & 15
        idp = (lane + d) & 15
        sel = (lane & d) == 0
        nxt = list(cur)
        for i in range(16):
            if i & d == 0:
                a, b = cur[i], cur[i + d]
                nxt[i] = jnp.where(sel, a, _dg(b, idm))
                nxt[i + d] = jnp.where(sel, _dg(a, idp), b)
        cur = nxt
    return cur


def _compiler_params():
    return pltpu.CompilerParams(use_tc_tiling_on_sc=False,
                                needs_layout_passes=False)


_WIN = 2048


def _build_k1(n_rows, n_seg):
    chunk = n_rows // _NW
    assert chunk % 16 == 0 and n_rows % 128 == 0
    nblk = n_rows // 128
    mesh = plsc.VectorSubcoreMesh(
        core_axis_name="c", subcore_axis_name="s",
        num_cores=_NC, num_subcores=_NS,
    )

    def body(x_hbm, ids_hbm, fbm_hbm, fbi_hbm, params_hbm,
             xt, idt, fpb, fib, fib2, pga, pgb, fbmv, fbiv):
        w = lax.axis_index("c") * _NS + lax.axis_index("s")
        base = w * chunk
        stop_row = base + chunk - 1
        lane = _lane_iota()
        shift_idx = jnp.minimum(lane + 1, 15)
        pat = (lane % 8) * 128 + (lane // 8) * (_WIN * 8)
        pltpu.sync_copy(fbm_hbm, fbmv)
        pltpu.sync_copy(fbi_hbm, fbiv)
        fbm = fbmv[:]
        fbi = fbiv[:]

        pltpu.sync_copy(
            ids_hbm.at[pl.ds(pl.multiple_of(jnp.maximum(base - 16, 0), 16),
                             16)], pga)
        pltpu.sync_copy(ids_hbm.at[pl.ds(pl.multiple_of(base, 16), 16)], pgb)
        prev_last = _bcast_lane(pga[:], jnp.int32(15))
        cur_first = _bcast_lane(pgb[:], jnp.int32(0))
        neq = jnp.max((prev_last != cur_first).astype(jnp.int32))
        emit0 = jnp.where(w == 0, jnp.int32(1), neq)

        for i in range(8):
            fib2[i, :] = jnp.zeros((16,), jnp.int32)

        zeros = jnp.zeros((16,), jnp.float32)

        def flush_all():
            for i in range(8):
                fib[pl.ds(i * 16, 16)] = fib2[i, :]
            pltpu.sync_copy(fpb, params_hbm.at[fib])
            for i in range(8):
                fib2[i, :] = jnp.zeros((16,), jnp.int32)

        def stage(win):
            rb = pl.multiple_of((win // 128) * 1024, 1024)
            half = _WIN * 8
            pltpu.sync_copy(x_hbm.at[pl.ds(rb, half)], xt.at[pl.ds(0, half)])
            pltpu.sync_copy(
                x_hbm.at[pl.ds(pl.multiple_of(nblk * 1024 + rb, 1024), half)],
                xt.at[pl.ds(half, half)])
            pltpu.sync_copy(ids_hbm.at[pl.ds(pl.multiple_of(win, 128), _WIN)],
                            idt.at[pl.ds(0, _WIN)])
            la = pl.multiple_of(jnp.minimum(win + _WIN, n_rows - 16), 16)
            pltpu.sync_copy(ids_hbm.at[pl.ds(la, 16)],
                            idt.at[pl.ds(_WIN, 16)])

        win0 = pl.multiple_of(base - base % _WIN, 128)
        stage(win0)

        def o_cond(st):
            return (st[7] == 0) & (st[0] < n_rows)

        def o_body(st):
            grow, win, cnt, sm, sq, emit, cursor, done = st
            need = grow >= win + _WIN
            nwin = jnp.where(need,
                             jnp.minimum(win + _WIN, n_rows - _WIN), win)

            @pl.when(need)
            def _():
                stage(nwin)

            loff = grow - nwin
            v = idt[pl.ds(pl.multiple_of(loff, 16), 16)]
            vn = idt[pl.ds(pl.multiple_of(loff + 16, 16), 16)]
            shifted = _dg(v, shift_idx)
            nxt = jnp.where(lane == 15, _bcast_lane(vn, jnp.int32(0)),
                            shifted)
            endm = (v != nxt) | ((grow + lane) == (n_rows - 1))

            o2 = loff + (loff // 128) * 896
            xs = []
            for k in range(16):
                kh, kl = divmod(k, 8)
                xs.append(xt[pl.ds(pl.multiple_of(
                    kh * (_WIN * 8) + kl * 128 + o2, 16), 16)])
            ts = _transpose16(xs, lane)
            t2 = [t * t for t in ts]

            def q_cond(qs):
                return (qs[0] < 16) & (qs[6] == 0)

            def q_body(qs):
                q, cnt, sm, sq, emit, cursor, done = qs
                sel = endm & (lane >= q)
                ne = jnp.max(plsc.all_reduce_ffs(sel))
                limit = jnp.minimum(ne + 1, 16)

                zf = jnp.zeros((16,), jnp.float32)
                for r in range(16):
                    mr = (r >= q) & (r < limit)
                    sm = sm + jnp.where(mr, ts[r], zf)
                    sq = sq + jnp.where(mr, t2[r], zf)
                cnt = cnt + jnp.full((16,), (limit - q).astype(jnp.float32))
                fin = ne < 16
                safec = jnp.maximum(cnt, 1.0)
                mean = sm / safec
                var = jnp.maximum(sq / safec - mean * mean, 0.0)
                inv = _inv_std_from_var(var)
                grp = cnt > 1.5
                pm = jnp.where(grp, mean, fbm)
                pv = jnp.where(grp, inv, fbi)
                rid = _bcast_lane(v, jnp.minimum(ne, 15))
                do_emit = fin & (emit == 1) & (done == 0)

                @pl.when(do_emit)
                def _():
                    fpb[cursor, 0:16] = pm
                    fpb[cursor, 16:32] = pv
                    cr = cursor // 16
                    cl = cursor % 16
                    fib2[cr, :] = (fib2[cr, :]
                                   + rid * (lane == cl).astype(jnp.int32))

                ncur = jnp.where(do_emit, cursor + 1, cursor)

                @pl.when(ncur == 128)
                def _():
                    flush_all()

                cursor = jnp.where(ncur == 128, jnp.int32(0), ncur)
                rend = grow + ne
                done = jnp.where(fin & (rend >= stop_row),
                                 jnp.int32(1), done)
                emit = jnp.where(fin, jnp.int32(1), emit)
                cnt = jnp.where(fin, zeros, cnt)
                sm = jnp.where(fin, zeros, sm)
                sq = jnp.where(fin, zeros, sq)
                return (limit, cnt, sm, sq, emit, cursor, done)

            out = lax.while_loop(
                q_cond, q_body,
                (jnp.int32(0), cnt, sm, sq, emit, cursor, done))
            _, cnt, sm, sq, emit, cursor, done = out
            return (grow + 16, nwin, cnt, sm, sq, emit, cursor, done)

        st = lax.while_loop(
            o_cond, o_body,
            (base, win0, zeros, zeros, zeros, emit0, jnp.int32(0),
             jnp.int32(0)))
        cursor = st[6]

        @pl.when(cursor > 0)
        def _():
            last = cursor - 1
            lm = fpb[last, 0:16]
            li = fpb[last, 16:32]
            lid = _bcast_lane(fib2[last // 16, :], last % 16)

            def padj(j, carry):
                fpb[j, 0:16] = lm
                fpb[j, 16:32] = li
                fib2[j // 16, :] = (fib2[j // 16, :]
                                    + lid * (lane == (j % 16)).astype(jnp.int32))
                return carry

            lax.fori_loop(cursor, 128, padj, jnp.int32(0))
            flush_all()

    return pl.kernel(
        body,
        out_type=jax.ShapeDtypeStruct((n_seg, 32), jnp.float32),
        mesh=mesh,
        compiler_params=_compiler_params(),
        scratch_types=[
            pltpu.VMEM((_WIN * 16,), jnp.float32),
            pltpu.VMEM((_WIN + 16,), jnp.int32),
            pltpu.VMEM((128, 32), jnp.float32),
            pltpu.VMEM((128,), jnp.int32),
            pltpu.VMEM((8, 16), jnp.int32),
            pltpu.VMEM((16,), jnp.int32),
            pltpu.VMEM((16,), jnp.int32),
            pltpu.VMEM((16,), jnp.float32),
            pltpu.VMEM((16,), jnp.float32),
        ],
    )


_T2 = 1024


def _build_k2(n_rows, n_seg):
    assert n_rows % _T2 == 0
    ntiles = n_rows // _T2
    per = (ntiles + _NW - 1) // _NW
    nblk = n_rows // 128
    mesh = plsc.VectorSubcoreMesh(
        core_axis_name="c", subcore_axis_name="s",
        num_cores=_NC, num_subcores=_NS,
    )

    def body(x_hbm, ids_hbm, params_hbm, out_hbm, xt, ot, idt, pt, sem):
        w = lax.axis_index("c") * _NS + lax.axis_index("s")
        lane = _lane_iota()
        half = _T2 * 8

        def tile_fn(i, carry):
            t = w + i * _NW

            @pl.when(t < ntiles)
            def _():
                rb = pl.multiple_of(t * (_T2 * 8), _T2 * 8)
                pltpu.sync_copy(x_hbm.at[pl.ds(rb, half)],
                                xt.at[pl.ds(0, half)])
                pltpu.sync_copy(
                    x_hbm.at[pl.ds(pl.multiple_of(nblk * 1024 + rb, 1024),
                                   half)],
                    xt.at[pl.ds(half, half)])
                pltpu.sync_copy(
                    ids_hbm.at[pl.ds(pl.multiple_of(t * _T2, _T2), _T2)], idt)
                copies = [
                    pltpu.make_async_copy(
                        params_hbm.at[idt.at[pl.ds(b * 128, 128)]],
                        pt.at[pl.ds(b * 128, 128)],
                        sem,
                    )
                    for b in range(_T2 // 128)
                ]
                for c in copies:
                    c.start()
                for c in copies:
                    c.wait()

                shift_idx = jnp.minimum(lane + 1, 15)
                zeros = jnp.zeros((16,), jnp.float32)

                def rbody(u, cc):
                    r0 = u * 16
                    lb = u // 8
                    rl = (u % 8) * 16
                    v = idt[pl.ds(pl.multiple_of(r0, 16), 16)]
                    endm = v != _dg(v, shift_idx)
                    xs = []
                    for k in range(16):
                        kh, kl = divmod(k, 8)
                        xo = pl.multiple_of(
                            kh * half + lb * 1024 + kl * 128 + rl, 16)
                        xs.append(xt[pl.ds(xo, 16)])

                    def q_cond(qs):
                        return qs[0] < 16

                    def q_body(qs):
                        q = qs[0]
                        acc = qs[1:]
                        sel = endm & (lane >= q)
                        ne = jnp.max(plsc.all_reduce_ffs(sel))
                        limit = jnp.minimum(ne + 1, 16)
                        pm = pt[r0 + q, 0:16]
                        pv = pt[r0 + q, 16:32]
                        mask = (lane >= q) & (lane < limit)
                        nacc = []
                        for k in range(16):
                            val = ((xs[k] - _bcast_lane(pm, k))
                                   * _bcast_lane(pv, k))
                            nacc.append(jnp.where(mask, val, acc[k]))
                        return (limit,) + tuple(nacc)

                    res = lax.while_loop(q_cond, q_body,
                                         (jnp.int32(0),) + (zeros,) * 16)
                    for k in range(16):
                        kh, kl = divmod(k, 8)
                        xo = pl.multiple_of(
                            kh * half + lb * 1024 + kl * 128 + rl, 16)
                        ot[pl.ds(xo, 16)] = res[1 + k]
                    return cc

                lax.fori_loop(0, _T2 // 16, rbody, jnp.int32(0))
                pltpu.sync_copy(ot.at[pl.ds(0, half)],
                                out_hbm.at[pl.ds(rb, half)])
                pltpu.sync_copy(
                    ot.at[pl.ds(half, half)],
                    out_hbm.at[pl.ds(pl.multiple_of(nblk * 1024 + rb, 1024),
                                     half)])

            return carry

        lax.fori_loop(0, per, tile_fn, jnp.int32(0))

    return pl.kernel(
        body,
        out_type=jax.ShapeDtypeStruct((n_rows * 16,), jnp.float32),
        mesh=mesh,
        compiler_params=_compiler_params(),
        scratch_types=[
            pltpu.VMEM((_T2 * 16,), jnp.float32),
            pltpu.VMEM((_T2 * 16,), jnp.float32),
            pltpu.VMEM((_T2,), jnp.int32),
            pltpu.VMEM((_T2, 32), jnp.float32),
            pltpu.SemaphoreType.DMA,
        ],
    )


@functools.partial(jax.jit, static_argnames=())
def _run(x, gid, fbm, fbi):
    n_rows = x.shape[0]
    x4 = x.reshape(n_rows // 128, 128, 2, 8).transpose(2, 0, 3, 1)
    xf = x4.reshape(n_rows * 16)
    k1 = _build_k1(n_rows, _SEG)
    params = k1(xf, gid, fbm, fbi)
    k2 = _build_k2(n_rows, _SEG)
    of = k2(xf, gid, params)
    o4 = of.reshape(2, n_rows // 128, 8, 128)
    return o4.transpose(1, 3, 0, 2).reshape(n_rows, 16)


def kernel(multi_dim_pressures, weights, group_ids, running_mean, running_var):
    x = multi_dim_pressures
    gid = group_ids.astype(jnp.int32)
    fbm = running_mean.astype(jnp.float32)
    fbi = 1.0 / (jnp.sqrt(running_var.astype(jnp.float32)) + _EPS)
    return _run(x, gid, fbm, fbi)

# --- scband reference (transcript-rebuilt; emitter-appended) ---
"""Pipeline reference for scband-signal-sovereignty-88304527606121 (READ-ONLY COPY).

The authoritative reference and input builder live on the scoring server;
editing this copy changes nothing except your own understanding.
"""

import jax, jax.numpy as jnp
import numpy as np

NUM_SEGMENTS = 100000
EPS = 1e-08


def setup_inputs(seed: int = 0) -> dict:
    key = jax.random.key(seed)
    k1, k2, k3 = jax.random.split(key, 3)
    N, K = 3200000, 16
    multi_dim_pressures = jax.random.normal(k1, (N, K), dtype=jnp.float32)
    weights = jax.random.uniform(k2, (K,), dtype=jnp.float32)
    group_ids = jnp.sort(jax.random.randint(k3, (N,), 0, NUM_SEGMENTS))
    # Buffers from the module (registered buffers, initialized values)
    running_mean = jnp.zeros((K,), dtype=jnp.float32)
    running_var = jnp.ones((K,), dtype=jnp.float32)
    return {
        "multi_dim_pressures": multi_dim_pressures,
        "weights": weights,
        "group_ids": group_ids,
        "running_mean": running_mean,
        "running_var": running_var,
    }


def reference(multi_dim_pressures, weights, group_ids, running_mean, running_var):
    # Eval-mode forward of SignalSovereignty: per-(group, dim) normalization.
    # Vectorizes the torch per-group python loop with segment reductions;
    # math is identical (unbiased=False std, +eps on std, running-stat
    # fallback for singleton groups).
    x = multi_dim_pressures
    N, K = x.shape
    ones = jnp.ones((N,), dtype=x.dtype)
    counts = jax.ops.segment_sum(ones, group_ids, num_segments=NUM_SEGMENTS)
    safe_counts = jnp.maximum(counts, 1.0)
    seg_sum = jax.ops.segment_sum(x, group_ids, num_segments=NUM_SEGMENTS)
    mean = seg_sum / safe_counts[:, None]  # [S, K]
    mean_g = jnp.take(mean, group_ids, axis=0)  # [N, K]
    diff = x - mean_g
    seg_sq = jax.ops.segment_sum(diff * diff, group_ids, num_segments=NUM_SEGMENTS)
    var = seg_sq / safe_counts[:, None]  # population variance (unbiased=False)
    std = jnp.sqrt(jnp.maximum(var, 0.0)) + EPS  # [S, K]
    std_g = jnp.take(std, group_ids, axis=0)
    cnt_g = jnp.take(counts, group_ids, axis=0)  # [N]
    group_normed = diff / std_g
    # Singleton-group fallback uses running stats (running_mean/var buffers)
    fallback = (x - running_mean[None, :]) / (jnp.sqrt(running_var)[None, :] + EPS)
    decoupled = jnp.where((cnt_g > 1.0)[:, None], group_normed, fallback)
    # diagnostics: weights_used is a passthrough of `weights`; capacity_mask is
    # ~is_fossilized == all True at init. Primary computed output is `decoupled`.
    return decoupled

if __name__ == "__main__":
    import jax
    _d = setup_inputs()
    print(jax.jit(kernel)(*tuple(_d.values())))

</pallas_src>

<mosaic_0001>
#map = affine_map<(d0, d1) -> (0)>
#map1 = affine_map<(d0, d1) -> (0, 0)>
module attributes {stable_mosaic.version = 14 : i64} {
  func.func @body(%arg0: i32, %arg1: i32, %arg2: memref<51200000xf32, #tpu.memory_space<hbm>>, %arg3: memref<3200000xi32, #tpu.memory_space<hbm>>, %arg4: memref<16xf32, #tpu.memory_space<hbm>>, %arg5: memref<16xf32, #tpu.memory_space<hbm>>, %arg6: memref<100000x32xf32, #tpu.memory_space<hbm>>, %arg7: memref<32768xf32, #tpu.memory_space<vmem>>, %arg8: memref<2064xi32, #tpu.memory_space<vmem>>, %arg9: memref<128x32xf32, #tpu.memory_space<vmem>>, %arg10: memref<128xi32, #tpu.memory_space<vmem>>, %arg11: memref<8x16xi32, #tpu.memory_space<vmem>>, %arg12: memref<16xi32, #tpu.memory_space<vmem>>, %arg13: memref<16xi32, #tpu.memory_space<vmem>>, %arg14: memref<16xf32, #tpu.memory_space<vmem>>, %arg15: memref<16xf32, #tpu.memory_space<vmem>>) attributes {dimension_semantics = [#tpu.dimension_semantics<core_parallel>, #tpu.dimension_semantics<subcore_parallel>], iteration_bounds = array<i64: 2, 16>, scalar_prefetch = 0 : i64, scratch_operands = 9 : i64, tpu.core_type = #tpu.core_type<sc_vector_subcore>, window_params = [{transform_indices = #map}, {transform_indices = #map}, {transform_indices = #map}, {transform_indices = #map}, {transform_indices = #map1}]} {
    %mul3A = arith.constant 16 : i32
    %mul3A_0 = arith.muli %arg0, %mul3A : i32
    %add3A = arith.addi %mul3A_0, %arg1 : i32
    %mul3A_1 = arith.constant 100000 : i32
    %mul3A_2 = arith.muli %add3A, %mul3A_1 : i32
    %add3A_3 = arith.constant 100000 : i32
    %add3A_4 = arith.addi %mul3A_2, %add3A_3 : i32
    %sub3A = arith.constant 1 : i32
    %sub3A_5 = arith.subi %add3A_4, %sub3A : i32
    %iota3A = tpu.iota {dimensions = array<i32: 0>} : vector<16xi32>
    %add3A_6 = arith.constant 1 : i32
    %add3A_7 = vector.broadcast %add3A_6 : i32 to vector<16xi32>
    %add3A_8 = arith.addi %iota3A, %add3A_7 : vector<16xi32>
    %min3A = arith.constant 15 : i32
    %min3A_9 = vector.broadcast %min3A : i32 to vector<16xi32>
    %min3A_10 = arith.minsi %add3A_8, %min3A_9 : vector<16xi32>
    %jit3A = arith.constant 8 : i32
    %eq3A = arith.constant 0 : i32
    %eq3A_11 = arith.cmpi eq, %jit3A, %eq3A : i32
    %jit3A_12 = arith.constant 1 : i32
    %select_n3A = arith.select %eq3A_11, %jit3A_12, %jit3A : i32
    %rem3A = vector.broadcast %select_n3A : i32 to vector<16xi32>
    %rem3A_13 = arith.remsi %iota3A, %rem3A : vector<16xi32>
    %ne3A = arith.constant 0 : i32
    %ne3A_14 = vector.broadcast %ne3A : i32 to vector<16xi32>
    %ne3A_15 = arith.cmpi ne, %rem3A_13, %ne3A_14 : vector<16xi32>
    %lt3A = arith.constant 0 : i32
    %lt3A_16 = vector.broadcast %lt3A : i32 to vector<16xi32>
    %lt3A_17 = arith.cmpi slt, %rem3A_13, %lt3A_16 : vector<16xi32>
    %lt3A_18 = arith.constant 0 : i32
    %lt3A_19 = arith.cmpi slt, %select_n3A, %lt3A_18 : i32
    %ne3A_20 = vector.broadcast %lt3A_19 : i1 to vector<16xi1>
    %ne3A_21 = vector.broadcast %ne3A_20 : vector<16xi1> to vector<16xi1>
    %ne3A_22 = arith.xori %lt3A_17, %ne3A_21 : vector<16xi1>
    %and3A = arith.andi %ne3A_22, %ne3A_15 : vector<16xi1>
    %add3A_23 = vector.broadcast %select_n3A : i32 to vector<16xi32>
    %add3A_24 = arith.addi %rem3A_13, %add3A_23 : vector<16xi32>
    %select_n3A_25 = arith.select %and3A, %add3A_24, %rem3A_13 : vector<16xi1>, vector<16xi32>
    %mul3A_26 = arith.constant 128 : i32
    %mul3A_27 = vector.broadcast %mul3A_26 : i32 to vector<16xi32>
    %mul3A_28 = arith.muli %select_n3A_25, %mul3A_27 : vector<16xi32>
    %jit3A_29 = arith.constant 8 : i32
    %div3A = vector.broadcast %jit3A_29 : i32 to vector<16xi32>
    %div3A_30 = arith.divsi %iota3A, %div3A : vector<16xi32>
    %sign3A = arith.constant 0 : i32
    %sign3A_31 = vector.broadcast %sign3A : i32 to vector<16xi32>
    %sign3A_32 = arith.cmpi sgt, %iota3A, %sign3A_31 : vector<16xi32>
    %sign3A_33 = arith.extui %sign3A_32 : vector<16xi1> to vector<16xi32>
    %sign3A_34 = arith.constant 0 : i32
    %sign3A_35 = vector.broadcast %sign3A_34 : i32 to vector<16xi32>
    %sign3A_36 = arith.cmpi slt, %iota3A, %sign3A_35 : vector<16xi32>
    %sign3A_37 = arith.extui %sign3A_36 : vector<16xi1> to vector<16xi32>
    %sign3A_38 = arith.subi %sign3A_33, %sign3A_37 : vector<16xi32>
    %sign3A_39 = arith.constant 0 : i32
    %sign3A_40 = arith.cmpi sgt, %jit3A_29, %sign3A_39 : i32
    %sign3A_41 = arith.extui %sign3A_40 : i1 to i32
    %sign3A_42 = arith.constant 0 : i32
    %sign3A_43 = arith.cmpi slt, %jit3A_29, %sign3A_42 : i32
    %sign3A_44 = arith.extui %sign3A_43 : i1 to i32
    %sign3A_45 = arith.subi %sign3A_41, %sign3A_44 : i32
    %ne3A_46 = vector.broadcast %sign3A_45 : i32 to vector<16xi32>
    %ne3A_47 = arith.cmpi ne, %sign3A_38, %ne3A_46 : vector<16xi32>
    %rem3A_48 = vector.broadcast %jit3A_29 : i32 to vector<16xi32>
    %rem3A_49 = arith.remsi %iota3A, %rem3A_48 : vector<16xi32>
    %ne3A_50 = arith.constant 0 : i32
    %ne3A_51 = vector.broadcast %ne3A_50 : i32 to vector<16xi32>
    %ne3A_52 = arith.cmpi ne, %rem3A_49, %ne3A_51 : vector<16xi32>
    %and3A_53 = arith.andi %ne3A_47, %ne3A_52 : vector<16xi1>
    %sub3A_54 = arith.constant 1 : i32
    %sub3A_55 = vector.broadcast %sub3A_54 : i32 to vector<16xi32>
    %sub3A_56 = arith.subi %div3A_30, %sub3A_55 : vector<16xi32>
    %select_n3A_57 = arith.select %and3A_53, %sub3A_56, %div3A_30 : vector<16xi1>, vector<16xi32>
    %mul3A_58 = arith.constant 16384 : i32
    %mul3A_59 = vector.broadcast %mul3A_58 : i32 to vector<16xi32>
    %mul3A_60 = arith.muli %select_n3A_57, %mul3A_59 : vector<16xi32>
    %add3A_61 = arith.addi %mul3A_28, %mul3A_60 : vector<16xi32>
    "tpu.region"() ({
      %run_scoped3A = tpu.sem_alloc : memref<!tpu.dma_semaphore, #tpu.memory_space<semaphore_mem>>
      tpu.enqueue_dma source(%arg4 : memref<16xf32, #tpu.memory_space<hbm>>) target(%arg14 : memref<16xf32, #tpu.memory_space<vmem>>) target_semaphore(%run_scoped3A : memref<!tpu.dma_semaphore, #tpu.memory_space<semaphore_mem>>)
      tpu.wait_dma2 semaphore(%run_scoped3A : memref<!tpu.dma_semaphore, #tpu.memory_space<semaphore_mem>>) src(%arg4 : memref<16xf32, #tpu.memory_space<hbm>>) dst(%arg14 : memref<16xf32, #tpu.memory_space<vmem>>)
      tpu.yield
    }) : () -> ()
    "tpu.region"() ({
      %run_scoped3A = tpu.sem_alloc : memref<!tpu.dma_semaphore, #tpu.memory_space<semaphore_mem>>
      tpu.enqueue_dma source(%arg5 : memref<16xf32, #tpu.memory_space<hbm>>) target(%arg15 : memref<16xf32, #tpu.memory_space<vmem>>) target_semaphore(%run_scoped3A : memref<!tpu.dma_semaphore, #tpu.memory_space<semaphore_mem>>)
      tpu.wait_dma2 semaphore(%run_scoped3A : memref<!tpu.dma_semaphore, #tpu.memory_space<semaphore_mem>>) src(%arg5 : memref<16xf32, #tpu.memory_space<hbm>>) dst(%arg15 : memref<16xf32, #tpu.memory_space<vmem>>)
      tpu.yield
    }) : () -> ()
    %get3A = arith.constant 0 : index
    %get3A_62 = tpu.vector_load %arg14[%get3A] {strides = array<i32>} : memref<16xf32, #tpu.memory_space<vmem>>, vector<16xf32>,
    %get3A_63 = arith.constant 0 : index
    %get3A_64 = tpu.vector_load %arg15[%get3A_63] {strides = array<i32>} : memref<16xf32, #tpu.memory_space<vmem>>, vector<16xf32>,
    %sub3A_65 = arith.constant 16 : i32
    %sub3A_66 = arith.subi %mul3A_2, %sub3A_65 : i32
    %max3A = arith.constant 0 : i32
    %max3A_67 = arith.maxsi %sub3A_66, %max3A : i32
    %multiple_of3A = tpu.assume_multiple %max3A_67, 16 : i32
    "tpu.region"() ({
      %run_scoped3A = tpu.sem_alloc : memref<!tpu.dma_semaphore, #tpu.memory_space<semaphore_mem>>
      %dma_start3A = tpu.memref_slice %arg3[%multiple_of3A] : memref<3200000xi32, #tpu.memory_space<hbm>> -> memref<16xi32, #tpu.memory_space<hbm>>
      %dma_start3A_201 = tpu.memref_slice %arg3[%multiple_of3A] : memref<3200000xi32, #tpu.memory_space<hbm>> -> memref<16xi32, #tpu.memory_space<hbm>>
      tpu.enqueue_dma source(%dma_start3A_201 : memref<16xi32, #tpu.memory_space<hbm>>) target(%arg12 : memref<16xi32, #tpu.memory_space<vmem>>) target_semaphore(%run_scoped3A : memref<!tpu.dma_semaphore, #tpu.memory_space<semaphore_mem>>)
      %dma_wait3A = tpu.memref_slice %arg3[%multiple_of3A] : memref<3200000xi32, #tpu.memory_space<hbm>> -> memref<16xi32, #tpu.memory_space<hbm>>
      %dma_wait3A_202 = tpu.memref_slice %arg3[%multiple_of3A] : memref<3200000xi32, #tpu.memory_space<hbm>> -> memref<16xi32, #tpu.memory_space<hbm>>
      tpu.wait_dma2 semaphore(%run_scoped3A : memref<!tpu.dma_semaphore, #tpu.memory_space<semaphore_mem>>) src(%dma_wait3A_202 : memref<16xi32, #tpu.memory_space<hbm>>) dst(%arg12 : memref<16xi32, #tpu.memory_space<vmem>>)
      tpu.yield
    }) : () -> ()
    %multiple_of3A_68 = tpu.assume_multiple %mul3A_2, 16 : i32
    "tpu.region"() ({
      %run_scoped3A = tpu.sem_alloc : memref<!tpu.dma_semaphore, #tpu.memory_space<semaphore_mem>>
      %dma_start3A = tpu.memref_slice %arg3[%multiple_of3A_68] : memref<3200000xi32, #tpu.memory_space<hbm>> -> memref<16xi32, #tpu.memory_space<hbm>>
      %dma_start3A_201 = tpu.memref_slice %arg3[%multiple_of3A_68] : memref<3200000xi32, #tpu.memory_space<hbm>> -> memref<16xi32, #tpu.memory_space<hbm>>
      tpu.enqueue_dma source(%dma_start3A_201 : memref<16xi32, #tpu.memory_space<hbm>>) target(%arg13 : memref<16xi32, #tpu.memory_space<vmem>>) target_semaphore(%run_scoped3A : memref<!tpu.dma_semaphore, #tpu.memory_space<semaphore_mem>>)
      %dma_wait3A = tpu.memref_slice %arg3[%multiple_of3A_68] : memref<3200000xi32, #tpu.memory_space<hbm>> -> memref<16xi32, #tpu.memory_space<hbm>>
      %dma_wait3A_202 = tpu.memref_slice %arg3[%multiple_of3A_68] : memref<3200000xi32, #tpu.memory_space<hbm>> -> memref<16xi32, #tpu.memory_space<hbm>>
      tpu.wait_dma2 semaphore(%run_scoped3A : memref<!tpu.dma_semaphore, #tpu.memory_space<semaphore_mem>>) src(%dma_wait3A_202 : memref<16xi32, #tpu.memory_space<hbm>>) dst(%arg13 : memref<16xi32, #tpu.memory_space<vmem>>)
      tpu.yield
    }) : () -> ()
    %get3A_69 = arith.constant 0 : index
    %get3A_70 = tpu.vector_load %arg12[%get3A_69] {strides = array<i32>} : memref<16xi32, #tpu.memory_space<vmem>>, vector<16xi32>,
    %broadcast_in_dim3A = arith.constant 15 : i32
    %broadcast_in_dim3A_71 = vector.broadcast %broadcast_in_dim3A : i32 to vector<16xi32>
    %broadcast_in_dim3A_72 = vector.shape_cast %broadcast_in_dim3A_71 : vector<16xi32> to vector<16x1xi32>
    %gather3A = vector.shape_cast %broadcast_in_dim3A_72 : vector<16x1xi32> to vector<16xi32>
    %gather3A_73 = tpu.dynamic_gather %get3A_70[%gather3A] in [0] : vector<16xi32>, vector<16xi32> -> vector<16xi32>
    %get3A_74 = arith.constant 0 : index
    %get3A_75 = tpu.vector_load %arg13[%get3A_74] {strides = array<i32>} : memref<16xi32, #tpu.memory_space<vmem>>, vector<16xi32>,
    %broadcast_in_dim3A_76 = arith.constant 0 : i32
    %broadcast_in_dim3A_77 = vector.broadcast %broadcast_in_dim3A_76 : i32 to vector<16xi32>
    %broadcast_in_dim3A_78 = vector.shape_cast %broadcast_in_dim3A_77 : vector<16xi32> to vector<16x1xi32>
    %gather3A_79 = vector.shape_cast %broadcast_in_dim3A_78 : vector<16x1xi32> to vector<16xi32>
    %gather3A_80 = tpu.dynamic_gather %get3A_75[%gather3A_79] in [0] : vector<16xi32>, vector<16xi32> -> vector<16xi32>
    %ne3A_81 = arith.cmpi ne, %gather3A_73, %gather3A_80 : vector<16xi32>
    %convert_element_type3A = arith.extui %ne3A_81 : vector<16xi1> to vector<16xi32>
    %reduce_max3A = arith.constant true
    %reduce_max3A_82 = vector.broadcast %reduce_max3A : i1 to vector<16xi1>
    %reduce_max3A_83 = arith.constant -2147483648 : i32
    %reduce_max3A_84 = vector.broadcast %reduce_max3A_83 : i32 to vector<16xi32>
    %reduce_max3A_85 = arith.xori %convert_element_type3A, %reduce_max3A_84 : vector<16xi32>
    %reduce_max3A_86 = tpu.scan <max>, %reduce_max3A_85 masked %reduce_max3A_82 : vector<16xi32>, vector<16xi1> -> vector<16xi32>
    %reduce_max3A_87 = arith.xori %reduce_max3A_86, %reduce_max3A_84 : vector<16xi32>
    %reduce_max3A_88 = vector.extract %reduce_max3A_87[15] : i32 from vector<16xi32>
    %eq3A_89 = arith.constant 0 : i32
    %eq3A_90 = arith.cmpi eq, %add3A, %eq3A_89 : i32
    %jit3A_91 = arith.constant 1 : i32
    %select_n3A_92 = arith.select %eq3A_90, %jit3A_91, %reduce_max3A_88 : i32
    %broadcast_in_dim3A_93 = arith.constant 0 : i32
    %broadcast_in_dim3A_94 = vector.broadcast %broadcast_in_dim3A_93 : i32 to vector<16xi32>
    %swap3A = arith.constant 0 : i32
    %swap3A_95 = arith.index_cast %swap3A : i32 to index
    %swap3A_96 = arith.constant 0 : index
    %swap3A_97 = tpu.vector_load %arg11[%swap3A_95, %swap3A_96] {strides = array<i32>} : memref<8x16xi32, #tpu.memory_space<vmem>>, vector<16xi32>,
    tpu.vector_store %arg11[%swap3A_95, %swap3A_96], %broadcast_in_dim3A_94 {strides = array<i32>} : memref<8x16xi32, #tpu.memory_space<vmem>>, vector<16xi32>,
    %broadcast_in_dim3A_98 = arith.constant 0 : i32
    %broadcast_in_dim3A_99 = vector.broadcast %broadcast_in_dim3A_98 : i32 to vector<16xi32>
    %swap3A_100 = arith.constant 1 : i32
    %swap3A_101 = arith.index_cast %swap3A_100 : i32 to index
    %swap3A_102 = arith.constant 0 : index
    %swap3A_103 = tpu.vector_load %arg11[%swap3A_101, %swap3A_102] {strides = array<i32>} : memref<8x16xi32, #tpu.memory_space<vmem>>, vector<16xi32>,
    tpu.vector_store %arg11[%swap3A_101, %swap3A_102], %broadcast_in_dim3A_99 {strides = array<i32>} : memref<8x16xi32, #tpu.memory_space<vmem>>, vector<16xi32>,
    %broadcast_in_dim3A_104 = arith.constant 0 : i32
    %broadcast_in_dim3A_105 = vector.broadcast %broadcast_in_dim3A_104 : i32 to vector<16xi32>
    %swap3A_106 = arith.constant 2 : i32
    %swap3A_107 = arith.index_cast %swap3A_106 : i32 to index
    %swap3A_108 = arith.constant 0 : index
    %swap3A_109 = tpu.vector_load %arg11[%swap3A_107, %swap3A_108] {strides = array<i32>} : memref<8x16xi32, #tpu.memory_space<vmem>>, vector<16xi32>,
    tpu.vector_store %arg11[%swap3A_107, %swap3A_108], %broadcast_in_dim3A_105 {strides = array<i32>} : memref<8x16xi32, #tpu.memory_space<vmem>>, vector<16xi32>,
    %broadcast_in_dim3A_110 = arith.constant 0 : i32
    %broadcast_in_dim3A_111 = vector.broadcast %broadcast_in_dim3A_110 : i32 to vector<16xi32>
    %swap3A_112 = arith.constant 3 : i32
    %swap3A_113 = arith.index_cast %swap3A_112 : i32 to index
    %swap3A_114 = arith.constant 0 : index
    %swap3A_115 = tpu.vector_load %arg11[%swap3A_113, %swap3A_114] {strides = array<i32>} : memref<8x16xi32, #tpu.memory_space<vmem>>, vector<16xi32>,
    tpu.vector_store %arg11[%swap3A_113, %swap3A_114], %broadcast_in_dim3A_111 {strides = array<i32>} : memref<8x16xi32, #tpu.memory_space<vmem>>, vector<16xi32>,
    %broadcast_in_dim3A_116 = arith.constant 0 : i32
    %broadcast_in_dim3A_117 = vector.broadcast %broadcast_in_dim3A_116 : i32 to vector<16xi32>
    %swap3A_118 = arith.constant 4 : i32
    %swap3A_119 = arith.index_cast %swap3A_118 : i32 to index
    %swap3A_120 = arith.constant 0 : index
    %swap3A_121 = tpu.vector_load %arg11[%swap3A_119, %swap3A_120] {strides = array<i32>} : memref<8x16xi32, #tpu.memory_space<vmem>>, vector<16xi32>,
    tpu.vector_store %arg11[%swap3A_119, %swap3A_120], %broadcast_in_dim3A_117 {strides = array<i32>} : memref<8x16xi32, #tpu.memory_space<vmem>>, vector<16xi32>,
    %broadcast_in_dim3A_122 = arith.constant 0 : i32
    %broadcast_in_dim3A_123 = vector.broadcast %broadcast_in_dim3A_122 : i32 to vector<16xi32>
    %swap3A_124 = arith.constant 5 : i32
    %swap3A_125 = arith.index_cast %swap3A_124 : i32 to index
    %swap3A_126 = arith.constant 0 : index
    %swap3A_127 = tpu.vector_load %arg11[%swap3A_125, %swap3A_126] {strides = array<i32>} : memref<8x16xi32, #tpu.memory_space<vmem>>, vector<16xi32>,
    tpu.vector_store %arg11[%swap3A_125, %swap3A_126], %broadcast_in_dim3A_123 {strides = array<i32>} : memref<8x16xi32, #tpu.memory_space<vmem>>, vector<16xi32>,
    %broadcast_in_dim3A_128 = arith.constant 0 : i32
    %broadcast_in_dim3A_129 = vector.broadcast %broadcast_in_dim3A_128 : i32 to vector<16xi32>
    %swap3A_130 = arith.constant 6 : i32
    %swap3A_131 = arith.index_cast %swap3A_130 : i32 to index
    %swap3A_132 = arith.constant 0 : index
    %swap3A_133 = tpu.vector_load %arg11[%swap3A_131, %swap3A_132] {strides = array<i32>} : memref<8x16xi32, #tpu.memory_space<vmem>>, vector<16xi32>,
    tpu.vector_store %arg11[%swap3A_131, %swap3A_132], %broadcast_in_dim3A_129 {strides = array<i32>} : memref<8x16xi32, #tpu.memory_space<vmem>>, vector<16xi32>,
    %broadcast_in_dim3A_134 = arith.constant 0 : i32
    %broadcast_in_dim3A_135 = vector.broadcast %broadcast_in_dim3A_134 : i32 to vector<16xi32>
    %swap3A_136 = arith.constant 7 : i32
    %swap3A_137 = arith.index_cast %swap3A_136 : i32 to index
    %swap3A_138 = arith.constant 0 : index
    %swap3A_139 = tpu.vector_load %arg11[%swap3A_137, %swap3A_138] {strides = array<i32>} : memref<8x16xi32, #tpu.memory_space<vmem>>, vector<16xi32>,
    tpu.vector_store %arg11[%swap3A_137, %swap3A_138], %broadcast_in_dim3A_135 {strides = array<i32>} : memref<8x16xi32, #tpu.memory_space<vmem>>, vector<16xi32>,
    %broadcast_in_dim3A_140 = arith.constant 0.000000e+00 : f32
    %broadcast_in_dim3A_141 = vector.broadcast %broadcast_in_dim3A_140 : f32 to vector<16xf32>
    %jit3A_142 = arith.constant 2048 : i32
    %eq3A_143 = arith.constant 0 : i32
    %eq3A_144 = arith.cmpi eq, %jit3A_142, %eq3A_143 : i32
    %jit3A_145 = arith.constant 1 : i32
    %select_n3A_146 = arith.select %eq3A_144, %jit3A_145, %jit3A_142 : i32
    %rem3A_147 = arith.remsi %mul3A_2, %select_n3A_146 : i32
    %ne3A_148 = arith.constant 0 : i32
    %ne3A_149 = arith.cmpi ne, %rem3A_147, %ne3A_148 : i32
    %lt3A_150 = arith.constant 0 : i32
    %lt3A_151 = arith.cmpi slt, %rem3A_147, %lt3A_150 : i32
    %lt3A_152 = arith.constant 0 : i32
    %lt3A_153 = arith.cmpi slt, %select_n3A_146, %lt3A_152 : i32
    %ne3A_154 = arith.xori %lt3A_151, %lt3A_153 : i1
    %and3A_155 = arith.andi %ne3A_154, %ne3A_149 : i1
    %add3A_156 = arith.addi %rem3A_147, %select_n3A_146 : i32
    %select_n3A_157 = arith.select %and3A_155, %add3A_156, %rem3A_147 : i32
    %sub3A_158 = arith.subi %mul3A_2, %select_n3A_157 : i32
    %multiple_of3A_159 = tpu.assume_multiple %sub3A_158, 128 : i32
    %jit3A_160 = arith.constant 128 : i32
    %div3A_161 = arith.divsi %multiple_of3A_159, %jit3A_160 : i32
    %sign3A_162 = arith.constant 0 : i32
    %sign3A_163 = arith.cmpi sgt, %multiple_of3A_159, %sign3A_162 : i32
    %sign3A_164 = arith.extui %sign3A_163 : i1 to i32
    %sign3A_165 = arith.constant 0 : i32
    %sign3A_166 = arith.cmpi slt, %multiple_of3A_159, %sign3A_165 : i32
    %sign3A_167 = arith.extui %sign3A_166 : i1 to i32
    %sign3A_168 = arith.subi %sign3A_164, %sign3A_167 : i32
    %sign3A_169 = arith.constant 0 : i32
    %sign3A_170 = arith.cmpi sgt, %jit3A_160, %sign3A_169 : i32
    %sign3A_171 = arith.extui %sign3A_170 : i1 to i32
    %sign3A_172 = arith.constant 0 : i32
    %sign3A_173 = arith.cmpi slt, %jit3A_160, %sign3A_172 : i32
    %sign3A_174 = arith.extui %sign3A_173 : i1 to i32
    %sign3A_175 = arith.subi %sign3A_171, %sign3A_174 : i32
    %ne3A_176 = arith.cmpi ne, %sign3A_168, %sign3A_175 : i32
    %rem3A_177 = arith.remsi %multiple_of3A_159, %jit3A_160 : i32
    %ne3A_178 = arith.constant 0 : i32
    %ne3A_179 = arith.cmpi ne, %rem3A_177, %ne3A_178 : i32
    %and3A_180 = arith.andi %ne3A_176, %ne3A_179 : i1
    %sub3A_181 = arith.constant 1 : i32
    %sub3A_182 = arith.subi %div3A_161, %sub3A_181 : i32
    %select_n3A_183 = arith.select %and3A_180, %sub3A_182, %div3A_161 : i32
    %mul3A_184 = arith.constant 1024 : i32
    %mul3A_185 = arith.muli %select_n3A_183, %mul3A_184 : i32
    %multiple_of3A_186 = tpu.assume_multiple %mul3A_185, 1024 : i32
    "tpu.region"() ({
      %run_scoped3A = tpu.sem_alloc : memref<!tpu.dma_semaphore, #tpu.memory_space<semaphore_mem>>
      %dma_start3A = arith.constant 0 : i32
      %dma_start3A_201 = tpu.memref_slice %arg7[%dma_start3A] : memref<32768xf32, #tpu.memory_space<vmem>> -> memref<16384xf32, #tpu.memory_space<vmem>>
      %dma_start3A_202 = tpu.memref_slice %arg2[%multiple_of3A_186] : memref<51200000xf32, #tpu.memory_space<hbm>> -> memref<16384xf32, #tpu.memory_space<hbm>>
      %dma_start3A_203 = arith.constant 0 : i32
      %dma_start3A_204 = tpu.memref_slice %arg7[%dma_start3A_203] : memref<32768xf32, #tpu.memory_space<vmem>> -> memref<16384xf32, #tpu.memory_space<vmem>>
      %dma_start3A_205 = tpu.memref_slice %arg2[%multiple_of3A_186] : memref<51200000xf32, #tpu.memory_space<hbm>> -> memref<16384xf32, #tpu.memory_space<hbm>>
      tpu.enqueue_dma source(%dma_start3A_205 : memref<16384xf32, #tpu.memory_space<hbm>>) target(%dma_start3A_204 : memref<16384xf32, #tpu.memory_space<vmem>>) target_semaphore(%run_scoped3A : memref<!tpu.dma_semaphore, #tpu.memory_space<semaphore_mem>>)
      %dma_wait3A = arith.constant 0 : i32
      %dma_wait3A_206 = tpu.memref_slice %arg7[%dma_wait3A] : memref<32768xf32, #tpu.memory_space<vmem>> -> memref<16384xf32, #tpu.memory_space<vmem>>
      %dma_wait3A_207 = tpu.memref_slice %arg2[%multiple_of3A_186] : memref<51200000xf32, #tpu.memory_space<hbm>> -> memref<16384xf32, #tpu.memory_space<hbm>>
      %dma_wait3A_208 = arith.constant 0 : i32
      %dma_wait3A_209 = tpu.memref_slice %arg7[%dma_wait3A_208] : memref<32768xf32, #tpu.memory_space<vmem>> -> memref<16384xf32, #tpu.memory_space<vmem>>
      %dma_wait3A_210 = tpu.memref_slice %arg2[%multiple_of3A_186] : memref<51200000xf32, #tpu.memory_space<hbm>> -> memref<16384xf32, #tpu.memory_space<hbm>>
      tpu.wait_dma2 semaphore(%run_scoped3A : memref<!tpu.dma_semaphore, #tpu.memory_space<semaphore_mem>>) src(%dma_wait3A_210 : memref<16384xf32, #tpu.memory_space<hbm>>) dst(%dma_wait3A_209 : memref<16384xf32, #tpu.memory_space<vmem>>)
      tpu.yield
    }) : () -> ()
    %add3A_187 = arith.constant 25600000 : i32
    %add3A_188 = arith.addi %add3A_187, %multiple_of3A_186 : i32
    %multiple_of3A_189 = tpu.assume_multiple %add3A_188, 1024 : i32
    "tpu.region"() ({
      %run_scoped3A = tpu.sem_alloc : memref<!tpu.dma_semaphore, #tpu.memory_space<semaphore_mem>>
      %dma_start3A = arith.constant 16384 : i32
      %dma_start3A_201 = tpu.memref_slice %arg7[%dma_start3A] : memref<32768xf32, #tpu.memory_space<vmem>> -> memref<16384xf32, #tpu.memory_space<vmem>>
      %dma_start3A_202 = tpu.memref_slice %arg2[%multiple_of3A_189] : memref<51200000xf32, #tpu.memory_space<hbm>> -> memref<16384xf32, #tpu.memory_space<hbm>>
      %dma_start3A_203 = arith.constant 16384 : i32
      %dma_start3A_204 = tpu.memref_slice %arg7[%dma_start3A_203] : memref<32768xf32, #tpu.memory_space<vmem>> -> memref<16384xf32, #tpu.memory_space<vmem>>
      %dma_start3A_205 = tpu.memref_slice %arg2[%multiple_of3A_189] : memref<51200000xf32, #tpu.memory_space<hbm>> -> memref<16384xf32, #tpu.memory_space<hbm>>
      tpu.enqueue_dma source(%dma_start3A_205 : memref<16384xf32, #tpu.memory_space<hbm>>) target(%dma_start3A_204 : memref<16384xf32, #tpu.memory_space<vmem>>) target_semaphore(%run_scoped3A : memref<!tpu.dma_semaphore, #tpu.memory_space<semaphore_mem>>)
      %dma_wait3A = arith.constant 16384 : i32
      %dma_wait3A_206 = tpu.memref_slice %arg7[%dma_wait3A] : memref<32768xf32, #tpu.memory_space<vmem>> -> memref<16384xf32, #tpu.memory_space<vmem>>
      %dma_wait3A_207 = tpu.memref_slice %arg2[%multiple_of3A_189] : memref<51200000xf32, #tpu.memory_space<hbm>> -> memref<16384xf32, #tpu.memory_space<hbm>>
      %dma_wait3A_208 = arith.constant 16384 : i32
      %dma_wait3A_209 = tpu.memref_slice %arg7[%dma_wait3A_208] : memref<32768xf32, #tpu.memory_space<vmem>> -> memref<16384xf32, #tpu.memory_space<vmem>>
      %dma_wait3A_210 = tpu.memref_slice %arg2[%multiple_of3A_189] : memref<51200000xf32, #tpu.memory_space<hbm>> -> memref<16384xf32, #tpu.memory_space<hbm>>
      tpu.wait_dma2 semaphore(%run_scoped3A : memref<!tpu.dma_semaphore, #tpu.memory_space<semaphore_mem>>) src(%dma_wait3A_210 : memref<16384xf32, #tpu.memory_space<hbm>>) dst(%dma_wait3A_209 : memref<16384xf32, #tpu.memory_space<vmem>>)
      tpu.yield
    }) : () -> ()
    %multiple_of3A_190 = tpu.assume_multiple %multiple_of3A_159, 128 : i32
    "tpu.region"() ({
      %run_scoped3A = tpu.sem_alloc : memref<!tpu.dma_semaphore, #tpu.memory_space<semaphore_mem>>
      %dma_start3A = arith.constant 0 : i32
      %dma_start3A_201 = tpu.memref_slice %arg8[%dma_start3A] : memref<2064xi32, #tpu.memory_space<vmem>> -> memref<2048xi32, #tpu.memory_space<vmem>>
      %dma_start3A_202 = tpu.memref_slice %arg3[%multiple_of3A_190] : memref<3200000xi32, #tpu.memory_space<hbm>> -> memref<2048xi32, #tpu.memory_space<hbm>>
      %dma_start3A_203 = arith.constant 0 : i32
      %dma_start3A_204 = tpu.memref_slice %arg8[%dma_start3A_203] : memref<2064xi32, #tpu.memory_space<vmem>> -> memref<2048xi32, #tpu.memory_space<vmem>>
      %dma_start3A_205 = tpu.memref_slice %arg3[%multiple_of3A_190] : memref<3200000xi32, #tpu.memory_space<hbm>> -> memref<2048xi32, #tpu.memory_space<hbm>>
      tpu.enqueue_dma source(%dma_start3A_205 : memref<2048xi32, #tpu.memory_space<hbm>>) target(%dma_start3A_204 : memref<2048xi32, #tpu.memory_space<vmem>>) target_semaphore(%run_scoped3A : memref<!tpu.dma_semaphore, #tpu.memory_space<semaphore_mem>>)
      %dma_wait3A = arith.constant 0 : i32
      %dma_wait3A_206 = tpu.memref_slice %arg8[%dma_wait3A] : memref<2064xi32, #tpu.memory_space<vmem>> -> memref<2048xi32, #tpu.memory_space<vmem>>
      %dma_wait3A_207 = tpu.memref_slice %arg3[%multiple_of3A_190] : memref<3200000xi32, #tpu.memory_space<hbm>> -> memref<2048xi32, #tpu.memory_space<hbm>>
      %dma_wait3A_208 = arith.constant 0 : i32
      %dma_wait3A_209 = tpu.memref_slice %arg8[%dma_wait3A_208] : memref<2064xi32, #tpu.memory_space<vmem>> -> memref<2048xi32, #tpu.memory_space<vmem>>
      %dma_wait3A_210 = tpu.memref_slice %arg3[%multiple_of3A_190] : memref<3200000xi32, #tpu.memory_space<hbm>> -> memref<2048xi32, #tpu.memory_space<hbm>>
      tpu.wait_dma2 semaphore(%run_scoped3A : memref<!tpu.dma_semaphore, #tpu.memory_space<semaphore_mem>>) src(%dma_wait3A_210 : memref<2048xi32, #tpu.memory_space<hbm>>) dst(%dma_wait3A_209 : memref<2048xi32, #tpu.memory_space<vmem>>)
      tpu.yield
    }) : () -> ()
    %add3A_191 = arith.constant 2048 : i32
    %add3A_192 = arith.addi %multiple_of3A_159, %add3A_191 : i32
    %min3A_193 = arith.constant 3199984 : i32
    %min3A_194 = arith.minsi %add3A_192, %min3A_193 : i32
    %multiple_of3A_195 = tpu.assume_multiple %min3A_194, 16 : i32
    "tpu.region"() ({
      %run_scoped3A = tpu.sem_alloc : memref<!tpu.dma_semaphore, #tpu.memory_space<semaphore_mem>>
      %dma_start3A = arith.constant 2048 : i32
      %dma_start3A_201 = tpu.memref_slice %arg8[%dma_start3A] : memref<2064xi32, #tpu.memory_space<vmem>> -> memref<16xi32, #tpu.memory_space<vmem>>
      %dma_start3A_202 = tpu.memref_slice %arg3[%multiple_of3A_195] : memref<3200000xi32, #tpu.memory_space<hbm>> -> memref<16xi32, #tpu.memory_space<hbm>>
      %dma_start3A_203 = arith.constant 2048 : i32
      %dma_start3A_204 = tpu.memref_slice %arg8[%dma_start3A_203] : memref<2064xi32, #tpu.memory_space<vmem>> -> memref<16xi32, #tpu.memory_space<vmem>>
      %dma_start3A_205 = tpu.memref_slice %arg3[%multiple_of3A_195] : memref<3200000xi32, #tpu.memory_space<hbm>> -> memref<16xi32, #tpu.memory_space<hbm>>
      tpu.enqueue_dma source(%dma_start3A_205 : memref<16xi32, #tpu.memory_space<hbm>>) target(%dma_start3A_204 : memref<16xi32, #tpu.memory_space<vmem>>) target_semaphore(%run_scoped3A : memref<!tpu.dma_semaphore, #tpu.memory_space<semaphore_mem>>)
      %dma_wait3A = arith.constant 2048 : i32
      %dma_wait3A_206 = tpu.memref_slice %arg8[%dma_wait3A] : memref<2064xi32, #tpu.memory_space<vmem>> -> memref<16xi32, #tpu.memory_space<vmem>>
      %dma_wait3A_207 = tpu.memref_slice %arg3[%multiple_of3A_195] : memref<3200000xi32, #tpu.memory_space<hbm>> -> memref<16xi32, #tpu.memory_space<hbm>>
      %dma_wait3A_208 = arith.constant 2048 : i32
      %dma_wait3A_209 = tpu.memref_slice %arg8[%dma_wait3A_208] : memref<2064xi32, #tpu.memory_space<vmem>> -> memref<16xi32, #tpu.memory_space<vmem>>
      %dma_wait3A_210 = tpu.memref_slice %arg3[%multiple_of3A_195] : memref<3200000xi32, #tpu.memory_space<hbm>> -> memref<16xi32, #tpu.memory_space<hbm>>
      tpu.wait_dma2 semaphore(%run_scoped3A : memref<!tpu.dma_semaphore, #tpu.memory_space<semaphore_mem>>) src(%dma_wait3A_210 : memref<16xi32, #tpu.memory_space<hbm>>) dst(%dma_wait3A_209 : memref<16xi32, #tpu.memory_space<vmem>>)
      tpu.yield
    }) : () -> ()
    %while3A = arith.constant 0 : i32
    %while3A_196 = arith.constant 0 : i32
    %while3A_197:8 = scf.while (%while3A_201 = %mul3A_2, %while3A_202 = %multiple_of3A_159, %while3A_203 = %broadcast_in_dim3A_141, %while3A_204 = %broadcast_in_dim3A_141, %while3A_205 = %broadcast_in_dim3A_141, %while3A_206 = %select_n3A_92, %while3A_207 = %while3A, %while3A_208 = %while3A_196) : (i32, i32, vector<16xf32>, vector<16xf32>, vector<16xf32>, i32, i32, i32) -> (i32, i32, vector<16xf32>, vector<16xf32>, vector<16xf32>, i32, i32, i32) {
      %eq3A_209 = arith.constant 0 : i32
      %eq3A_210 = arith.cmpi eq, %while3A_208, %eq3A_209 : i32
      %lt3A_211 = arith.constant 3200000 : i32
      %lt3A_212 = arith.cmpi slt, %while3A_201, %lt3A_211 : i32
      %and3A_213 = arith.andi %eq3A_210, %lt3A_212 : i1
      scf.condition(%and3A_213) %while3A_201, %while3A_202, %while3A_203, %while3A_204, %while3A_205, %while3A_206, %while3A_207, %while3A_208 : i32, i32, vector<16xf32>, vector<16xf32>, vector<16xf32>, i32, i32, i32
    } do {
    ^bb0(%while3A_201: i32, %while3A_202: i32, %while3A_203: vector<16xf32>, %while3A_204: vector<16xf32>, %while3A_205: vector<16xf32>, %while3A_206: i32, %while3A_207: i32, %while3A_208: i32):
      %add3A_209 = arith.constant 2048 : i32
      %add3A_210 = arith.addi %while3A_202, %add3A_209 : i32
      %ge3A = arith.cmpi sge, %while3A_201, %add3A_210 : i32
      %add3A_211 = arith.constant 2048 : i32
      %add3A_212 = arith.addi %while3A_202, %add3A_211 : i32
      %min3A_213 = arith.constant 3197952 : i32
      %min3A_214 = arith.minsi %add3A_212, %min3A_213 : i32
      %select_n3A_215 = arith.select %ge3A, %min3A_214, %while3A_202 : i32
      %convert_element_type3A_216 = arith.extui %ge3A : i1 to i32
      %cond3A_217 = arith.constant 0 : i32
      %cond3A_218 = arith.cmpi ne, %convert_element_type3A_216, %cond3A_217 : i32
      scf.if %cond3A_218 {
        %jit3A_701 = arith.constant 128 : i32
        %div3A_702 = arith.divsi %select_n3A_215, %jit3A_701 : i32
        %sign3A_703 = arith.constant 0 : i32
        %sign3A_704 = arith.cmpi sgt, %select_n3A_215, %sign3A_703 : i32
        %sign3A_705 = arith.extui %sign3A_704 : i1 to i32
        %sign3A_706 = arith.constant 0 : i32
        %sign3A_707 = arith.cmpi slt, %select_n3A_215, %sign3A_706 : i32
        %sign3A_708 = arith.extui %sign3A_707 : i1 to i32
        %sign3A_709 = arith.subi %sign3A_705, %sign3A_708 : i32
        %sign3A_710 = arith.constant 0 : i32
        %sign3A_711 = arith.cmpi sgt, %jit3A_701, %sign3A_710 : i32
        %sign3A_712 = arith.extui %sign3A_711 : i1 to i32
        %sign3A_713 = arith.constant 0 : i32
        %sign3A_714 = arith.cmpi slt, %jit3A_701, %sign3A_713 : i32
        %sign3A_715 = arith.extui %sign3A_714 : i1 to i32
        %sign3A_716 = arith.subi %sign3A_712, %sign3A_715 : i32
        %ne3A_717 = arith.cmpi ne, %sign3A_709, %sign3A_716 : i32
        %rem3A_718 = arith.remsi %select_n3A_215, %jit3A_701 : i32
        %ne3A_719 = arith.constant 0 : i32
        %ne3A_720 = arith.cmpi ne, %rem3A_718, %ne3A_719 : i32
        %and3A_721 = arith.andi %ne3A_717, %ne3A_720 : i1
        %sub3A_722 = arith.constant 1 : i32
        %sub3A_723 = arith.subi %div3A_702, %sub3A_722 : i32
        %select_n3A_724 = arith.select %and3A_721, %sub3A_723, %div3A_702 : i32
        %mul3A_725 = arith.constant 1024 : i32
        %mul3A_726 = arith.muli %select_n3A_724, %mul3A_725 : i32
        %multiple_of3A_727 = tpu.assume_multiple %mul3A_726, 1024 : i32
        "tpu.region"() ({
          %run_scoped3A = tpu.sem_alloc : memref<!tpu.dma_semaphore, #tpu.memory_space<semaphore_mem>>
          %dma_start3A = arith.constant 0 : i32
          %dma_start3A_737 = tpu.memref_slice %arg7[%dma_start3A] : memref<32768xf32, #tpu.memory_space<vmem>> -> memref<16384xf32, #tpu.memory_space<vmem>>
          %dma_start3A_738 = tpu.memref_slice %arg2[%multiple_of3A_727] : memref<51200000xf32, #tpu.memory_space<hbm>> -> memref<16384xf32, #tpu.memory_space<hbm>>
          %dma_start3A_739 = arith.constant 0 : i32
          %dma_start3A_740 = tpu.memref_slice %arg7[%dma_start3A_739] : memref<32768xf32, #tpu.memory_space<vmem>> -> memref<16384xf32, #tpu.memory_space<vmem>>
          %dma_start3A_741 = tpu.memref_slice %arg2[%multiple_of3A_727] : memref<51200000xf32, #tpu.memory_space<hbm>> -> memref<16384xf32, #tpu.memory_space<hbm>>
          tpu.enqueue_dma source(%dma_start3A_741 : memref<16384xf32, #tpu.memory_space<hbm>>) target(%dma_start3A_740 : memref<16384xf32, #tpu.memory_space<vmem>>) target_semaphore(%run_scoped3A : memref<!tpu.dma_semaphore, #tpu.memory_space<semaphore_mem>>)
          %dma_wait3A = arith.constant 0 : i32
          %dma_wait3A_742 = tpu.memref_slice %arg7[%dma_wait3A] : memref<32768xf32, #tpu.memory_space<vmem>> -> memref<16384xf32, #tpu.memory_space<vmem>>
          %dma_wait3A_743 = tpu.memref_slice %arg2[%multiple_of3A_727] : memref<51200000xf32, #tpu.memory_space<hbm>> -> memref<16384xf32, #tpu.memory_space<hbm>>
          %dma_wait3A_744 = arith.constant 0 : i32
          %dma_wait3A_745 = tpu.memref_slice %arg7[%dma_wait3A_744] : memref<32768xf32, #tpu.memory_space<vmem>> -> memref<16384xf32, #tpu.memory_space<vmem>>
          %dma_wait3A_746 = tpu.memref_slice %arg2[%multiple_of3A_727] : memref<51200000xf32, #tpu.memory_space<hbm>> -> memref<16384xf32, #tpu.memory_space<hbm>>
          tpu.wait_dma2 semaphore(%run_scoped3A : memref<!tpu.dma_semaphore, #tpu.memory_space<semaphore_mem>>) src(%dma_wait3A_746 : memref<16384xf32, #tpu.memory_space<hbm>>) dst(%dma_wait3A_745 : memref<16384xf32, #tpu.memory_space<vmem>>)
          tpu.yield
        }) : () -> ()
        %add3A_728 = arith.constant 25600000 : i32
        %add3A_729 = arith.addi %add3A_728, %multiple_of3A_727 : i32
        %multiple_of3A_730 = tpu.assume_multiple %add3A_729, 1024 : i32
        "tpu.region"() ({
          %run_scoped3A = tpu.sem_alloc : memref<!tpu.dma_semaphore, #tpu.memory_space<semaphore_mem>>
          %dma_start3A = arith.constant 16384 : i32
          %dma_start3A_737 = tpu.memref_slice %arg7[%dma_start3A] : memref<32768xf32, #tpu.memory_space<vmem>> -> memref<16384xf32, #tpu.memory_space<vmem>>
          %dma_start3A_738 = tpu.memref_slice %arg2[%multiple_of3A_730] : memref<51200000xf32, #tpu.memory_space<hbm>> -> memref<16384xf32, #tpu.memory_space<hbm>>
          %dma_start3A_739 = arith.constant 16384 : i32
          %dma_start3A_740 = tpu.memref_slice %arg7[%dma_start3A_739] : memref<32768xf32, #tpu.memory_space<vmem>> -> memref<16384xf32, #tpu.memory_space<vmem>>
          %dma_start3A_741 = tpu.memref_slice %arg2[%multiple_of3A_730] : memref<51200000xf32, #tpu.memory_space<hbm>> -> memref<16384xf32, #tpu.memory_space<hbm>>
          tpu.enqueue_dma source(%dma_start3A_741 : memref<16384xf32, #tpu.memory_space<hbm>>) target(%dma_start3A_740 : memref<16384xf32, #tpu.memory_space<vmem>>) target_semaphore(%run_scoped3A : memref<!tpu.dma_semaphore, #tpu.memory_space<semaphore_mem>>)
          %dma_wait3A = arith.constant 16384 : i32
          %dma_wait3A_742 = tpu.memref_slice %arg7[%dma_wait3A] : memref<32768xf32, #tpu.memory_space<vmem>> -> memref<16384xf32, #tpu.memory_space<vmem>>
          %dma_wait3A_743 = tpu.memref_slice %arg2[%multiple_of3A_730] : memref<51200000xf32, #tpu.memory_space<hbm>> -> memref<16384xf32, #tpu.memory_space<hbm>>
          %dma_wait3A_744 = arith.constant 16384 : i32
          %dma_wait3A_745 = tpu.memref_slice %arg7[%dma_wait3A_744] : memref<32768xf32, #tpu.memory_space<vmem>> -> memref<16384xf32, #tpu.memory_space<vmem>>
          %dma_wait3A_746 = tpu.memref_slice %arg2[%multiple_of3A_730] : memref<51200000xf32, #tpu.memory_space<hbm>> -> memref<16384xf32, #tpu.memory_space<hbm>>
          tpu.wait_dma2 semaphore(%run_scoped3A : memref<!tpu.dma_semaphore, #tpu.memory_space<semaphore_mem>>) src(%dma_wait3A_746 : memref<16384xf32, #tpu.memory_space<hbm>>) dst(%dma_wait3A_745 : memref<16384xf32, #tpu.memory_space<vmem>>)
          tpu.yield
        }) : () -> ()
        %multiple_of3A_731 = tpu.assume_multiple %select_n3A_215, 128 : i32
        "tpu.region"() ({
          %run_scoped3A = tpu.sem_alloc : memref<!tpu.dma_semaphore, #tpu.memory_space<semaphore_mem>>
          %dma_start3A = arith.constant 0 : i32
          %dma_start3A_737 = tpu.memref_slice %arg8[%dma_start3A] : memref<2064xi32, #tpu.memory_space<vmem>> -> memref<2048xi32, #tpu.memory_space<vmem>>
          %dma_start3A_738 = tpu.memref_slice %arg3[%multiple_of3A_731] : memref<3200000xi32, #tpu.memory_space<hbm>> -> memref<2048xi32, #tpu.memory_space<hbm>>
          %dma_start3A_739 = arith.constant 0 : i32
          %dma_start3A_740 = tpu.memref_slice %arg8[%dma_start3A_739] : memref<2064xi32, #tpu.memory_space<vmem>> -> memref<2048xi32, #tpu.memory_space<vmem>>
          %dma_start3A_741 = tpu.memref_slice %arg3[%multiple_of3A_731] : memref<3200000xi32, #tpu.memory_space<hbm>> -> memref<2048xi32, #tpu.memory_space<hbm>>
          tpu.enqueue_dma source(%dma_start3A_741 : memref<2048xi32, #tpu.memory_space<hbm>>) target(%dma_start3A_740 : memref<2048xi32, #tpu.memory_space<vmem>>) target_semaphore(%run_scoped3A : memref<!tpu.dma_semaphore, #tpu.memory_space<semaphore_mem>>)
          %dma_wait3A = arith.constant 0 : i32
          %dma_wait3A_742 = tpu.memref_slice %arg8[%dma_wait3A] : memref<2064xi32, #tpu.memory_space<vmem>> -> memref<2048xi32, #tpu.memory_space<vmem>>
          %dma_wait3A_743 = tpu.memref_slice %arg3[%multiple_of3A_731] : memref<3200000xi32, #tpu.memory_space<hbm>> -> memref<2048xi32, #tpu.memory_space<hbm>>
          %dma_wait3A_744 = arith.constant 0 : i32
          %dma_wait3A_745 = tpu.memref_slice %arg8[%dma_wait3A_744] : memref<2064xi32, #tpu.memory_space<vmem>> -> memref<2048xi32, #tpu.memory_space<vmem>>
          %dma_wait3A_746 = tpu.memref_slice %arg3[%multiple_of3A_731] : memref<3200000xi32, #tpu.memory_space<hbm>> -> memref<2048xi32, #tpu.memory_space<hbm>>
          tpu.wait_dma2 semaphore(%run_scoped3A : memref<!tpu.dma_semaphore, #tpu.memory_space<semaphore_mem>>) src(%dma_wait3A_746 : memref<2048xi32, #tpu.memory_space<hbm>>) dst(%dma_wait3A_745 : memref<2048xi32, #tpu.memory_space<vmem>>)
          tpu.yield
        }) : () -> ()
        %add3A_732 = arith.constant 2048 : i32
        %add3A_733 = arith.addi %select_n3A_215, %add3A_732 : i32
        %min3A_734 = arith.constant 3199984 : i32
        %min3A_735 = arith.minsi %add3A_733, %min3A_734 : i32
        %multiple_of3A_736 = tpu.assume_multiple %min3A_735, 16 : i32
        "tpu.region"() ({
          %run_scoped3A = tpu.sem_alloc : memref<!tpu.dma_semaphore, #tpu.memory_space<semaphore_mem>>
          %dma_start3A = arith.constant 2048 : i32
          %dma_start3A_737 = tpu.memref_slice %arg8[%dma_start3A] : memref<2064xi32, #tpu.memory_space<vmem>> -> memref<16xi32, #tpu.memory_space<vmem>>
          %dma_start3A_738 = tpu.memref_slice %arg3[%multiple_of3A_736] : memref<3200000xi32, #tpu.memory_space<hbm>> -> memref<16xi32, #tpu.memory_space<hbm>>
          %dma_start3A_739 = arith.constant 2048 : i32
          %dma_start3A_740 = tpu.memref_slice %arg8[%dma_start3A_739] : memref<2064xi32, #tpu.memory_space<vmem>> -> memref<16xi32, #tpu.memory_space<vmem>>
          %dma_start3A_741 = tpu.memref_slice %arg3[%multiple_of3A_736] : memref<3200000xi32, #tpu.memory_space<hbm>> -> memref<16xi32, #tpu.memory_space<hbm>>
          tpu.enqueue_dma source(%dma_start3A_741 : memref<16xi32, #tpu.memory_space<hbm>>) target(%dma_start3A_740 : memref<16xi32, #tpu.memory_space<vmem>>) target_semaphore(%run_scoped3A : memref<!tpu.dma_semaphore, #tpu.memory_space<semaphore_mem>>)
          %dma_wait3A = arith.constant 2048 : i32
          %dma_wait3A_742 = tpu.memref_slice %arg8[%dma_wait3A] : memref<2064xi32, #tpu.memory_space<vmem>> -> memref<16xi32, #tpu.memory_space<vmem>>
          %dma_wait3A_743 = tpu.memref_slice %arg3[%multiple_of3A_736] : memref<3200000xi32, #tpu.memory_space<hbm>> -> memref<16xi32, #tpu.memory_space<hbm>>
          %dma_wait3A_744 = arith.constant 2048 : i32
          %dma_wait3A_745 = tpu.memref_slice %arg8[%dma_wait3A_744] : memref<2064xi32, #tpu.memory_space<vmem>> -> memref<16xi32, #tpu.memory_space<vmem>>
          %dma_wait3A_746 = tpu.memref_slice %arg3[%multiple_of3A_736] : memref<3200000xi32, #tpu.memory_space<hbm>> -> memref<16xi32, #tpu.memory_space<hbm>>
          tpu.wait_dma2 semaphore(%run_scoped3A : memref<!tpu.dma_semaphore, #tpu.memory_space<semaphore_mem>>) src(%dma_wait3A_746 : memref<16xi32, #tpu.memory_space<hbm>>) dst(%dma_wait3A_745 : memref<16xi32, #tpu.memory_space<vmem>>)
          tpu.yield
        }) : () -> ()
      } else {
      }
      %sub3A_219 = arith.subi %while3A_201, %select_n3A_215 : i32
      %multiple_of3A_220 = tpu.assume_multiple %sub3A_219, 16 : i32
      %get3A_221 = arith.index_cast %multiple_of3A_220 : i32 to index
      %get3A_222 = tpu.vector_load %arg8[%get3A_221] {strides = array<i32>} : memref<2064xi32, #tpu.memory_space<vmem>>, vector<16xi32>,
      %add3A_223 = arith.constant 16 : i32
      %add3A_224 = arith.addi %sub3A_219, %add3A_223 : i32
      %multiple_of3A_225 = tpu.assume_multiple %add3A_224, 16 : i32
      %get3A_226 = arith.index_cast %multiple_of3A_225 : i32 to index
      %get3A_227 = tpu.vector_load %arg8[%get3A_226] {strides = array<i32>} : memref<2064xi32, #tpu.memory_space<vmem>>, vector<16xi32>,
      %broadcast_in_dim3A_228 = vector.shape_cast %min3A_10 : vector<16xi32> to vector<16x1xi32>
      %gather3A_229 = vector.shape_cast %broadcast_in_dim3A_228 : vector<16x1xi32> to vector<16xi32>
      %gather3A_230 = tpu.dynamic_gather %get3A_222[%gather3A_229] in [0] : vector<16xi32>, vector<16xi32> -> vector<16xi32>
      %eq3A_231 = arith.constant 15 : i32
      %eq3A_232 = vector.broadcast %eq3A_231 : i32 to vector<16xi32>
      %eq3A_233 = arith.cmpi eq, %iota3A, %eq3A_232 : vector<16xi32>
      %broadcast_in_dim3A_234 = arith.constant 0 : i32
      %broadcast_in_dim3A_235 = vector.broadcast %broadcast_in_dim3A_234 : i32 to vector<16xi32>
      %broadcast_in_dim3A_236 = vector.shape_cast %broadcast_in_dim3A_235 : vector<16xi32> to vector<16x1xi32>
      %gather3A_237 = vector.shape_cast %broadcast_in_dim3A_236 : vector<16x1xi32> to vector<16xi32>
      %gather3A_238 = tpu.dynamic_gather %get3A_227[%gather3A_237] in [0] : vector<16xi32>, vector<16xi32> -> vector<16xi32>
      %select_n3A_239 = arith.select %eq3A_233, %gather3A_238, %gather3A_230 : vector<16xi1>, vector<16xi32>
      %ne3A_240 = arith.cmpi ne, %get3A_222, %select_n3A_239 : vector<16xi32>
      %add3A_241 = vector.broadcast %while3A_201 : i32 to vector<16xi32>
      %add3A_242 = arith.addi %add3A_241, %iota3A : vector<16xi32>
      %eq3A_243 = arith.constant 3199999 : i32
      %eq3A_244 = vector.broadcast %eq3A_243 : i32 to vector<16xi32>
      %eq3A_245 = arith.cmpi eq, %add3A_242, %eq3A_244 : vector<16xi32>
      %or3A = arith.ori %ne3A_240, %eq3A_245 : vector<16xi1>
      %jit3A_246 = arith.constant 128 : i32
      %div3A_247 = arith.divsi %sub3A_219, %jit3A_246 : i32
      %sign3A_248 = arith.constant 0 : i32
      %sign3A_249 = arith.cmpi sgt, %sub3A_219, %sign3A_248 : i32
      %sign3A_250 = arith.extui %sign3A_249 : i1 to i32
      %sign3A_251 = arith.constant 0 : i32
      %sign3A_252 = arith.cmpi slt, %sub3A_219, %sign3A_251 : i32
      %sign3A_253 = arith.extui %sign3A_252 : i1 to i32
      %sign3A_254 = arith.subi %sign3A_250, %sign3A_253 : i32
      %sign3A_255 = arith.constant 0 : i32
      %sign3A_256 = arith.cmpi sgt, %jit3A_246, %sign3A_255 : i32
      %sign3A_257 = arith.extui %sign3A_256 : i1 to i32
      %sign3A_258 = arith.constant 0 : i32
      %sign3A_259 = arith.cmpi slt, %jit3A_246, %sign3A_258 : i32
      %sign3A_260 = arith.extui %sign3A_259 : i1 to i32
      %sign3A_261 = arith.subi %sign3A_257, %sign3A_260 : i32
      %ne3A_262 = arith.cmpi ne, %sign3A_254, %sign3A_261 : i32
      %rem3A_263 = arith.remsi %sub3A_219, %jit3A_246 : i32
      %ne3A_264 = arith.constant 0 : i32
      %ne3A_265 = arith.cmpi ne, %rem3A_263, %ne3A_264 : i32
      %and3A_266 = arith.andi %ne3A_262, %ne3A_265 : i1
      %sub3A_267 = arith.constant 1 : i32
      %sub3A_268 = arith.subi %div3A_247, %sub3A_267 : i32
      %select_n3A_269 = arith.select %and3A_266, %sub3A_268, %div3A_247 : i32
      %mul3A_270 = arith.constant 896 : i32
      %mul3A_271 = arith.muli %select_n3A_269, %mul3A_270 : i32
      %add3A_272 = arith.addi %sub3A_219, %mul3A_271 : i32
      %add3A_273 = arith.constant 0 : i32
      %add3A_274 = arith.addi %add3A_273, %add3A_272 : i32
      %multiple_of3A_275 = tpu.assume_multiple %add3A_274, 16 : i32
      %get3A_276 = arith.index_cast %multiple_of3A_275 : i32 to index
      %get3A_277 = tpu.vector_load %arg7[%get3A_276] {strides = array<i32>} : memref<32768xf32, #tpu.memory_space<vmem>>, vector<16xf32>,
      %add3A_278 = arith.constant 128 : i32
      %add3A_279 = arith.addi %add3A_278, %add3A_272 : i32
      %multiple_of3A_280 = tpu.assume_multiple %add3A_279, 16 : i32
      %get3A_281 = arith.index_cast %multiple_of3A_280 : i32 to index
      %get3A_282 = tpu.vector_load %arg7[%get3A_281] {strides = array<i32>} : memref<32768xf32, #tpu.memory_space<vmem>>, vector<16xf32>,
      %add3A_283 = arith.constant 256 : i32
      %add3A_284 = arith.addi %add3A_283, %add3A_272 : i32
      %multiple_of3A_285 = tpu.assume_multiple %add3A_284, 16 : i32
      %get3A_286 = arith.index_cast %multiple_of3A_285 : i32 to index
      %get3A_287 = tpu.vector_load %arg7[%get3A_286] {strides = array<i32>} : memref<32768xf32, #tpu.memory_space<vmem>>, vector<16xf32>,
      %add3A_288 = arith.constant 384 : i32
      %add3A_289 = arith.addi %add3A_288, %add3A_272 : i32
      %multiple_of3A_290 = tpu.assume_multiple %add3A_289, 16 : i32
      %get3A_291 = arith.index_cast %multiple_of3A_290 : i32 to index
      %get3A_292 = tpu.vector_load %arg7[%get3A_291] {strides = array<i32>} : memref<32768xf32, #tpu.memory_space<vmem>>, vector<16xf32>,
      %add3A_293 = arith.constant 512 : i32
      %add3A_294 = arith.addi %add3A_293, %add3A_272 : i32
      %multiple_of3A_295 = tpu.assume_multiple %add3A_294, 16 : i32
      %get3A_296 = arith.index_cast %multiple_of3A_295 : i32 to index
      %get3A_297 = tpu.vector_load %arg7[%get3A_296] {strides = array<i32>} : memref<32768xf32, #tpu.memory_space<vmem>>, vector<16xf32>,
      %add3A_298 = arith.constant 640 : i32
      %add3A_299 = arith.addi %add3A_298, %add3A_272 : i32
      %multiple_of3A_300 = tpu.assume_multiple %add3A_299, 16 : i32
      %get3A_301 = arith.index_cast %multiple_of3A_300 : i32 to index
      %get3A_302 = tpu.vector_load %arg7[%get3A_301] {strides = array<i32>} : memref<32768xf32, #tpu.memory_space<vmem>>, vector<16xf32>,
      %add3A_303 = arith.constant 768 : i32
      %add3A_304 = arith.addi %add3A_303, %add3A_272 : i32
      %multiple_of3A_305 = tpu.assume_multiple %add3A_304, 16 : i32
      %get3A_306 = arith.index_cast %multiple_of3A_305 : i32 to index
      %get3A_307 = tpu.vector_load %arg7[%get3A_306] {strides = array<i32>} : memref<32768xf32, #tpu.memory_space<vmem>>, vector<16xf32>,
      %add3A_308 = arith.constant 896 : i32
      %add3A_309 = arith.addi %add3A_308, %add3A_272 : i32
      %multiple_of3A_310 = tpu.assume_multiple %add3A_309, 16 : i32
      %get3A_311 = arith.index_cast %multiple_of3A_310 : i32 to index
      %get3A_312 = tpu.vector_load %arg7[%get3A_311] {strides = array<i32>} : memref<32768xf32, #tpu.memory_space<vmem>>, vector<16xf32>,
      %add3A_313 = arith.constant 16384 : i32
      %add3A_314 = arith.addi %add3A_313, %add3A_272 : i32
      %multiple_of3A_315 = tpu.assume_multiple %add3A_314, 16 : i32
      %get3A_316 = arith.index_cast %multiple_of3A_315 : i32 to index
      %get3A_317 = tpu.vector_load %arg7[%get3A_316] {strides = array<i32>} : memref<32768xf32, #tpu.memory_space<vmem>>, vector<16xf32>,
      %add3A_318 = arith.constant 16512 : i32
      %add3A_319 = arith.addi %add3A_318, %add3A_272 : i32
      %multiple_of3A_320 = tpu.assume_multiple %add3A_319, 16 : i32
      %get3A_321 = arith.index_cast %multiple_of3A_320 : i32 to index
      %get3A_322 = tpu.vector_load %arg7[%get3A_321] {strides = array<i32>} : memref<32768xf32, #tpu.memory_space<vmem>>, vector<16xf32>,
      %add3A_323 = arith.constant 16640 : i32
      %add3A_324 = arith.addi %add3A_323, %add3A_272 : i32
      %multiple_of3A_325 = tpu.assume_multiple %add3A_324, 16 : i32
      %get3A_326 = arith.index_cast %multiple_of3A_325 : i32 to index
      %get3A_327 = tpu.vector_load %arg7[%get3A_326] {strides = array<i32>} : memref<32768xf32, #tpu.memory_space<vmem>>, vector<16xf32>,
      %add3A_328 = arith.constant 16768 : i32
      %add3A_329 = arith.addi %add3A_328, %add3A_272 : i32
      %multiple_of3A_330 = tpu.assume_multiple %add3A_329, 16 : i32
      %get3A_331 = arith.index_cast %multiple_of3A_330 : i32 to index
      %get3A_332 = tpu.vector_load %arg7[%get3A_331] {strides = array<i32>} : memref<32768xf32, #tpu.memory_space<vmem>>, vector<16xf32>,
      %add3A_333 = arith.constant 16896 : i32
      %add3A_334 = arith.addi %add3A_333, %add3A_272 : i32
      %multiple_of3A_335 = tpu.assume_multiple %add3A_334, 16 : i32
      %get3A_336 = arith.index_cast %multiple_of3A_335 : i32 to index
      %get3A_337 = tpu.vector_load %arg7[%get3A_336] {strides = array<i32>} : memref<32768xf32, #tpu.memory_space<vmem>>, vector<16xf32>,
      %add3A_338 = arith.constant 17024 : i32
      %add3A_339 = arith.addi %add3A_338, %add3A_272 : i32
      %multiple_of3A_340 = tpu.assume_multiple %add3A_339, 16 : i32
      %get3A_341 = arith.index_cast %multiple_of3A_340 : i32 to index
      %get3A_342 = tpu.vector_load %arg7[%get3A_341] {strides = array<i32>} : memref<32768xf32, #tpu.memory_space<vmem>>, vector<16xf32>,
      %add3A_343 = arith.constant 17152 : i32
      %add3A_344 = arith.addi %add3A_343, %add3A_272 : i32
      %multiple_of3A_345 = tpu.assume_multiple %add3A_344, 16 : i32
      %get3A_346 = arith.index_cast %multiple_of3A_345 : i32 to index
      %get3A_347 = tpu.vector_load %arg7[%get3A_346] {strides = array<i32>} : memref<32768xf32, #tpu.memory_space<vmem>>, vector<16xf32>,
      %add3A_348 = arith.constant 17280 : i32
      %add3A_349 = arith.addi %add3A_348, %add3A_272 : i32
      %multiple_of3A_350 = tpu.assume_multiple %add3A_349, 16 : i32
      %get3A_351 = arith.index_cast %multiple_of3A_350 : i32 to index
      %get3A_352 = tpu.vector_load %arg7[%get3A_351] {strides = array<i32>} : memref<32768xf32, #tpu.memory_space<vmem>>, vector<16xf32>,
      %sub3A_353 = arith.constant 1 : i32
      %sub3A_354 = vector.broadcast %sub3A_353 : i32 to vector<16xi32>
      %sub3A_355 = arith.subi %iota3A, %sub3A_354 : vector<16xi32>
      %and3A_356 = arith.constant 15 : i32
      %and3A_357 = vector.broadcast %and3A_356 : i32 to vector<16xi32>
      %and3A_358 = arith.andi %sub3A_355, %and3A_357 : vector<16xi32>
      %add3A_359 = arith.constant 1 : i32
      %add3A_360 = vector.broadcast %add3A_359 : i32 to vector<16xi32>
      %add3A_361 = arith.addi %iota3A, %add3A_360 : vector<16xi32>
      %and3A_362 = arith.constant 15 : i32
      %and3A_363 = vector.broadcast %and3A_362 : i32 to vector<16xi32>
      %and3A_364 = arith.andi %add3A_361, %and3A_363 : vector<16xi32>
      %and3A_365 = arith.constant 1 : i32
      %and3A_366 = vector.broadcast %and3A_365 : i32 to vector<16xi32>
      %and3A_367 = arith.andi %iota3A, %and3A_366 : vector<16xi32>
      %eq3A_368 = arith.constant 0 : i32
      %eq3A_369 = vector.broadcast %eq3A_368 : i32 to vector<16xi32>
      %eq3A_370 = arith.cmpi eq, %and3A_367, %eq3A_369 : vector<16xi32>
      %broadcast_in_dim3A_371 = vector.shape_cast %and3A_358 : vector<16xi32> to vector<16x1xi32>
      %gather3A_372 = vector.shape_cast %broadcast_in_dim3A_371 : vector<16x1xi32> to vector<16xi32>
      %gather3A_373 = tpu.dynamic_gather %get3A_282[%gather3A_372] in [0] : vector<16xf32>, vector<16xi32> -> vector<16xf32>
      %select_n3A_374 = arith.select %eq3A_370, %get3A_277, %gather3A_373 : vector<16xi1>, vector<16xf32>
      %broadcast_in_dim3A_375 = vector.shape_cast %and3A_364 : vector<16xi32> to vector<16x1xi32>
      %gather3A_376 = vector.shape_cast %broadcast_in_dim3A_375 : vector<16x1xi32> to vector<16xi32>
      %gather3A_377 = tpu.dynamic_gather %get3A_277[%gather3A_376] in [0] : vector<16xf32>, vector<16xi32> -> vector<16xf32>
      %select_n3A_378 = arith.select %eq3A_370, %gather3A_377, %get3A_282 : vector<16xi1>, vector<16xf32>
      %broadcast_in_dim3A_379 = vector.shape_cast %and3A_358 : vector<16xi32> to vector<16x1xi32>
      %gather3A_380 = vector.shape_cast %broadcast_in_dim3A_379 : vector<16x1xi32> to vector<16xi32>
      %gather3A_381 = tpu.dynamic_gather %get3A_292[%gather3A_380] in [0] : vector<16xf32>, vector<16xi32> -> vector<16xf32>
      %select_n3A_382 = arith.select %eq3A_370, %get3A_287, %gather3A_381 : vector<16xi1>, vector<16xf32>
      %broadcast_in_dim3A_383 = vector.shape_cast %and3A_364 : vector<16xi32> to vector<16x1xi32>
      %gather3A_384 = vector.shape_cast %broadcast_in_dim3A_383 : vector<16x1xi32> to vector<16xi32>
      %gather3A_385 = tpu.dynamic_gather %get3A_287[%gather3A_384] in [0] : vector<16xf32>, vector<16xi32> -> vector<16xf32>
      %select_n3A_386 = arith.select %eq3A_370, %gather3A_385, %get3A_292 : vector<16xi1>, vector<16xf32>
      %broadcast_in_dim3A_387 = vector.shape_cast %and3A_358 : vector<16xi32> to vector<16x1xi32>
      %gather3A_388 = vector.shape_cast %broadcast_in_dim3A_387 : vector<16x1xi32> to vector<16xi32>
      %gather3A_389 = tpu.dynamic_gather %get3A_302[%gather3A_388] in [0] : vector<16xf32>, vector<16xi32> -> vector<16xf32>
      %select_n3A_390 = arith.select %eq3A_370, %get3A_297, %gather3A_389 : vector<16xi1>, vector<16xf32>
      %broadcast_in_dim3A_391 = vector.shape_cast %and3A_364 : vector<16xi32> to vector<16x1xi32>
      %gather3A_392 = vector.shape_cast %broadcast_in_dim3A_391 : vector<16x1xi32> to vector<16xi32>
      %gather3A_393 = tpu.dynamic_gather %get3A_297[%gather3A_392] in [0] : vector<16xf32>, vector<16xi32> -> vector<16xf32>
      %select_n3A_394 = arith.select %eq3A_370, %gather3A_393, %get3A_302 : vector<16xi1>, vector<16xf32>
      %broadcast_in_dim3A_395 = vector.shape_cast %and3A_358 : vector<16xi32> to vector<16x1xi32>
      %gather3A_396 = vector.shape_cast %broadcast_in_dim3A_395 : vector<16x1xi32> to vector<16xi32>
      %gather3A_397 = tpu.dynamic_gather %get3A_312[%gather3A_396] in [0] : vector<16xf32>, vector<16xi32> -> vector<16xf32>
      %select_n3A_398 = arith.select %eq3A_370, %get3A_307, %gather3A_397 : vector<16xi1>, vector<16xf32>
      %broadcast_in_dim3A_399 = vector.shape_cast %and3A_364 : vector<16xi32> to vector<16x1xi32>
      %gather3A_400 = vector.shape_cast %broadcast_in_dim3A_399 : vector<16x1xi32> to vector<16xi32>
      %gather3A_401 = tpu.dynamic_gather %get3A_307[%gather3A_400] in [0] : vector<16xf32>, vector<16xi32> -> vector<16xf32>
      %select_n3A_402 = arith.select %eq3A_370, %gather3A_401, %get3A_312 : vector<16xi1>, vector<16xf32>
      %broadcast_in_dim3A_403 = vector.shape_cast %and3A_358 : vector<16xi32> to vector<16x1xi32>
      %gather3A_404 = vector.shape_cast %broadcast_in_dim3A_403 : vector<16x1xi32> to vector<16xi32>
      %gather3A_405 = tpu.dynamic_gather %get3A_322[%gather3A_404] in [0] : vector<16xf32>, vector<16xi32> -> vector<16xf32>
      %select_n3A_406 = arith.select %eq3A_370, %get3A_317, %gather3A_405 : vector<16xi1>, vector<16xf32>
      %broadcast_in_dim3A_407 = vector.shape_cast %and3A_364 : vector<16xi32> to vector<16x1xi32>
      %gather3A_408 = vector.shape_cast %broadcast_in_dim3A_407 : vector<16x1xi32> to vector<16xi32>
      %gather3A_409 = tpu.dynamic_gather %get3A_317[%gather3A_408] in [0] : vector<16xf32>, vector<16xi32> -> vector<16xf32>
      %select_n3A_410 = arith.select %eq3A_370, %gather3A_409, %get3A_322 : vector<16xi1>, vector<16xf32>
      %broadcast_in_dim3A_411 = vector.shape_cast %and3A_358 : vector<16xi32> to vector<16x1xi32>
      %gather3A_412 = vector.shape_cast %broadcast_in_dim3A_411 : vector<16x1xi32> to vector<16xi32>
      %gather3A_413 = tpu.dynamic_gather %get3A_332[%gather3A_412] in [0] : vector<16xf32>, vector<16xi32> -> vector<16xf32>
      %select_n3A_414 = arith.select %eq3A_370, %get3A_327, %gather3A_413 : vector<16xi1>, vector<16xf32>
      %broadcast_in_dim3A_415 = vector.shape_cast %and3A_364 : vector<16xi32> to vector<16x1xi32>
      %gather3A_416 = vector.shape_cast %broadcast_in_dim3A_415 : vector<16x1xi32> to vector<16xi32>
      %gather3A_417 = tpu.dynamic_gather %get3A_327[%gather3A_416] in [0] : vector<16xf32>, vector<16xi32> -> vector<16xf32>
      %select_n3A_418 = arith.select %eq3A_370, %gather3A_417, %get3A_332 : vector<16xi1>, vector<16xf32>
      %broadcast_in_dim3A_419 = vector.shape_cast %and3A_358 : vector<16xi32> to vector<16x1xi32>
      %gather3A_420 = vector.shape_cast %broadcast_in_dim3A_419 : vector<16x1xi32> to vector<16xi32>
      %gather3A_421 = tpu.dynamic_gather %get3A_342[%gather3A_420] in [0] : vector<16xf32>, vector<16xi32> -> vector<16xf32>
      %select_n3A_422 = arith.select %eq3A_370, %get3A_337, %gather3A_421 : vector<16xi1>, vector<16xf32>
      %broadcast_in_dim3A_423 = vector.shape_cast %and3A_364 : vector<16xi32> to vector<16x1xi32>
      %gather3A_424 = vector.shape_cast %broadcast_in_dim3A_423 : vector<16x1xi32> to vector<16xi32>
      %gather3A_425 = tpu.dynamic_gather %get3A_337[%gather3A_424] in [0] : vector<16xf32>, vector<16xi32> -> vector<16xf32>
      %select_n3A_426 = arith.select %eq3A_370, %gather3A_425, %get3A_342 : vector<16xi1>, vector<16xf32>
      %broadcast_in_dim3A_427 = vector.shape_cast %and3A_358 : vector<16xi32> to vector<16x1xi32>
      %gather3A_428 = vector.shape_cast %broadcast_in_dim3A_427 : vector<16x1xi32> to vector<16xi32>
      %gather3A_429 = tpu.dynamic_gather %get3A_352[%gather3A_428] in [0] : vector<16xf32>, vector<16xi32> -> vector<16xf32>
      %select_n3A_430 = arith.select %eq3A_370, %get3A_347, %gather3A_429 : vector<16xi1>, vector<16xf32>
      %broadcast_in_dim3A_431 = vector.shape_cast %and3A_364 : vector<16xi32> to vector<16x1xi32>
      %gather3A_432 = vector.shape_cast %broadcast_in_dim3A_431 : vector<16x1xi32> to vector<16xi32>
      %gather3A_433 = tpu.dynamic_gather %get3A_347[%gather3A_432] in [0] : vector<16xf32>, vector<16xi32> -> vector<16xf32>
      %select_n3A_434 = arith.select %eq3A_370, %gather3A_433, %get3A_352 : vector<16xi1>, vector<16xf32>
      %sub3A_435 = arith.constant 2 : i32
      %sub3A_436 = vector.broadcast %sub3A_435 : i32 to vector<16xi32>
      %sub3A_437 = arith.subi %iota3A, %sub3A_436 : vector<16xi32>
      %and3A_438 = arith.constant 15 : i32
      %and3A_439 = vector.broadcast %and3A_438 : i32 to vector<16xi32>
      %and3A_440 = arith.andi %sub3A_437, %and3A_439 : vector<16xi32>
      %add3A_441 = arith.constant 2 : i32
      %add3A_442 = vector.broadcast %add3A_441 : i32 to vector<16xi32>
      %add3A_443 = arith.addi %iota3A, %add3A_442 : vector<16xi32>
      %and3A_444 = arith.constant 15 : i32
      %and3A_445 = vector.broadcast %and3A_444 : i32 to vector<16xi32>
      %and3A_446 = arith.andi %add3A_443, %and3A_445 : vector<16xi32>
      %and3A_447 = arith.constant 2 : i32
      %and3A_448 = vector.broadcast %and3A_447 : i32 to vector<16xi32>
      %and3A_449 = arith.andi %iota3A, %and3A_448 : vector<16xi32>
      %eq3A_450 = arith.constant 0 : i32
      %eq3A_451 = vector.broadcast %eq3A_450 : i32 to vector<16xi32>
      %eq3A_452 = arith.cmpi eq, %and3A_449, %eq3A_451 : vector<16xi32>
      %broadcast_in_dim3A_453 = vector.shape_cast %and3A_440 : vector<16xi32> to vector<16x1xi32>
      %gather3A_454 = vector.shape_cast %broadcast_in_dim3A_453 : vector<16x1xi32> to vector<16xi32>
      %gather3A_455 = tpu.dynamic_gather %select_n3A_382[%gather3A_454] in [0] : vector<16xf32>, vector<16xi32> -> vector<16xf32>
      %select_n3A_456 = arith.select %eq3A_452, %select_n3A_374, %gather3A_455 : vector<16xi1>, vector<16xf32>
      %broadcast_in_dim3A_457 = vector.shape_cast %and3A_446 : vector<16xi32> to vector<16x1xi32>
      %gather3A_458 = vector.shape_cast %broadcast_in_dim3A_457 : vector<16x1xi32> to vector<16xi32>
      %gather3A_459 = tpu.dynamic_gather %select_n3A_374[%gather3A_458] in [0] : vector<16xf32>, vector<16xi32> -> vector<16xf32>
      %select_n3A_460 = arith.select %eq3A_452, %gather3A_459, %select_n3A_382 : vector<16xi1>, vector<16xf32>
      %broadcast_in_dim3A_461 = vector.shape_cast %and3A_440 : vector<16xi32> to vector<16x1xi32>
      %gather3A_462 = vector.shape_cast %broadcast_in_dim3A_461 : vector<16x1xi32> to vector<16xi32>
      %gather3A_463 = tpu.dynamic_gather %select_n3A_386[%gather3A_462] in [0] : vector<16xf32>, vector<16xi32> -> vector<16xf32>
      %select_n3A_464 = arith.select %eq3A_452, %select_n3A_378, %gather3A_463 : vector<16xi1>, vector<16xf32>
      %broadcast_in_dim3A_465 = vector.shape_cast %and3A_446 : vector<16xi32> to vector<16x1xi32>
      %gather3A_466 = vector.shape_cast %broadcast_in_dim3A_465 : vector<16x1xi32> to vector<16xi32>
      %gather3A_467 = tpu.dynamic_gather %select_n3A_378[%gather3A_466] in [0] : vector<16xf32>, vector<16xi32> -> vector<16xf32>
      %select_n3A_468 = arith.select %eq3A_452, %gather3A_467, %select_n3A_386 : vector<16xi1>, vector<16xf32>
      %broadcast_in_dim3A_469 = vector.shape_cast %and3A_440 : vector<16xi32> to vector<16x1xi32>
      %gather3A_470 = vector.shape_cast %broadcast_in_dim3A_469 : vector<16x1xi32> to vector<16xi32>
      %gather3A_471 = tpu.dynamic_gather %select_n3A_398[%gather3A_470] in [0] : vector<16xf32>, vector<16xi32> -> vector<16xf32>
      %select_n3A_472 = arith.select %eq3A_452, %select_n3A_390, %gather3A_471 : vector<16xi1>, vector<16xf32>
      %broadcast_in_dim3A_473 = vector.shape_cast %and3A_446 : vector<16xi32> to vector<16x1xi32>
      %gather3A_474 = vector.shape_cast %broadcast_in_dim3A_473 : vector<16x1xi32> to vector<16xi32>
      %gather3A_475 = tpu.dynamic_gather %select_n3A_390[%gather3A_474] in [0] : vector<16xf32>, vector<16xi32> -> vector<16xf32>
      %select_n3A_476 = arith.select %eq3A_452, %gather3A_475, %select_n3A_398 : vector<16xi1>, vector<16xf32>
      %broadcast_in_dim3A_477 = vector.shape_cast %and3A_440 : vector<16xi32> to vector<16x1xi32>
      %gather3A_478 = vector.shape_cast %broadcast_in_dim3A_477 : vector<16x1xi32> to vector<16xi32>
      %gather3A_479 = tpu.dynamic_gather %select_n3A_402[%gather3A_478] in [0] : vector<16xf32>, vector<16xi32> -> vector<16xf32>
      %select_n3A_480 = arith.select %eq3A_452, %select_n3A_394, %gather3A_479 : vector<16xi1>, vector<16xf32>
      %broadcast_in_dim3A_481 = vector.shape_cast %and3A_446 : vector<16xi32> to vector<16x1xi32>
      %gather3A_482 = vector.shape_cast %broadcast_in_dim3A_481 : vector<16x1xi32> to vector<16xi32>
      %gather3A_483 = tpu.dynamic_gather %select_n3A_394[%gather3A_482] in [0] : vector<16xf32>, vector<16xi32> -> vector<16xf32>
      %select_n3A_484 = arith.select %eq3A_452, %gather3A_483, %select_n3A_402 : vector<16xi1>, vector<16xf32>
      %broadcast_in_dim3A_485 = vector.shape_cast %and3A_440 : vector<16xi32> to vector<16x1xi32>
      %gather3A_486 = vector.shape_cast %broadcast_in_dim3A_485 : vector<16x1xi32> to vector<16xi32>
      %gather3A_487 = tpu.dynamic_gather %select_n3A_414[%gather3A_486] in [0] : vector<16xf32>, vector<16xi32> -> vector<16xf32>
      %select_n3A_488 = arith.select %eq3A_452, %select_n3A_406, %gather3A_487 : vector<16xi1>, vector<16xf32>
      %broadcast_in_dim3A_489 = vector.shape_cast %and3A_446 : vector<16xi32> to vector<16x1xi32>
      %gather3A_490 = vector.shape_cast %broadcast_in_dim3A_489 : vector<16x1xi32> to vector<16xi32>
      %gather3A_491 = tpu.dynamic_gather %select_n3A_406[%gather3A_490] in [0] : vector<16xf32>, vector<16xi32> -> vector<16xf32>
      %select_n3A_492 = arith.select %eq3A_452, %gather3A_491, %select_n3A_414 : vector<16xi1>, vector<16xf32>
      %broadcast_in_dim3A_493 = vector.shape_cast %and3A_440 : vector<16xi32> to vector<16x1xi32>
      %gather3A_494 = vector.shape_cast %broadcast_in_dim3A_493 : vector<16x1xi32> to vector<16xi32>
      %gather3A_495 = tpu.dynamic_gather %select_n3A_418[%gather3A_494] in [0] : vector<16xf32>, vector<16xi32> -> vector<16xf32>
      %select_n3A_496 = arith.select %eq3A_452, %select_n3A_410, %gather3A_495 : vector<16xi1>, vector<16xf32>
      %broadcast_in_dim3A_497 = vector.shape_cast %and3A_446 : vector<16xi32> to vector<16x1xi32>
      %gather3A_498 = vector.shape_cast %broadcast_in_dim3A_497 : vector<16x1xi32> to vector<16xi32>
      %gather3A_499 = tpu.dynamic_gather %select_n3A_410[%gather3A_498] in [0] : vector<16xf32>, vector<16xi32> -> vector<16xf32>
      %select_n3A_500 = arith.select %eq3A_452, %gather3A_499, %select_n3A_418 : vector<16xi1>, vector<16xf32>
      %broadcast_in_dim3A_501 = vector.shape_cast %and3A_440 : vector<16xi32> to vector<16x1xi32>
      %gather3A_502 = vector.shape_cast %broadcast_in_dim3A_501 : vector<16x1xi32> to vector<16xi32>
      %gather3A_503 = tpu.dynamic_gather %select_n3A_430[%gather3A_502] in [0] : vector<16xf32>, vector<16xi32> -> vector<16xf32>
      %select_n3A_504 = arith.select %eq3A_452, %select_n3A_422, %gather3A_503 : vector<16xi1>, vector<16xf32>
      %broadcast_in_dim3A_505 = vector.shape_cast %and3A_446 : vector<16xi32> to vector<16x1xi32>
      %gather3A_506 = vector.shape_cast %broadcast_in_dim3A_505 : vector<16x1xi32> to vector<16xi32>
      %gather3A_507 = tpu.dynamic_gather %select_n3A_422[%gather3A_506] in [0] : vector<16xf32>, vector<16xi32> -> vector<16xf32>
      %select_n3A_508 = arith.select %eq3A_452, %gather3A_507, %select_n3A_430 : vector<16xi1>, vector<16xf32>
      %broadcast_in_dim3A_509 = vector.shape_cast %and3A_440 : vector<16xi32> to vector<16x1xi32>
      %gather3A_510 = vector.shape_cast %broadcast_in_dim3A_509 : vector<16x1xi32> to vector<16xi32>
      %gather3A_511 = tpu.dynamic_gather %select_n3A_434[%gather3A_510] in [0] : vector<16xf32>, vector<16xi32> -> vector<16xf32>
      %select_n3A_512 = arith.select %eq3A_452, %select_n3A_426, %gather3A_511 : vector<16xi1>, vector<16xf32>
      %broadcast_in_dim3A_513 = vector.shape_cast %and3A_446 : vector<16xi32> to vector<16x1xi32>
      %gather3A_514 = vector.shape_cast %broadcast_in_dim3A_513 : vector<16x1xi32> to vector<16xi32>
      %gather3A_515 = tpu.dynamic_gather %select_n3A_426[%gather3A_514] in [0] : vector<16xf32>, vector<16xi32> -> vector<16xf32>
      %select_n3A_516 = arith.select %eq3A_452, %gather3A_515, %select_n3A_434 : vector<16xi1>, vector<16xf32>
      %sub3A_517 = arith.constant 4 : i32
      %sub3A_518 = vector.broadcast %sub3A_517 : i32 to vector<16xi32>
      %sub3A_519 = arith.subi %iota3A, %sub3A_518 : vector<16xi32>
      %and3A_520 = arith.constant 15 : i32
      %and3A_521 = vector.broadcast %and3A_520 : i32 to vector<16xi32>
      %and3A_522 = arith.andi %sub3A_519, %and3A_521 : vector<16xi32>
      %add3A_523 = arith.constant 4 : i32
      %add3A_524 = vector.broadcast %add3A_523 : i32 to vector<16xi32>
      %add3A_525 = arith.addi %iota3A, %add3A_524 : vector<16xi32>
      %and3A_526 = arith.constant 15 : i32
      %and3A_527 = vector.broadcast %and3A_526 : i32 to vector<16xi32>
      %and3A_528 = arith.andi %add3A_525, %and3A_527 : vector<16xi32>
      %and3A_529 = arith.constant 4 : i32
      %and3A_530 = vector.broadcast %and3A_529 : i32 to vector<16xi32>
      %and3A_531 = arith.andi %iota3A, %and3A_530 : vector<16xi32>
      %eq3A_532 = arith.constant 0 : i32
      %eq3A_533 = vector.broadcast %eq3A_532 : i32 to vector<16xi32>
      %eq3A_534 = arith.cmpi eq, %and3A_531, %eq3A_533 : vector<16xi32>
      %broadcast_in_dim3A_535 = vector.shape_cast %and3A_522 : vector<16xi32> to vector<16x1xi32>
      %gather3A_536 = vector.shape_cast %broadcast_in_dim3A_535 : vector<16x1xi32> to vector<16xi32>
      %gather3A_537 = tpu.dynamic_gather %select_n3A_472[%gather3A_536] in [0] : vector<16xf32>, vector<16xi32> -> vector<16xf32>
      %select_n3A_538 = arith.select %eq3A_534, %select_n3A_456, %gather3A_537 : vector<16xi1>, vector<16xf32>
      %broadcast_in_dim3A_539 = vector.shape_cast %and3A_528 : vector<16xi32> to vector<16x1xi32>
      %gather3A_540 = vector.shape_cast %broadcast_in_dim3A_539 : vector<16x1xi32> to vector<16xi32>
      %gather3A_541 = tpu.dynamic_gather %select_n3A_456[%gather3A_540] in [0] : vector<16xf32>, vector<16xi32> -> vector<16xf32>
      %select_n3A_542 = arith.select %eq3A_534, %gather3A_541, %select_n3A_472 : vector<16xi1>, vector<16xf32>
      %broadcast_in_dim3A_543 = vector.shape_cast %and3A_522 : vector<16xi32> to vector<16x1xi32>
      %gather3A_544 = vector.shape_cast %broadcast_in_dim3A_543 : vector<16x1xi32> to vector<16xi32>
      %gather3A_545 = tpu.dynamic_gather %select_n3A_480[%gather3A_544] in [0] : vector<16xf32>, vector<16xi32> -> vector<16xf32>
      %select_n3A_546 = arith.select %eq3A_534, %select_n3A_464, %gather3A_545 : vector<16xi1>, vector<16xf32>
      %broadcast_in_dim3A_547 = vector.shape_cast %and3A_528 : vector<16xi32> to vector<16x1xi32>
      %gather3A_548 = vector.shape_cast %broadcast_in_dim3A_547 : vector<16x1xi32> to vector<16xi32>
      %gather3A_549 = tpu.dynamic_gather %select_n3A_464[%gather3A_548] in [0] : vector<16xf32>, vector<16xi32> -> vector<16xf32>
      %select_n3A_550 = arith.select %eq3A_534, %gather3A_549, %select_n3A_480 : vector<16xi1>, vector<16xf32>
      %broadcast_in_dim3A_551 = vector.shape_cast %and3A_522 : vector<16xi32> to vector<16x1xi32>
      %gather3A_552 = vector.shape_cast %broadcast_in_dim3A_551 : vector<16x1xi32> to vector<16xi32>
      %gather3A_553 = tpu.dynamic_gather %select_n3A_476[%gather3A_552] in [0] : vector<16xf32>, vector<16xi32> -> vector<16xf32>
      %select_n3A_554 = arith.select %eq3A_534, %select_n3A_460, %gather3A_553 : vector<16xi1>, vector<16xf32>
      %broadcast_in_dim3A_555 = vector.shape_cast %and3A_528 : vector<16xi32> to vector<16x1xi32>
      %gather3A_556 = vector.shape_cast %broadcast_in_dim3A_555 : vector<16x1xi32> to vector<16xi32>
      %gather3A_557 = tpu.dynamic_gather %select_n3A_460[%gather3A_556] in [0] : vector<16xf32>, vector<16xi32> -> vector<16xf32>
      %select_n3A_558 = arith.select %eq3A_534, %gather3A_557, %select_n3A_476 : vector<16xi1>, vector<16xf32>
      %broadcast_in_dim3A_559 = vector.shape_cast %and3A_522 : vector<16xi32> to vector<16x1xi32>
      %gather3A_560 = vector.shape_cast %broadcast_in_dim3A_559 : vector<16x1xi32> to vector<16xi32>
      %gather3A_561 = tpu.dynamic_gather %select_n3A_484[%gather3A_560] in [0] : vector<16xf32>, vector<16xi32> -> vector<16xf32>
      %select_n3A_562 = arith.select %eq3A_534, %select_n3A_468, %gather3A_561 : vector<16xi1>, vector<16xf32>
      %broadcast_in_dim3A_563 = vector.shape_cast %and3A_528 : vector<16xi32> to vector<16x1xi32>
      %gather3A_564 = vector.shape_cast %broadcast_in_dim3A_563 : vector<16x1xi32> to vector<16xi32>
      %gather3A_565 = tpu.dynamic_gather %select_n3A_468[%gather3A_564] in [0] : vector<16xf32>, vector<16xi32> -> vector<16xf32>
      %select_n3A_566 = arith.select %eq3A_534, %gather3A_565, %select_n3A_484 : vector<16xi1>, vector<16xf32>
      %broadcast_in_dim3A_567 = vector.shape_cast %and3A_522 : vector<16xi32> to vector<16x1xi32>
      %gather3A_568 = vector.shape_cast %broadcast_in_dim3A_567 : vector<16x1xi32> to vector<16xi32>
      %gather3A_569 = tpu.dynamic_gather %select_n3A_504[%gather3A_568] in [0] : vector<16xf32>, vector<16xi32> -> vector<16xf32>
      %select_n3A_570 = arith.select %eq3A_534, %select_n3A_488, %gather3A_569 : vector<16xi1>, vector<16xf32>
      %broadcast_in_dim3A_571 = vector.shape_cast %and3A_528 : vector<16xi32> to vector<16x1xi32>
      %gather3A_572 = vector.shape_cast %broadcast_in_dim3A_571 : vector<16x1xi32> to vector<16xi32>
      %gather3A_573 = tpu.dynamic_gather %select_n3A_488[%gather3A_572] in [0] : vector<16xf32>, vector<16xi32> -> vector<16xf32>
      %select_n3A_574 = arith.select %eq3A_534, %gather3A_573, %select_n3A_504 : vector<16xi1>, vector<16xf32>
      %broadcast_in_dim3A_575 = vector.shape_cast %and3A_522 : vector<16xi32> to vector<16x1xi32>
      %gather3A_576 = vector.shape_cast %broadcast_in_dim3A_575 : vector<16x1xi32> to vector<16xi32>
      %gather3A_577 = tpu.dynamic_gather %select_n3A_512[%gather3A_576] in [0] : vector<16xf32>, vector<16xi32> -> vector<16xf32>
      %select_n3A_578 = arith.select %eq3A_534, %select_n3A_496, %gather3A_577 : vector<16xi1>, vector<16xf32>
      %broadcast_in_dim3A_579 = vector.shape_cast %and3A_528 : vector<16xi32> to vector<16x1xi32>
      %gather3A_580 = vector.shape_cast %broadcast_in_dim3A_579 : vector<16x1xi32> to vector<16xi32>
      %gather3A_581 = tpu.dynamic_gather %select_n3A_496[%gather3A_580] in [0] : vector<16xf32>, vector<16xi32> -> vector<16xf32>
      %select_n3A_582 = arith.select %eq3A_534, %gather3A_581, %select_n3A_512 : vector<16xi1>, vector<16xf32>
      %broadcast_in_dim3A_583 = vector.shape_cast %and3A_522 : vector<16xi32> to vector<16x1xi32>
      %gather3A_584 = vector.shape_cast %broadcast_in_dim3A_583 : vector<16x1xi32> to vector<16xi32>
      %gather3A_585 = tpu.dynamic_gather %select_n3A_508[%gather3A_584] in [0] : vector<16xf32>, vector<16xi32> -> vector<16xf32>
      %select_n3A_586 = arith.select %eq3A_534, %select_n3A_492, %gather3A_585 : vector<16xi1>, vector<16xf32>
      %broadcast_in_dim3A_587 = vector.shape_cast %and3A_528 : vector<16xi32> to vector<16x1xi32>
      %gather3A_588 = vector.shape_cast %broadcast_in_dim3A_587 : vector<16x1xi32> to vector<16xi32>
      %gather3A_589 = tpu.dynamic_gather %select_n3A_492[%gather3A_588] in [0] : vector<16xf32>, vector<16xi32> -> vector<16xf32>
      %select_n3A_590 = arith.select %eq3A_534, %gather3A_589, %select_n3A_508 : vector<16xi1>, vector<16xf32>
      %broadcast_in_dim3A_591 = vector.shape_cast %and3A_522 : vector<16xi32> to vector<16x1xi32>
      %gather3A_592 = vector.shape_cast %broadcast_in_dim3A_591 : vector<16x1xi32> to vector<16xi32>
      %gather3A_593 = tpu.dynamic_gather %select_n3A_516[%gather3A_592] in [0] : vector<16xf32>, vector<16xi32> -> vector<16xf32>
      %select_n3A_594 = arith.select %eq3A_534, %select_n3A_500, %gather3A_593 : vector<16xi1>, vector<16xf32>
      %broadcast_in_dim3A_595 = vector.shape_cast %and3A_528 : vector<16xi32> to vector<16x1xi32>
      %gather3A_596 = vector.shape_cast %broadcast_in_dim3A_595 : vector<16x1xi32> to vector<16xi32>
      %gather3A_597 = tpu.dynamic_gather %select_n3A_500[%gather3A_596] in [0] : vector<16xf32>, vector<16xi32> -> vector<16xf32>
      %select_n3A_598 = arith.select %eq3A_534, %gather3A_597, %select_n3A_516 : vector<16xi1>, vector<16xf32>
      %sub3A_599 = arith.constant 8 : i32
      %sub3A_600 = vector.broadcast %sub3A_599 : i32 to vector<16xi32>
      %sub3A_601 = arith.subi %iota3A, %sub3A_600 : vector<16xi32>
      %and3A_602 = arith.constant 15 : i32
      %and3A_603 = vector.broadcast %and3A_602 : i32 to vector<16xi32>
      %and3A_604 = arith.andi %sub3A_601, %and3A_603 : vector<16xi32>
      %add3A_605 = arith.constant 8 : i32
      %add3A_606 = vector.broadcast %add3A_605 : i32 to vector<16xi32>
      %add3A_607 = arith.addi %iota3A, %add3A_606 : vector<16xi32>
      %and3A_608 = arith.constant 15 : i32
      %and3A_609 = vector.broadcast %and3A_608 : i32 to vector<16xi32>
      %and3A_610 = arith.andi %add3A_607, %and3A_609 : vector<16xi32>
      %and3A_611 = arith.constant 8 : i32
      %and3A_612 = vector.broadcast %and3A_611 : i32 to vector<16xi32>
      %and3A_613 = arith.andi %iota3A, %and3A_612 : vector<16xi32>
      %eq3A_614 = arith.constant 0 : i32
      %eq3A_615 = vector.broadcast %eq3A_614 : i32 to vector<16xi32>
      %eq3A_616 = arith.cmpi eq, %and3A_613, %eq3A_615 : vector<16xi32>
      %broadcast_in_dim3A_617 = vector.shape_cast %and3A_604 : vector<16xi32> to vector<16x1xi32>
      %gather3A_618 = vector.shape_cast %broadcast_in_dim3A_617 : vector<16x1xi32> to vector<16xi32>
      %gather3A_619 = tpu.dynamic_gather %select_n3A_570[%gather3A_618] in [0] : vector<16xf32>, vector<16xi32> -> vector<16xf32>
      %select_n3A_620 = arith.select %eq3A_616, %select_n3A_538, %gather3A_619 : vector<16xi1>, vector<16xf32>
      %broadcast_in_dim3A_621 = vector.shape_cast %and3A_610 : vector<16xi32> to vector<16x1xi32>
      %gather3A_622 = vector.shape_cast %broadcast_in_dim3A_621 : vector<16x1xi32> to vector<16xi32>
      %gather3A_623 = tpu.dynamic_gather %select_n3A_538[%gather3A_622] in [0] : vector<16xf32>, vector<16xi32> -> vector<16xf32>
      %select_n3A_624 = arith.select %eq3A_616, %gather3A_623, %select_n3A_570 : vector<16xi1>, vector<16xf32>
      %broadcast_in_dim3A_625 = vector.shape_cast %and3A_604 : vector<16xi32> to vector<16x1xi32>
      %gather3A_626 = vector.shape_cast %broadcast_in_dim3A_625 : vector<16x1xi32> to vector<16xi32>
      %gather3A_627 = tpu.dynamic_gather %select_n3A_578[%gather3A_626] in [0] : vector<16xf32>, vector<16xi32> -> vector<16xf32>
      %select_n3A_628 = arith.select %eq3A_616, %select_n3A_546, %gather3A_627 : vector<16xi1>, vector<16xf32>
      %broadcast_in_dim3A_629 = vector.shape_cast %and3A_610 : vector<16xi32> to vector<16x1xi32>
      %gather3A_630 = vector.shape_cast %broadcast_in_dim3A_629 : vector<16x1xi32> to vector<16xi32>
      %gather3A_631 = tpu.dynamic_gather %select_n3A_546[%gather3A_630] in [0] : vector<16xf32>, vector<16xi32> -> vector<16xf32>
      %select_n3A_632 = arith.select %eq3A_616, %gather3A_631, %select_n3A_578 : vector<16xi1>, vector<16xf32>
      %broadcast_in_dim3A_633 = vector.shape_cast %and3A_604 : vector<16xi32> to vector<16x1xi32>
      %gather3A_634 = vector.shape_cast %broadcast_in_dim3A_633 : vector<16x1xi32> to vector<16xi32>
      %gather3A_635 = tpu.dynamic_gather %select_n3A_586[%gather3A_634] in [0] : vector<16xf32>, vector<16xi32> -> vector<16xf32>
      %select_n3A_636 = arith.select %eq3A_616, %select_n3A_554, %gather3A_635 : vector<16xi1>, vector<16xf32>
      %broadcast_in_dim3A_637 = vector.shape_cast %and3A_610 : vector<16xi32> to vector<16x1xi32>
      %gather3A_638 = vector.shape_cast %broadcast_in_dim3A_637 : vector<16x1xi32> to vector<16xi32>
      %gather3A_639 = tpu.dynamic_gather %select_n3A_554[%gather3A_638] in [0] : vector<16xf32>, vector<16xi32> -> vector<16xf32>
      %select_n3A_640 = arith.select %eq3A_616, %gather3A_639, %select_n3A_586 : vector<16xi1>, vector<16xf32>
      %broadcast_in_dim3A_641 = vector.shape_cast %and3A_604 : vector<16xi32> to vector<16x1xi32>
      %gather3A_642 = vector.shape_cast %broadcast_in_dim3A_641 : vector<16x1xi32> to vector<16xi32>
      %gather3A_643 = tpu.dynamic_gather %select_n3A_594[%gather3A_642] in [0] : vector<16xf32>, vector<16xi32> -> vector<16xf32>
      %select_n3A_644 = arith.select %eq3A_616, %select_n3A_562, %gather3A_643 : vector<16xi1>, vector<16xf32>
      %broadcast_in_dim3A_645 = vector.shape_cast %and3A_610 : vector<16xi32> to vector<16x1xi32>
      %gather3A_646 = vector.shape_cast %broadcast_in_dim3A_645 : vector<16x1xi32> to vector<16xi32>
      %gather3A_647 = tpu.dynamic_gather %select_n3A_562[%gather3A_646] in [0] : vector<16xf32>, vector<16xi32> -> vector<16xf32>
      %select_n3A_648 = arith.select %eq3A_616, %gather3A_647, %select_n3A_594 : vector<16xi1>, vector<16xf32>
      %broadcast_in_dim3A_649 = vector.shape_cast %and3A_604 : vector<16xi32> to vector<16x1xi32>
      %gather3A_650 = vector.shape_cast %broadcast_in_dim3A_649 : vector<16x1xi32> to vector<16xi32>
      %gather3A_651 = tpu.dynamic_gather %select_n3A_574[%gather3A_650] in [0] : vector<16xf32>, vector<16xi32> -> vector<16xf32>
      %select_n3A_652 = arith.select %eq3A_616, %select_n3A_542, %gather3A_651 : vector<16xi1>, vector<16xf32>
      %broadcast_in_dim3A_653 = vector.shape_cast %and3A_610 : vector<16xi32> to vector<16x1xi32>
      %gather3A_654 = vector.shape_cast %broadcast_in_dim3A_653 : vector<16x1xi32> to vector<16xi32>
      %gather3A_655 = tpu.dynamic_gather %select_n3A_542[%gather3A_654] in [0] : vector<16xf32>, vector<16xi32> -> vector<16xf32>
      %select_n3A_656 = arith.select %eq3A_616, %gather3A_655, %select_n3A_574 : vector<16xi1>, vector<16xf32>
      %broadcast_in_dim3A_657 = vector.shape_cast %and3A_604 : vector<16xi32> to vector<16x1xi32>
      %gather3A_658 = vector.shape_cast %broadcast_in_dim3A_657 : vector<16x1xi32> to vector<16xi32>
      %gather3A_659 = tpu.dynamic_gather %select_n3A_582[%gather3A_658] in [0] : vector<16xf32>, vector<16xi32> -> vector<16xf32>
      %select_n3A_660 = arith.select %eq3A_616, %select_n3A_550, %gather3A_659 : vector<16xi1>, vector<16xf32>
      %broadcast_in_dim3A_661 = vector.shape_cast %and3A_610 : vector<16xi32> to vector<16x1xi32>
      %gather3A_662 = vector.shape_cast %broadcast_in_dim3A_661 : vector<16x1xi32> to vector<16xi32>
      %gather3A_663 = tpu.dynamic_gather %select_n3A_550[%gather3A_662] in [0] : vector<16xf32>, vector<16xi32> -> vector<16xf32>
      %select_n3A_664 = arith.select %eq3A_616, %gather3A_663, %select_n3A_582 : vector<16xi1>, vector<16xf32>
      %broadcast_in_dim3A_665 = vector.shape_cast %and3A_604 : vector<16xi32> to vector<16x1xi32>
      %gather3A_666 = vector.shape_cast %broadcast_in_dim3A_665 : vector<16x1xi32> to vector<16xi32>
      %gather3A_667 = tpu.dynamic_gather %select_n3A_590[%gather3A_666] in [0] : vector<16xf32>, vector<16xi32> -> vector<16xf32>
      %select_n3A_668 = arith.select %eq3A_616, %select_n3A_558, %gather3A_667 : vector<16xi1>, vector<16xf32>
      %broadcast_in_dim3A_669 = vector.shape_cast %and3A_610 : vector<16xi32> to vector<16x1xi32>
      %gather3A_670 = vector.shape_cast %broadcast_in_dim3A_669 : vector<16x1xi32> to vector<16xi32>
      %gather3A_671 = tpu.dynamic_gather %select_n3A_558[%gather3A_670] in [0] : vector<16xf32>, vector<16xi32> -> vector<16xf32>
      %select_n3A_672 = arith.select %eq3A_616, %gather3A_671, %select_n3A_590 : vector<16xi1>, vector<16xf32>
      %broadcast_in_dim3A_673 = vector.shape_cast %and3A_604 : vector<16xi32> to vector<16x1xi32>
      %gather3A_674 = vector.shape_cast %broadcast_in_dim3A_673 : vector<16x1xi32> to vector<16xi32>
      %gather3A_675 = tpu.dynamic_gather %select_n3A_598[%gather3A_674] in [0] : vector<16xf32>, vector<16xi32> -> vector<16xf32>
      %select_n3A_676 = arith.select %eq3A_616, %select_n3A_566, %gather3A_675 : vector<16xi1>, vector<16xf32>
      %broadcast_in_dim3A_677 = vector.shape_cast %and3A_610 : vector<16xi32> to vector<16x1xi32>
      %gather3A_678 = vector.shape_cast %broadcast_in_dim3A_677 : vector<16x1xi32> to vector<16xi32>
      %gather3A_679 = tpu.dynamic_gather %select_n3A_566[%gather3A_678] in [0] : vector<16xf32>, vector<16xi32> -> vector<16xf32>
      %select_n3A_680 = arith.select %eq3A_616, %gather3A_679, %select_n3A_598 : vector<16xi1>, vector<16xf32>
      %mul3A_681 = arith.mulf %select_n3A_620, %select_n3A_620 : vector<16xf32>
      %mul3A_682 = arith.mulf %select_n3A_628, %select_n3A_628 : vector<16xf32>
      %mul3A_683 = arith.mulf %select_n3A_636, %select_n3A_636 : vector<16xf32>
      %mul3A_684 = arith.mulf %select_n3A_644, %select_n3A_644 : vector<16xf32>
      %mul3A_685 = arith.mulf %select_n3A_652, %select_n3A_652 : vector<16xf32>
      %mul3A_686 = arith.mulf %select_n3A_660, %select_n3A_660 : vector<16xf32>
      %mul3A_687 = arith.mulf %select_n3A_668, %select_n3A_668 : vector<16xf32>
      %mul3A_688 = arith.mulf %select_n3A_676, %select_n3A_676 : vector<16xf32>
      %mul3A_689 = arith.mulf %select_n3A_624, %select_n3A_624 : vector<16xf32>
      %mul3A_690 = arith.mulf %select_n3A_632, %select_n3A_632 : vector<16xf32>
      %mul3A_691 = arith.mulf %select_n3A_640, %select_n3A_640 : vector<16xf32>
      %mul3A_692 = arith.mulf %select_n3A_648, %select_n3A_648 : vector<16xf32>
      %mul3A_693 = arith.mulf %select_n3A_656, %select_n3A_656 : vector<16xf32>
      %mul3A_694 = arith.mulf %select_n3A_664, %select_n3A_664 : vector<16xf32>
      %mul3A_695 = arith.mulf %select_n3A_672, %select_n3A_672 : vector<16xf32>
      %mul3A_696 = arith.mulf %select_n3A_680, %select_n3A_680 : vector<16xf32>
      %while3A_697 = arith.constant 0 : i32
      %while3A_698:7 = scf.while (%while3A_701 = %while3A_697, %while3A_702 = %while3A_203, %while3A_703 = %while3A_204, %while3A_704 = %while3A_205, %while3A_705 = %while3A_206, %while3A_706 = %while3A_207, %while3A_707 = %while3A_208) : (i32, vector<16xf32>, vector<16xf32>, vector<16xf32>, i32, i32, i32) -> (i32, vector<16xf32>, vector<16xf32>, vector<16xf32>, i32, i32, i32) {
        %lt3A_708 = arith.constant 16 : i32
        %lt3A_709 = arith.cmpi slt, %while3A_701, %lt3A_708 : i32
        %eq3A_710 = arith.constant 0 : i32
        %eq3A_711 = arith.cmpi eq, %while3A_707, %eq3A_710 : i32
        %and3A_712 = arith.andi %lt3A_709, %eq3A_711 : i1
        scf.condition(%and3A_712) %while3A_701, %while3A_702, %while3A_703, %while3A_704, %while3A_705, %while3A_706, %while3A_707 : i32, vector<16xf32>, vector<16xf32>, vector<16xf32>, i32, i32, i32
      } do {
      ^bb0(%while3A_701: i32, %while3A_702: vector<16xf32>, %while3A_703: vector<16xf32>, %while3A_704: vector<16xf32>, %while3A_705: i32, %while3A_706: i32, %while3A_707: i32):
        %ge3A_708 = vector.broadcast %while3A_701 : i32 to vector<16xi32>
        %ge3A_709 = arith.cmpi sge, %iota3A, %ge3A_708 : vector<16xi32>
        %and3A_710 = arith.andi %or3A, %ge3A_709 : vector<16xi1>
        %all_reduce_ffs3A = tpu.all_reduce %and3A_710 {dim = 0 : i64, kind = #tpu.reduction_kind<find_first_set>} : vector<16xi1> -> vector<16xi32>
        %reduce_max3A_711 = arith.constant true
        %reduce_max3A_712 = vector.broadcast %reduce_max3A_711 : i1 to vector<16xi1>
        %reduce_max3A_713 = arith.constant -2147483648 : i32
        %reduce_max3A_714 = vector.broadcast %reduce_max3A_713 : i32 to vector<16xi32>
        %reduce_max3A_715 = arith.xori %all_reduce_ffs3A, %reduce_max3A_714 : vector<16xi32>
        %reduce_max3A_716 = tpu.scan <max>, %reduce_max3A_715 masked %reduce_max3A_712 : vector<16xi32>, vector<16xi1> -> vector<16xi32>
        %reduce_max3A_717 = arith.xori %reduce_max3A_716, %reduce_max3A_714 : vector<16xi32>
        %reduce_max3A_718 = vector.extract %reduce_max3A_717[15] : i32 from vector<16xi32>
        %add3A_719 = arith.constant 1 : i32
        %add3A_720 = arith.addi %reduce_max3A_718, %add3A_719 : i32
        %min3A_721 = arith.constant 16 : i32
        %min3A_722 = arith.minsi %add3A_720, %min3A_721 : i32
        %broadcast_in_dim3A_723 = arith.constant 0.000000e+00 : f32
        %broadcast_in_dim3A_724 = vector.broadcast %broadcast_in_dim3A_723 : f32 to vector<16xf32>
        %le3A = arith.constant 0 : i32
        %le3A_725 = arith.cmpi sle, %while3A_701, %le3A : i32
        %gt3A_726 = arith.constant 0 : i32
        %gt3A_727 = arith.cmpi sgt, %min3A_722, %gt3A_726 : i32
        %and3A_728 = arith.andi %le3A_725, %gt3A_727 : i1
        %select_n3A_729 = arith.select %and3A_728, %select_n3A_620, %broadcast_in_dim3A_724 : vector<16xf32>
        %add3A_730 = arith.addf %while3A_703, %select_n3A_729 : vector<16xf32>
        %select_n3A_731 = arith.select %and3A_728, %mul3A_681, %broadcast_in_dim3A_724 : vector<16xf32>
        %add3A_732 = arith.addf %while3A_704, %select_n3A_731 : vector<16xf32>
        %le3A_733 = arith.constant 1 : i32
        %le3A_734 = arith.cmpi sle, %while3A_701, %le3A_733 : i32
        %gt3A_735 = arith.constant 1 : i32
        %gt3A_736 = arith.cmpi sgt, %min3A_722, %gt3A_735 : i32
        %and3A_737 = arith.andi %le3A_734, %gt3A_736 : i1
        %select_n3A_738 = arith.select %and3A_737, %select_n3A_628, %broadcast_in_dim3A_724 : vector<16xf32>
        %add3A_739 = arith.addf %add3A_730, %select_n3A_738 : vector<16xf32>
        %select_n3A_740 = arith.select %and3A_737, %mul3A_682, %broadcast_in_dim3A_724 : vector<16xf32>
        %add3A_741 = arith.addf %add3A_732, %select_n3A_740 : vector<16xf32>
        %le3A_742 = arith.constant 2 : i32
        %le3A_743 = arith.cmpi sle, %while3A_701, %le3A_742 : i32
        %gt3A_744 = arith.constant 2 : i32
        %gt3A_745 = arith.cmpi sgt, %min3A_722, %gt3A_744 : i32
        %and3A_746 = arith.andi %le3A_743, %gt3A_745 : i1
        %select_n3A_747 = arith.select %and3A_746, %select_n3A_636, %broadcast_in_dim3A_724 : vector<16xf32>
        %add3A_748 = arith.addf %add3A_739, %select_n3A_747 : vector<16xf32>
        %select_n3A_749 = arith.select %and3A_746, %mul3A_683, %broadcast_in_dim3A_724 : vector<16xf32>
        %add3A_750 = arith.addf %add3A_741, %select_n3A_749 : vector<16xf32>
        %le3A_751 = arith.constant 3 : i32
        %le3A_752 = arith.cmpi sle, %while3A_701, %le3A_751 : i32
        %gt3A_753 = arith.constant 3 : i32
        %gt3A_754 = arith.cmpi sgt, %min3A_722, %gt3A_753 : i32
        %and3A_755 = arith.andi %le3A_752, %gt3A_754 : i1
        %select_n3A_756 = arith.select %and3A_755, %select_n3A_644, %broadcast_in_dim3A_724 : vector<16xf32>
        %add3A_757 = arith.addf %add3A_748, %select_n3A_756 : vector<16xf32>
        %select_n3A_758 = arith.select %and3A_755, %mul3A_684, %broadcast_in_dim3A_724 : vector<16xf32>
        %add3A_759 = arith.addf %add3A_750, %select_n3A_758 : vector<16xf32>
        %le3A_760 = arith.constant 4 : i32
        %le3A_761 = arith.cmpi sle, %while3A_701, %le3A_760 : i32
        %gt3A_762 = arith.constant 4 : i32
        %gt3A_763 = arith.cmpi sgt, %min3A_722, %gt3A_762 : i32
        %and3A_764 = arith.andi %le3A_761, %gt3A_763 : i1
        %select_n3A_765 = arith.select %and3A_764, %select_n3A_652, %broadcast_in_dim3A_724 : vector<16xf32>
        %add3A_766 = arith.addf %add3A_757, %select_n3A_765 : vector<16xf32>
        %select_n3A_767 = arith.select %and3A_764, %mul3A_685, %broadcast_in_dim3A_724 : vector<16xf32>
        %add3A_768 = arith.addf %add3A_759, %select_n3A_767 : vector<16xf32>
        %le3A_769 = arith.constant 5 : i32
        %le3A_770 = arith.cmpi sle, %while3A_701, %le3A_769 : i32
        %gt3A_771 = arith.constant 5 : i32
        %gt3A_772 = arith.cmpi sgt, %min3A_722, %gt3A_771 : i32
        %and3A_773 = arith.andi %le3A_770, %gt3A_772 : i1
        %select_n3A_774 = arith.select %and3A_773, %select_n3A_660, %broadcast_in_dim3A_724 : vector<16xf32>
        %add3A_775 = arith.addf %add3A_766, %select_n3A_774 : vector<16xf32>
        %select_n3A_776 = arith.select %and3A_773, %mul3A_686, %broadcast_in_dim3A_724 : vector<16xf32>
        %add3A_777 = arith.addf %add3A_768, %select_n3A_776 : vector<16xf32>
        %le3A_778 = arith.constant 6 : i32
        %le3A_779 = arith.cmpi sle, %while3A_701, %le3A_778 : i32
        %gt3A_780 = arith.constant 6 : i32
        %gt3A_781 = arith.cmpi sgt, %min3A_722, %gt3A_780 : i32
        %and3A_782 = arith.andi %le3A_779, %gt3A_781 : i1
        %select_n3A_783 = arith.select %and3A_782, %select_n3A_668, %broadcast_in_dim3A_724 : vector<16xf32>
        %add3A_784 = arith.addf %add3A_775, %select_n3A_783 : vector<16xf32>
        %select_n3A_785 = arith.select %and3A_782, %mul3A_687, %broadcast_in_dim3A_724 : vector<16xf32>
        %add3A_786 = arith.addf %add3A_777, %select_n3A_785 : vector<16xf32>
        %le3A_787 = arith.constant 7 : i32
        %le3A_788 = arith.cmpi sle, %while3A_701, %le3A_787 : i32
        %gt3A_789 = arith.constant 7 : i32
        %gt3A_790 = arith.cmpi sgt, %min3A_722, %gt3A_789 : i32
        %and3A_791 = arith.andi %le3A_788, %gt3A_790 : i1
        %select_n3A_792 = arith.select %and3A_791, %select_n3A_676, %broadcast_in_dim3A_724 : vector<16xf32>
        %add3A_793 = arith.addf %add3A_784, %select_n3A_792 : vector<16xf32>
        %select_n3A_794 = arith.select %and3A_791, %mul3A_688, %broadcast_in_dim3A_724 : vector<16xf32>
        %add3A_795 = arith.addf %add3A_786, %select_n3A_794 : vector<16xf32>
        %le3A_796 = arith.constant 8 : i32
        %le3A_797 = arith.cmpi sle, %while3A_701, %le3A_796 : i32
        %gt3A_798 = arith.constant 8 : i32
        %gt3A_799 = arith.cmpi sgt, %min3A_722, %gt3A_798 : i32
        %and3A_800 = arith.andi %le3A_797, %gt3A_799 : i1
        %select_n3A_801 = arith.select %and3A_800, %select_n3A_624, %broadcast_in_dim3A_724 : vector<16xf32>
        %add3A_802 = arith.addf %add3A_793, %select_n3A_801 : vector<16xf32>
        %select_n3A_803 = arith.select %and3A_800, %mul3A_689, %broadcast_in_dim3A_724 : vector<16xf32>
        %add3A_804 = arith.addf %add3A_795, %select_n3A_803 : vector<16xf32>
        %le3A_805 = arith.constant 9 : i32
        %le3A_806 = arith.cmpi sle, %while3A_701, %le3A_805 : i32
        %gt3A_807 = arith.constant 9 : i32
        %gt3A_808 = arith.cmpi sgt, %min3A_722, %gt3A_807 : i32
        %and3A_809 = arith.andi %le3A_806, %gt3A_808 : i1
        %select_n3A_810 = arith.select %and3A_809, %select_n3A_632, %broadcast_in_dim3A_724 : vector<16xf32>
        %add3A_811 = arith.addf %add3A_802, %select_n3A_810 : vector<16xf32>
        %select_n3A_812 = arith.select %and3A_809, %mul3A_690, %broadcast_in_dim3A_724 : vector<16xf32>
        %add3A_813 = arith.addf %add3A_804, %select_n3A_812 : vector<16xf32>
        %le3A_814 = arith.constant 10 : i32
        %le3A_815 = arith.cmpi sle, %while3A_701, %le3A_814 : i32
        %gt3A_816 = arith.constant 10 : i32
        %gt3A_817 = arith.cmpi sgt, %min3A_722, %gt3A_816 : i32
        %and3A_818 = arith.andi %le3A_815, %gt3A_817 : i1
        %select_n3A_819 = arith.select %and3A_818, %select_n3A_640, %broadcast_in_dim3A_724 : vector<16xf32>
        %add3A_820 = arith.addf %add3A_811, %select_n3A_819 : vector<16xf32>
        %select_n3A_821 = arith.select %and3A_818, %mul3A_691, %broadcast_in_dim3A_724 : vector<16xf32>
        %add3A_822 = arith.addf %add3A_813, %select_n3A_821 : vector<16xf32>
        %le3A_823 = arith.constant 11 : i32
        %le3A_824 = arith.cmpi sle, %while3A_701, %le3A_823 : i32
        %gt3A_825 = arith.constant 11 : i32
        %gt3A_826 = arith.cmpi sgt, %min3A_722, %gt3A_825 : i32
        %and3A_827 = arith.andi %le3A_824, %gt3A_826 : i1
        %select_n3A_828 = arith.select %and3A_827, %select_n3A_648, %broadcast_in_dim3A_724 : vector<16xf32>
        %add3A_829 = arith.addf %add3A_820, %select_n3A_828 : vector<16xf32>
        %select_n3A_830 = arith.select %and3A_827, %mul3A_692, %broadcast_in_dim3A_724 : vector<16xf32>
        %add3A_831 = arith.addf %add3A_822, %select_n3A_830 : vector<16xf32>
        %le3A_832 = arith.constant 12 : i32
        %le3A_833 = arith.cmpi sle, %while3A_701, %le3A_832 : i32
        %gt3A_834 = arith.constant 12 : i32
        %gt3A_835 = arith.cmpi sgt, %min3A_722, %gt3A_834 : i32
        %and3A_836 = arith.andi %le3A_833, %gt3A_835 : i1
        %select_n3A_837 = arith.select %and3A_836, %select_n3A_656, %broadcast_in_dim3A_724 : vector<16xf32>
        %add3A_838 = arith.addf %add3A_829, %select_n3A_837 : vector<16xf32>
        %select_n3A_839 = arith.select %and3A_836, %mul3A_693, %broadcast_in_dim3A_724 : vector<16xf32>
        %add3A_840 = arith.addf %add3A_831, %select_n3A_839 : vector<16xf32>
        %le3A_841 = arith.constant 13 : i32
        %le3A_842 = arith.cmpi sle, %while3A_701, %le3A_841 : i32
        %gt3A_843 = arith.constant 13 : i32
        %gt3A_844 = arith.cmpi sgt, %min3A_722, %gt3A_843 : i32
        %and3A_845 = arith.andi %le3A_842, %gt3A_844 : i1
        %select_n3A_846 = arith.select %and3A_845, %select_n3A_664, %broadcast_in_dim3A_724 : vector<16xf32>
        %add3A_847 = arith.addf %add3A_838, %select_n3A_846 : vector<16xf32>
        %select_n3A_848 = arith.select %and3A_845, %mul3A_694, %broadcast_in_dim3A_724 : vector<16xf32>
        %add3A_849 = arith.addf %add3A_840, %select_n3A_848 : vector<16xf32>
        %le3A_850 = arith.constant 14 : i32
        %le3A_851 = arith.cmpi sle, %while3A_701, %le3A_850 : i32
        %gt3A_852 = arith.constant 14 : i32
        %gt3A_853 = arith.cmpi sgt, %min3A_722, %gt3A_852 : i32
        %and3A_854 = arith.andi %le3A_851, %gt3A_853 : i1
        %select_n3A_855 = arith.select %and3A_854, %select_n3A_672, %broadcast_in_dim3A_724 : vector<16xf32>
        %add3A_856 = arith.addf %add3A_847, %select_n3A_855 : vector<16xf32>
        %select_n3A_857 = arith.select %and3A_854, %mul3A_695, %broadcast_in_dim3A_724 : vector<16xf32>
        %add3A_858 = arith.addf %add3A_849, %select_n3A_857 : vector<16xf32>
        %le3A_859 = arith.constant 15 : i32
        %le3A_860 = arith.cmpi sle, %while3A_701, %le3A_859 : i32
        %gt3A_861 = arith.constant 15 : i32
        %gt3A_862 = arith.cmpi sgt, %min3A_722, %gt3A_861 : i32
        %and3A_863 = arith.andi %le3A_860, %gt3A_862 : i1
        %select_n3A_864 = arith.select %and3A_863, %select_n3A_680, %broadcast_in_dim3A_724 : vector<16xf32>
        %add3A_865 = arith.addf %add3A_856, %select_n3A_864 : vector<16xf32>
        %select_n3A_866 = arith.select %and3A_863, %mul3A_696, %broadcast_in_dim3A_724 : vector<16xf32>
        %add3A_867 = arith.addf %add3A_858, %select_n3A_866 : vector<16xf32>
        %sub3A_868 = arith.subi %min3A_722, %while3A_701 : i32
        %convert_element_type3A_869 = arith.sitofp %sub3A_868 : i32 to f32
        %broadcast_in_dim3A_870 = vector.broadcast %convert_element_type3A_869 : f32 to vector<16xf32>
        %add3A_871 = arith.addf %while3A_702, %broadcast_in_dim3A_870 : vector<16xf32>
        %lt3A_872 = arith.constant 16 : i32
        %lt3A_873 = arith.cmpi slt, %reduce_max3A_718, %lt3A_872 : i32
        %max3A_874 = arith.constant 1.000000e+00 : f32
        %max3A_875 = vector.broadcast %max3A_874 : f32 to vector<16xf32>
        %max3A_876 = arith.maximumf %add3A_871, %max3A_875 : vector<16xf32>
        %div3A_877 = arith.divf %add3A_865, %max3A_876 : vector<16xf32>
        %div3A_878 = arith.divf %add3A_867, %max3A_876 : vector<16xf32>
        %mul3A_879 = arith.mulf %div3A_877, %div3A_877 : vector<16xf32>
        %sub3A_880 = arith.subf %div3A_878, %mul3A_879 : vector<16xf32>
        %max3A_881 = arith.constant 0.000000e+00 : f32
        %max3A_882 = vector.broadcast %max3A_881 : f32 to vector<16xf32>
        %max3A_883 = arith.maximumf %sub3A_880, %max3A_882 : vector<16xf32>
        %bitcast_convert_type3A = tpu.bitcast %max3A_883 : vector<16xf32> -> vector<16xi32>
        %shift_right_arithmetic3A = arith.constant 1 : i32
        %shift_right_arithmetic3A_884 = vector.broadcast %shift_right_arithmetic3A : i32 to vector<16xi32>
        %shift_right_arithmetic3A_885 = arith.shrsi %bitcast_convert_type3A, %shift_right_arithmetic3A_884 : vector<16xi32>
        %add3A_886 = arith.constant 532487669 : i32
        %add3A_887 = vector.broadcast %add3A_886 : i32 to vector<16xi32>
        %add3A_888 = arith.addi %shift_right_arithmetic3A_885, %add3A_887 : vector<16xi32>
        %bitcast_convert_type3A_889 = tpu.bitcast %add3A_888 : vector<16xi32> -> vector<16xf32>
        %div3A_890 = arith.divf %max3A_883, %bitcast_convert_type3A_889 : vector<16xf32>
        %add3A_891 = arith.addf %bitcast_convert_type3A_889, %div3A_890 : vector<16xf32>
        %mul3A_892 = arith.constant 5.000000e-01 : f32
        %mul3A_893 = vector.broadcast %mul3A_892 : f32 to vector<16xf32>
        %mul3A_894 = arith.mulf %mul3A_893, %add3A_891 : vector<16xf32>
        %div3A_895 = arith.divf %max3A_883, %mul3A_894 : vector<16xf32>
        %add3A_896 = arith.addf %mul3A_894, %div3A_895 : vector<16xf32>
        %mul3A_897 = arith.constant 5.000000e-01 : f32
        %mul3A_898 = vector.broadcast %mul3A_897 : f32 to vector<16xf32>
        %mul3A_899 = arith.mulf %mul3A_898, %add3A_896 : vector<16xf32>
        %div3A_900 = arith.divf %max3A_883, %mul3A_899 : vector<16xf32>
        %add3A_901 = arith.addf %mul3A_899, %div3A_900 : vector<16xf32>
        %mul3A_902 = arith.constant 5.000000e-01 : f32
        %mul3A_903 = vector.broadcast %mul3A_902 : f32 to vector<16xf32>
        %mul3A_904 = arith.mulf %mul3A_903, %add3A_901 : vector<16xf32>
        %add3A_905 = arith.constant 9.99999993E-9 : f32
        %add3A_906 = vector.broadcast %add3A_905 : f32 to vector<16xf32>
        %add3A_907 = arith.addf %mul3A_904, %add3A_906 : vector<16xf32>
        %div3A_908 = arith.constant 1.000000e+00 : f32
        %div3A_909 = vector.broadcast %div3A_908 : f32 to vector<16xf32>
        %div3A_910 = arith.divf %div3A_909, %add3A_907 : vector<16xf32>
        %gt3A_911 = arith.constant 1.500000e+00 : f32
        %gt3A_912 = vector.broadcast %gt3A_911 : f32 to vector<16xf32>
        %gt3A_913 = arith.cmpf ogt, %add3A_871, %gt3A_912 : vector<16xf32>
        %select_n3A_914 = arith.select %gt3A_913, %div3A_877, %get3A_62 : vector<16xi1>, vector<16xf32>
        %select_n3A_915 = arith.select %gt3A_913, %div3A_910, %get3A_64 : vector<16xi1>, vector<16xf32>
        %min3A_916 = arith.constant 15 : i32
        %min3A_917 = arith.minsi %reduce_max3A_718, %min3A_916 : i32
        %broadcast_in_dim3A_918 = vector.broadcast %min3A_917 : i32 to vector<16xi32>
        %broadcast_in_dim3A_919 = vector.shape_cast %broadcast_in_dim3A_918 : vector<16xi32> to vector<16x1xi32>
        %gather3A_920 = vector.shape_cast %broadcast_in_dim3A_919 : vector<16x1xi32> to vector<16xi32>
        %gather3A_921 = tpu.dynamic_gather %get3A_222[%gather3A_920] in [0] : vector<16xi32>, vector<16xi32> -> vector<16xi32>
        %eq3A_922 = arith.constant 1 : i32
        %eq3A_923 = arith.cmpi eq, %while3A_705, %eq3A_922 : i32
        %and3A_924 = arith.andi %lt3A_873, %eq3A_923 : i1
        %eq3A_925 = arith.constant 0 : i32
        %eq3A_926 = arith.cmpi eq, %while3A_707, %eq3A_925 : i32
        %and3A_927 = arith.andi %and3A_924, %eq3A_926 : i1
        %convert_element_type3A_928 = arith.extui %and3A_927 : i1 to i32
        %cond3A_929 = arith.constant 0 : i32
        %cond3A_930 = arith.cmpi ne, %convert_element_type3A_928, %cond3A_929 : i32
        scf.if %cond3A_930 {
          %swap3A_953 = arith.index_cast %while3A_706 : i32 to index
          %swap3A_954 = arith.constant 0 : index
          %swap3A_955 = tpu.vector_load %arg9[%swap3A_953, %swap3A_954] {strides = array<i32>} : memref<128x32xf32, #tpu.memory_space<vmem>>, vector<16xf32>,
          tpu.vector_store %arg9[%swap3A_953, %swap3A_954], %select_n3A_914 {strides = array<i32>} : memref<128x32xf32, #tpu.memory_space<vmem>>, vector<16xf32>,
          %swap3A_956 = arith.index_cast %while3A_706 : i32 to index
          %swap3A_957 = arith.constant 16 : index
          %swap3A_958 = tpu.vector_load %arg9[%swap3A_956, %swap3A_957] {strides = array<i32>} : memref<128x32xf32, #tpu.memory_space<vmem>>, vector<16xf32>,
          tpu.vector_store %arg9[%swap3A_956, %swap3A_957], %select_n3A_915 {strides = array<i32>} : memref<128x32xf32, #tpu.memory_space<vmem>>, vector<16xf32>,
          %jit3A_959 = arith.constant 16 : i32
          %div3A_960 = arith.divsi %while3A_706, %jit3A_959 : i32
          %sign3A_961 = arith.constant 0 : i32
          %sign3A_962 = arith.cmpi sgt, %while3A_706, %sign3A_961 : i32
          %sign3A_963 = arith.extui %sign3A_962 : i1 to i32
          %sign3A_964 = arith.constant 0 : i32
          %sign3A_965 = arith.cmpi slt, %while3A_706, %sign3A_964 : i32
          %sign3A_966 = arith.extui %sign3A_965 : i1 to i32
          %sign3A_967 = arith.subi %sign3A_963, %sign3A_966 : i32
          %sign3A_968 = arith.constant 0 : i32
          %sign3A_969 = arith.cmpi sgt, %jit3A_959, %sign3A_968 : i32
          %sign3A_970 = arith.extui %sign3A_969 : i1 to i32
          %sign3A_971 = arith.constant 0 : i32
          %sign3A_972 = arith.cmpi slt, %jit3A_959, %sign3A_971 : i32
          %sign3A_973 = arith.extui %sign3A_972 : i1 to i32
          %sign3A_974 = arith.subi %sign3A_970, %sign3A_973 : i32
          %ne3A_975 = arith.cmpi ne, %sign3A_967, %sign3A_974 : i32
          %rem3A_976 = arith.remsi %while3A_706, %jit3A_959 : i32
          %ne3A_977 = arith.constant 0 : i32
          %ne3A_978 = arith.cmpi ne, %rem3A_976, %ne3A_977 : i32
          %and3A_979 = arith.andi %ne3A_975, %ne3A_978 : i1
          %sub3A_980 = arith.constant 1 : i32
          %sub3A_981 = arith.subi %div3A_960, %sub3A_980 : i32
          %select_n3A_982 = arith.select %and3A_979, %sub3A_981, %div3A_960 : i32
          %jit3A_983 = arith.constant 16 : i32
          %eq3A_984 = arith.constant 0 : i32
          %eq3A_985 = arith.cmpi eq, %jit3A_983, %eq3A_984 : i32
          %jit3A_986 = arith.constant 1 : i32
          %select_n3A_987 = arith.select %eq3A_985, %jit3A_986, %jit3A_983 : i32
          %rem3A_988 = arith.remsi %while3A_706, %select_n3A_987 : i32
          %ne3A_989 = arith.constant 0 : i32
          %ne3A_990 = arith.cmpi ne, %rem3A_988, %ne3A_989 : i32
          %lt3A_991 = arith.constant 0 : i32
          %lt3A_992 = arith.cmpi slt, %rem3A_988, %lt3A_991 : i32
          %lt3A_993 = arith.constant 0 : i32
          %lt3A_994 = arith.cmpi slt, %select_n3A_987, %lt3A_993 : i32
          %ne3A_995 = arith.xori %lt3A_992, %lt3A_994 : i1
          %and3A_996 = arith.andi %ne3A_995, %ne3A_990 : i1
          %add3A_997 = arith.addi %rem3A_988, %select_n3A_987 : i32
          %select_n3A_998 = arith.select %and3A_996, %add3A_997, %rem3A_988 : i32
          %get3A_999 = arith.index_cast %select_n3A_982 : i32 to index
          %get3A_1000 = arith.constant 0 : index
          %get3A_1001 = tpu.vector_load %arg11[%get3A_999, %get3A_1000] {strides = array<i32>} : memref<8x16xi32, #tpu.memory_space<vmem>>, vector<16xi32>,
          %eq3A_1002 = vector.broadcast %select_n3A_998 : i32 to vector<16xi32>
          %eq3A_1003 = arith.cmpi eq, %iota3A, %eq3A_1002 : vector<16xi32>
          %convert_element_type3A_1004 = arith.extui %eq3A_1003 : vector<16xi1> to vector<16xi32>
          %mul3A_1005 = arith.muli %gather3A_921, %convert_element_type3A_1004 : vector<16xi32>
          %add3A_1006 = arith.addi %get3A_1001, %mul3A_1005 : vector<16xi32>
          %swap3A_1007 = arith.index_cast %select_n3A_982 : i32 to index
          %swap3A_1008 = arith.constant 0 : index
          %swap3A_1009 = tpu.vector_load %arg11[%swap3A_1007, %swap3A_1008] {strides = array<i32>} : memref<8x16xi32, #tpu.memory_space<vmem>>, vector<16xi32>,
          tpu.vector_store %arg11[%swap3A_1007, %swap3A_1008], %add3A_1006 {strides = array<i32>} : memref<8x16xi32, #tpu.memory_space<vmem>>, vector<16xi32>,
        } else {
        }
        %add3A_931 = arith.constant 1 : i32
        %add3A_932 = arith.addi %while3A_706, %add3A_931 : i32
        %select_n3A_933 = arith.select %and3A_927, %add3A_932, %while3A_706 : i32
        %eq3A_934 = arith.constant 128 : i32
        %eq3A_935 = arith.cmpi eq, %select_n3A_933, %eq3A_934 : i32
        %convert_element_type3A_936 = arith.extui %eq3A_935 : i1 to i32
        %cond3A_937 = arith.constant 0 : i32
        %cond3A_938 = arith.cmpi ne, %convert_element_type3A_936, %cond3A_937 : i32
        scf.if %cond3A_938 {
          %get3A_953 = arith.constant 0 : i32
          %get3A_954 = arith.index_cast %get3A_953 : i32 to index
          %get3A_955 = arith.constant 0 : index
          %get3A_956 = tpu.vector_load %arg11[%get3A_954, %get3A_955] {strides = array<i32>} : memref<8x16xi32, #tpu.memory_space<vmem>>, vector<16xi32>,
          %swap3A_957 = arith.constant 0 : index
          %swap3A_958 = tpu.vector_load %arg10[%swap3A_957] {strides = array<i32>} : memref<128xi32, #tpu.memory_space<vmem>>, vector<16xi32>,
          tpu.vector_store %arg10[%swap3A_957], %get3A_956 {strides = array<i32>} : memref<128xi32, #tpu.memory_space<vmem>>, vector<16xi32>,
          %get3A_959 = arith.constant 1 : i32
          %get3A_960 = arith.index_cast %get3A_959 : i32 to index
          %get3A_961 = arith.constant 0 : index
          %get3A_962 = tpu.vector_load %arg11[%get3A_960, %get3A_961] {strides = array<i32>} : memref<8x16xi32, #tpu.memory_space<vmem>>, vector<16xi32>,
          %swap3A_963 = arith.constant 16 : index
          %swap3A_964 = tpu.vector_load %arg10[%swap3A_963] {strides = array<i32>} : memref<128xi32, #tpu.memory_space<vmem>>, vector<16xi32>,
          tpu.vector_store %arg10[%swap3A_963], %get3A_962 {strides = array<i32>} : memref<128xi32, #tpu.memory_space<vmem>>, vector<16xi32>,
          %get3A_965 = arith.constant 2 : i32
          %get3A_966 = arith.index_cast %get3A_965 : i32 to index
          %get3A_967 = arith.constant 0 : index
          %get3A_968 = tpu.vector_load %arg11[%get3A_966, %get3A_967] {strides = array<i32>} : memref<8x16xi32, #tpu.memory_space<vmem>>, vector<16xi32>,
          %swap3A_969 = arith.constant 32 : index
          %swap3A_970 = tpu.vector_load %arg10[%swap3A_969] {strides = array<i32>} : memref<128xi32, #tpu.memory_space<vmem>>, vector<16xi32>,
          tpu.vector_store %arg10[%swap3A_969], %get3A_968 {strides = array<i32>} : memref<128xi32, #tpu.memory_space<vmem>>, vector<16xi32>,
          %get3A_971 = arith.constant 3 : i32
          %get3A_972 = arith.index_cast %get3A_971 : i32 to index
          %get3A_973 = arith.constant 0 : index
          %get3A_974 = tpu.vector_load %arg11[%get3A_972, %get3A_973] {strides = array<i32>} : memref<8x16xi32, #tpu.memory_space<vmem>>, vector<16xi32>,
          %swap3A_975 = arith.constant 48 : index
          %swap3A_976 = tpu.vector_load %arg10[%swap3A_975] {strides = array<i32>} : memref<128xi32, #tpu.memory_space<vmem>>, vector<16xi32>,
          tpu.vector_store %arg10[%swap3A_975], %get3A_974 {strides = array<i32>} : memref<128xi32, #tpu.memory_space<vmem>>, vector<16xi32>,
          %get3A_977 = arith.constant 4 : i32
          %get3A_978 = arith.index_cast %get3A_977 : i32 to index
          %get3A_979 = arith.constant 0 : index
          %get3A_980 = tpu.vector_load %arg11[%get3A_978, %get3A_979] {strides = array<i32>} : memref<8x16xi32, #tpu.memory_space<vmem>>, vector<16xi32>,
          %swap3A_981 = arith.constant 64 : index
          %swap3A_982 = tpu.vector_load %arg10[%swap3A_981] {strides = array<i32>} : memref<128xi32, #tpu.memory_space<vmem>>, vector<16xi32>,
          tpu.vector_store %arg10[%swap3A_981], %get3A_980 {strides = array<i32>} : memref<128xi32, #tpu.memory_space<vmem>>, vector<16xi32>,
          %get3A_983 = arith.constant 5 : i32
          %get3A_984 = arith.index_cast %get3A_983 : i32 to index
          %get3A_985 = arith.constant 0 : index
          %get3A_986 = tpu.vector_load %arg11[%get3A_984, %get3A_985] {strides = array<i32>} : memref<8x16xi32, #tpu.memory_space<vmem>>, vector<16xi32>,
          %swap3A_987 = arith.constant 80 : index
          %swap3A_988 = tpu.vector_load %arg10[%swap3A_987] {strides = array<i32>} : memref<128xi32, #tpu.memory_space<vmem>>, vector<16xi32>,
          tpu.vector_store %arg10[%swap3A_987], %get3A_986 {strides = array<i32>} : memref<128xi32, #tpu.memory_space<vmem>>, vector<16xi32>,
          %get3A_989 = arith.constant 6 : i32
          %get3A_990 = arith.index_cast %get3A_989 : i32 to index
          %get3A_991 = arith.constant 0 : index
          %get3A_992 = tpu.vector_load %arg11[%get3A_990, %get3A_991] {strides = array<i32>} : memref<8x16xi32, #tpu.memory_space<vmem>>, vector<16xi32>,
          %swap3A_993 = arith.constant 96 : index
          %swap3A_994 = tpu.vector_load %arg10[%swap3A_993] {strides = array<i32>} : memref<128xi32, #tpu.memory_space<vmem>>, vector<16xi32>,
          tpu.vector_store %arg10[%swap3A_993], %get3A_992 {strides = array<i32>} : memref<128xi32, #tpu.memory_space<vmem>>, vector<16xi32>,
          %get3A_995 = arith.constant 7 : i32
          %get3A_996 = arith.index_cast %get3A_995 : i32 to index
          %get3A_997 = arith.constant 0 : index
          %get3A_998 = tpu.vector_load %arg11[%get3A_996, %get3A_997] {strides = array<i32>} : memref<8x16xi32, #tpu.memory_space<vmem>>, vector<16xi32>,
          %swap3A_999 = arith.constant 112 : index
          %swap3A_1000 = tpu.vector_load %arg10[%swap3A_999] {strides = array<i32>} : memref<128xi32, #tpu.memory_space<vmem>>, vector<16xi32>,
          tpu.vector_store %arg10[%swap3A_999], %get3A_998 {strides = array<i32>} : memref<128xi32, #tpu.memory_space<vmem>>, vector<16xi32>,
          "tpu.region"() ({
            %run_scoped3A = tpu.sem_alloc : memref<!tpu.dma_semaphore, #tpu.memory_space<semaphore_mem>>
            %dma_start3A = arith.constant 0 : i32
            %dma_start3A_1049 = arith.constant 0 : i32
            %dma_start3A_1050 = tpu.memref_slice %arg6[%dma_start3A, %dma_start3A_1049] : memref<100000x32xf32, #tpu.memory_space<hbm>> -> memref<100000x32xf32, #tpu.memory_space<hbm>>
            tpu.enqueue_indirect_dma source(%arg9 : memref<128x32xf32, #tpu.memory_space<vmem>>) target(%dma_start3A_1050 : memref<100000x32xf32, #tpu.memory_space<hbm>>) offsets(%arg10 : memref<128xi32, #tpu.memory_space<vmem>>) semaphore(%run_scoped3A : memref<!tpu.dma_semaphore, #tpu.memory_space<semaphore_mem>>)
            %dma_wait3A = arith.constant 0 : i32
            %dma_wait3A_1051 = arith.constant 0 : i32
            %dma_wait3A_1052 = tpu.memref_slice %arg6[%dma_wait3A, %dma_wait3A_1051] : memref<100000x32xf32, #tpu.memory_space<hbm>> -> memref<100000x32xf32, #tpu.memory_space<hbm>>
            tpu.wait_indirect_dma semaphore(%run_scoped3A : memref<!tpu.dma_semaphore, #tpu.memory_space<semaphore_mem>>) src(%arg9 : memref<128x32xf32, #tpu.memory_space<vmem>>) dst(%dma_wait3A_1052 : memref<100000x32xf32, #tpu.memory_space<hbm>>)
            tpu.yield
          }) : () -> ()
          %broadcast_in_dim3A_1001 = arith.constant 0 : i32
          %broadcast_in_dim3A_1002 = vector.broadcast %broadcast_in_dim3A_1001 : i32 to vector<16xi32>
          %swap3A_1003 = arith.constant 0 : i32
          %swap3A_1004 = arith.index_cast %swap3A_1003 : i32 to index
          %swap3A_1005 = arith.constant 0 : index
          %swap3A_1006 = tpu.vector_load %arg11[%swap3A_1004, %swap3A_1005] {strides = array<i32>} : memref<8x16xi32, #tpu.memory_space<vmem>>, vector<16xi32>,
          tpu.vector_store %arg11[%swap3A_1004, %swap3A_1005], %broadcast_in_dim3A_1002 {strides = array<i32>} : memref<8x16xi32, #tpu.memory_space<vmem>>, vector<16xi32>,
          %broadcast_in_dim3A_1007 = arith.constant 0 : i32
          %broadcast_in_dim3A_1008 = vector.broadcast %broadcast_in_dim3A_1007 : i32 to vector<16xi32>
          %swap3A_1009 = arith.constant 1 : i32
          %swap3A_1010 = arith.index_cast %swap3A_1009 : i32 to index
          %swap3A_1011 = arith.constant 0 : index
          %swap3A_1012 = tpu.vector_load %arg11[%swap3A_1010, %swap3A_1011] {strides = array<i32>} : memref<8x16xi32, #tpu.memory_space<vmem>>, vector<16xi32>,
          tpu.vector_store %arg11[%swap3A_1010, %swap3A_1011], %broadcast_in_dim3A_1008 {strides = array<i32>} : memref<8x16xi32, #tpu.memory_space<vmem>>, vector<16xi32>,
          %broadcast_in_dim3A_1013 = arith.constant 0 : i32
          %broadcast_in_dim3A_1014 = vector.broadcast %broadcast_in_dim3A_1013 : i32 to vector<16xi32>
          %swap3A_1015 = arith.constant 2 : i32
          %swap3A_1016 = arith.index_cast %swap3A_1015 : i32 to index
          %swap3A_1017 = arith.constant 0 : index
          %swap3A_1018 = tpu.vector_load %arg11[%swap3A_1016, %swap3A_1017] {strides = array<i32>} : memref<8x16xi32, #tpu.memory_space<vmem>>, vector<16xi32>,
          tpu.vector_store %arg11[%swap3A_1016, %swap3A_1017], %broadcast_in_dim3A_1014 {strides = array<i32>} : memref<8x16xi32, #tpu.memory_space<vmem>>, vector<16xi32>,
          %broadcast_in_dim3A_1019 = arith.constant 0 : i32
          %broadcast_in_dim3A_1020 = vector.broadcast %broadcast_in_dim3A_1019 : i32 to vector<16xi32>
          %swap3A_1021 = arith.constant 3 : i32
          %swap3A_1022 = arith.index_cast %swap3A_1021 : i32 to index
          %swap3A_1023 = arith.constant 0 : index
          %swap3A_1024 = tpu.vector_load %arg11[%swap3A_1022, %swap3A_1023] {strides = array<i32>} : memref<8x16xi32, #tpu.memory_space<vmem>>, vector<16xi32>,
          tpu.vector_store %arg11[%swap3A_1022, %swap3A_1023], %broadcast_in_dim3A_1020 {strides = array<i32>} : memref<8x16xi32, #tpu.memory_space<vmem>>, vector<16xi32>,
          %broadcast_in_dim3A_1025 = arith.constant 0 : i32
          %broadcast_in_dim3A_1026 = vector.broadcast %broadcast_in_dim3A_1025 : i32 to vector<16xi32>
          %swap3A_1027 = arith.constant 4 : i32
          %swap3A_1028 = arith.index_cast %swap3A_1027 : i32 to index
          %swap3A_1029 = arith.constant 0 : index
          %swap3A_1030 = tpu.vector_load %arg11[%swap3A_1028, %swap3A_1029] {strides = array<i32>} : memref<8x16xi32, #tpu.memory_space<vmem>>, vector<16xi32>,
          tpu.vector_store %arg11[%swap3A_1028, %swap3A_1029], %broadcast_in_dim3A_1026 {strides = array<i32>} : memref<8x16xi32, #tpu.memory_space<vmem>>, vector<16xi32>,
          %broadcast_in_dim3A_1031 = arith.constant 0 : i32
          %broadcast_in_dim3A_1032 = vector.broadcast %broadcast_in_dim3A_1031 : i32 to vector<16xi32>
          %swap3A_1033 = arith.constant 5 : i32
          %swap3A_1034 = arith.index_cast %swap3A_1033 : i32 to index
          %swap3A_1035 = arith.constant 0 : index
          %swap3A_1036 = tpu.vector_load %arg11[%swap3A_1034, %swap3A_1035] {strides = array<i32>} : memref<8x16xi32, #tpu.memory_space<vmem>>, vector<16xi32>,
          tpu.vector_store %arg11[%swap3A_1034, %swap3A_1035], %broadcast_in_dim3A_1032 {strides = array<i32>} : memref<8x16xi32, #tpu.memory_space<vmem>>, vector<16xi32>,
          %broadcast_in_dim3A_1037 = arith.constant 0 : i32
          %broadcast_in_dim3A_1038 = vector.broadcast %broadcast_in_dim3A_1037 : i32 to vector<16xi32>
          %swap3A_1039 = arith.constant 6 : i32
          %swap3A_1040 = arith.index_cast %swap3A_1039 : i32 to index
          %swap3A_1041 = arith.constant 0 : index
          %swap3A_1042 = tpu.vector_load %arg11[%swap3A_1040, %swap3A_1041] {strides = array<i32>} : memref<8x16xi32, #tpu.memory_space<vmem>>, vector<16xi32>,
          tpu.vector_store %arg11[%swap3A_1040, %swap3A_1041], %broadcast_in_dim3A_1038 {strides = array<i32>} : memref<8x16xi32, #tpu.memory_space<vmem>>, vector<16xi32>,
          %broadcast_in_dim3A_1043 = arith.constant 0 : i32
          %broadcast_in_dim3A_1044 = vector.broadcast %broadcast_in_dim3A_1043 : i32 to vector<16xi32>
          %swap3A_1045 = arith.constant 7 : i32
          %swap3A_1046 = arith.index_cast %swap3A_1045 : i32 to index
          %swap3A_1047 = arith.constant 0 : index
          %swap3A_1048 = tpu.vector_load %arg11[%swap3A_1046, %swap3A_1047] {strides = array<i32>} : memref<8x16xi32, #tpu.memory_space<vmem>>, vector<16xi32>,
          tpu.vector_store %arg11[%swap3A_1046, %swap3A_1047], %broadcast_in_dim3A_1044 {strides = array<i32>} : memref<8x16xi32, #tpu.memory_space<vmem>>, vector<16xi32>,
        } else {
        }
        %eq3A_939 = arith.constant 128 : i32
        %eq3A_940 = arith.cmpi eq, %select_n3A_933, %eq3A_939 : i32
        %jit3A_941 = arith.constant 0 : i32
        %select_n3A_942 = arith.select %eq3A_940, %jit3A_941, %select_n3A_933 : i32
        %add3A_943 = arith.addi %while3A_201, %reduce_max3A_718 : i32
        %ge3A_944 = arith.cmpi sge, %add3A_943, %sub3A_5 : i32
        %and3A_945 = arith.andi %lt3A_873, %ge3A_944 : i1
        %jit3A_946 = arith.constant 1 : i32
        %select_n3A_947 = arith.select %and3A_945, %jit3A_946, %while3A_707 : i32
        %jit3A_948 = arith.constant 1 : i32
        %select_n3A_949 = arith.select %lt3A_873, %jit3A_948, %while3A_705 : i32
        %select_n3A_950 = arith.select %lt3A_873, %broadcast_in_dim3A_141, %add3A_871 : vector<16xf32>
        %select_n3A_951 = arith.select %lt3A_873, %broadcast_in_dim3A_141, %add3A_865 : vector<16xf32>
        %select_n3A_952 = arith.select %lt3A_873, %broadcast_in_dim3A_141, %add3A_867 : vector<16xf32>
        scf.yield %min3A_722, %select_n3A_950, %select_n3A_951, %select_n3A_952, %select_n3A_949, %select_n3A_942, %select_n3A_947 : i32, vector<16xf32>, vector<16xf32>, vector<16xf32>, i32, i32, i32
      }
      %add3A_699 = arith.constant 16 : i32
      %add3A_700 = arith.addi %while3A_201, %add3A_699 : i32
      scf.yield %add3A_700, %select_n3A_215, %while3A_698#1, %while3A_698#2, %while3A_698#3, %while3A_698#4, %while3A_698#5, %while3A_698#6 : i32, i32, vector<16xf32>, vector<16xf32>, vector<16xf32>, i32, i32, i32
    }
    %gt3A = arith.constant 0 : i32
    %gt3A_198 = arith.cmpi sgt, %while3A_197#6, %gt3A : i32
    %convert_element_type3A_199 = arith.extui %gt3A_198 : i1 to i32
    %cond3A = arith.constant 0 : i32
    %cond3A_200 = arith.cmpi ne, %convert_element_type3A_199, %cond3A : i32
    scf.if %cond3A_200 {
      %sub3A_201 = arith.constant 1 : i32
      %sub3A_202 = arith.subi %while3A_197#6, %sub3A_201 : i32
      %get3A_203 = arith.index_cast %sub3A_202 : i32 to index
      %get3A_204 = arith.constant 0 : index
      %get3A_205 = tpu.vector_load %arg9[%get3A_203, %get3A_204] {strides = array<i32>} : memref<128x32xf32, #tpu.memory_space<vmem>>, vector<16xf32>,
      %get3A_206 = arith.index_cast %sub3A_202 : i32 to index
      %get3A_207 = arith.constant 16 : index
      %get3A_208 = tpu.vector_load %arg9[%get3A_206, %get3A_207] {strides = array<i32>} : memref<128x32xf32, #tpu.memory_space<vmem>>, vector<16xf32>,
      %jit3A_209 = arith.constant 16 : i32
      %div3A_210 = arith.divsi %sub3A_202, %jit3A_209 : i32
      %sign3A_211 = arith.constant 0 : i32
      %sign3A_212 = arith.cmpi sgt, %sub3A_202, %sign3A_211 : i32
      %sign3A_213 = arith.extui %sign3A_212 : i1 to i32
      %sign3A_214 = arith.constant 0 : i32
      %sign3A_215 = arith.cmpi slt, %sub3A_202, %sign3A_214 : i32
      %sign3A_216 = arith.extui %sign3A_215 : i1 to i32
      %sign3A_217 = arith.subi %sign3A_213, %sign3A_216 : i32
      %sign3A_218 = arith.constant 0 : i32
      %sign3A_219 = arith.cmpi sgt, %jit3A_209, %sign3A_218 : i32
      %sign3A_220 = arith.extui %sign3A_219 : i1 to i32
      %sign3A_221 = arith.constant 0 : i32
      %sign3A_222 = arith.cmpi slt, %jit3A_209, %sign3A_221 : i32
      %sign3A_223 = arith.extui %sign3A_222 : i1 to i32
      %sign3A_224 = arith.subi %sign3A_220, %sign3A_223 : i32
      %ne3A_225 = arith.cmpi ne, %sign3A_217, %sign3A_224 : i32
      %rem3A_226 = arith.remsi %sub3A_202, %jit3A_209 : i32
      %ne3A_227 = arith.constant 0 : i32
      %ne3A_228 = arith.cmpi ne, %rem3A_226, %ne3A_227 : i32
      %and3A_229 = arith.andi %ne3A_225, %ne3A_228 : i1
      %sub3A_230 = arith.constant 1 : i32
      %sub3A_231 = arith.subi %div3A_210, %sub3A_230 : i32
      %select_n3A_232 = arith.select %and3A_229, %sub3A_231, %div3A_210 : i32
      %get3A_233 = arith.index_cast %select_n3A_232 : i32 to index
      %get3A_234 = arith.constant 0 : index
      %get3A_235 = tpu.vector_load %arg11[%get3A_233, %get3A_234] {strides = array<i32>} : memref<8x16xi32, #tpu.memory_space<vmem>>, vector<16xi32>,
      %jit3A_236 = arith.constant 16 : i32
      %eq3A_237 = arith.constant 0 : i32
      %eq3A_238 = arith.cmpi eq, %jit3A_236, %eq3A_237 : i32
      %jit3A_239 = arith.constant 1 : i32
      %select_n3A_240 = arith.select %eq3A_238, %jit3A_239, %jit3A_236 : i32
      %rem3A_241 = arith.remsi %sub3A_202, %select_n3A_240 : i32
      %ne3A_242 = arith.constant 0 : i32
      %ne3A_243 = arith.cmpi ne, %rem3A_241, %ne3A_242 : i32
      %lt3A_244 = arith.constant 0 : i32
      %lt3A_245 = arith.cmpi slt, %rem3A_241, %lt3A_244 : i32
      %lt3A_246 = arith.constant 0 : i32
      %lt3A_247 = arith.cmpi slt, %select_n3A_240, %lt3A_246 : i32
      %ne3A_248 = arith.xori %lt3A_245, %lt3A_247 : i1
      %and3A_249 = arith.andi %ne3A_248, %ne3A_243 : i1
      %add3A_250 = arith.addi %rem3A_241, %select_n3A_240 : i32
      %select_n3A_251 = arith.select %and3A_249, %add3A_250, %rem3A_241 : i32
      %broadcast_in_dim3A_252 = vector.broadcast %select_n3A_251 : i32 to vector<16xi32>
      %broadcast_in_dim3A_253 = vector.shape_cast %broadcast_in_dim3A_252 : vector<16xi32> to vector<16x1xi32>
      %gather3A_254 = vector.shape_cast %broadcast_in_dim3A_253 : vector<16x1xi32> to vector<16xi32>
      %gather3A_255 = tpu.dynamic_gather %get3A_235[%gather3A_254] in [0] : vector<16xi32>, vector<16xi32> -> vector<16xi32>
      %while3A_256 = arith.constant 0 : i32
      %while3A_257 = arith.constant 128 : i32
      %while3A_258 = arith.subi %while3A_257, %while3A_197#6 : i32
      %while3A_259 = arith.addi %while3A_197#6, %while3A_258 : i32
      %while3A_260 = arith.constant 1 : i32
      %while3A_261 = arith.divsi %while3A_258, %while3A_260 : i32
      %while3A_262 = arith.muli %while3A_261, %while3A_260 : i32
      %while3A_263 = arith.addi %while3A_197#6, %while3A_262 : i32
      %while3A_264 = arith.constant 1 : i32
      scf.for %while3A_362 = %while3A_197#6 to %while3A_263 step %while3A_264  : i32 {
        %swap3A_363 = arith.index_cast %while3A_362 : i32 to index
        %swap3A_364 = arith.constant 0 : index
        %swap3A_365 = tpu.vector_load %arg9[%swap3A_363, %swap3A_364] {strides = array<i32>} : memref<128x32xf32, #tpu.memory_space<vmem>>, vector<16xf32>,
        tpu.vector_store %arg9[%swap3A_363, %swap3A_364], %get3A_205 {strides = array<i32>} : memref<128x32xf32, #tpu.memory_space<vmem>>, vector<16xf32>,
        %swap3A_366 = arith.index_cast %while3A_362 : i32 to index
        %swap3A_367 = arith.constant 16 : index
        %swap3A_368 = tpu.vector_load %arg9[%swap3A_366, %swap3A_367] {strides = array<i32>} : memref<128x32xf32, #tpu.memory_space<vmem>>, vector<16xf32>,
        tpu.vector_store %arg9[%swap3A_366, %swap3A_367], %get3A_208 {strides = array<i32>} : memref<128x32xf32, #tpu.memory_space<vmem>>, vector<16xf32>,
        %jit3A_369 = arith.constant 16 : i32
        %div3A_370 = arith.divsi %while3A_362, %jit3A_369 : i32
        %sign3A_371 = arith.constant 0 : i32
        %sign3A_372 = arith.cmpi sgt, %while3A_362, %sign3A_371 : i32
        %sign3A_373 = arith.extui %sign3A_372 : i1 to i32
        %sign3A_374 = arith.constant 0 : i32
        %sign3A_375 = arith.cmpi slt, %while3A_362, %sign3A_374 : i32
        %sign3A_376 = arith.extui %sign3A_375 : i1 to i32
        %sign3A_377 = arith.subi %sign3A_373, %sign3A_376 : i32
        %sign3A_378 = arith.constant 0 : i32
        %sign3A_379 = arith.cmpi sgt, %jit3A_369, %sign3A_378 : i32
        %sign3A_380 = arith.extui %sign3A_379 : i1 to i32
        %sign3A_381 = arith.constant 0 : i32
        %sign3A_382 = arith.cmpi slt, %jit3A_369, %sign3A_381 : i32
        %sign3A_383 = arith.extui %sign3A_382 : i1 to i32
        %sign3A_384 = arith.subi %sign3A_380, %sign3A_383 : i32
        %ne3A_385 = arith.cmpi ne, %sign3A_377, %sign3A_384 : i32
        %rem3A_386 = arith.remsi %while3A_362, %jit3A_369 : i32
        %ne3A_387 = arith.constant 0 : i32
        %ne3A_388 = arith.cmpi ne, %rem3A_386, %ne3A_387 : i32
        %and3A_389 = arith.andi %ne3A_385, %ne3A_388 : i1
        %sub3A_390 = arith.constant 1 : i32
        %sub3A_391 = arith.subi %div3A_370, %sub3A_390 : i32
        %select_n3A_392 = arith.select %and3A_389, %sub3A_391, %div3A_370 : i32
        %get3A_393 = arith.index_cast %select_n3A_392 : i32 to index
        %get3A_394 = arith.constant 0 : index
        %get3A_395 = tpu.vector_load %arg11[%get3A_393, %get3A_394] {strides = array<i32>} : memref<8x16xi32, #tpu.memory_space<vmem>>, vector<16xi32>,
        %jit3A_396 = arith.constant 16 : i32
        %eq3A_397 = arith.constant 0 : i32
        %eq3A_398 = arith.cmpi eq, %jit3A_396, %eq3A_397 : i32
        %jit3A_399 = arith.constant 1 : i32
        %select_n3A_400 = arith.select %eq3A_398, %jit3A_399, %jit3A_396 : i32
        %rem3A_401 = arith.remsi %while3A_362, %select_n3A_400 : i32
        %ne3A_402 = arith.constant 0 : i32
        %ne3A_403 = arith.cmpi ne, %rem3A_401, %ne3A_402 : i32
        %lt3A_404 = arith.constant 0 : i32
        %lt3A_405 = arith.cmpi slt, %rem3A_401, %lt3A_404 : i32
        %lt3A_406 = arith.constant 0 : i32
        %lt3A_407 = arith.cmpi slt, %select_n3A_400, %lt3A_406 : i32
        %ne3A_408 = arith.xori %lt3A_405, %lt3A_407 : i1
        %and3A_409 = arith.andi %ne3A_408, %ne3A_403 : i1
        %add3A_410 = arith.addi %rem3A_401, %select_n3A_400 : i32
        %select_n3A_411 = arith.select %and3A_409, %add3A_410, %rem3A_401 : i32
        %eq3A_412 = vector.broadcast %select_n3A_411 : i32 to vector<16xi32>
        %eq3A_413 = arith.cmpi eq, %iota3A, %eq3A_412 : vector<16xi32>
        %convert_element_type3A_414 = arith.extui %eq3A_413 : vector<16xi1> to vector<16xi32>
        %mul3A_415 = arith.muli %gather3A_255, %convert_element_type3A_414 : vector<16xi32>
        %add3A_416 = arith.addi %get3A_395, %mul3A_415 : vector<16xi32>
        %jit3A_417 = arith.constant 16 : i32
        %div3A_418 = arith.divsi %while3A_362, %jit3A_417 : i32
        %sign3A_419 = arith.constant 0 : i32
        %sign3A_420 = arith.cmpi sgt, %while3A_362, %sign3A_419 : i32
        %sign3A_421 = arith.extui %sign3A_420 : i1 to i32
        %sign3A_422 = arith.constant 0 : i32
        %sign3A_423 = arith.cmpi slt, %while3A_362, %sign3A_422 : i32
        %sign3A_424 = arith.extui %sign3A_423 : i1 to i32
        %sign3A_425 = arith.subi %sign3A_421, %sign3A_424 : i32
        %sign3A_426 = arith.constant 0 : i32
        %sign3A_427 = arith.cmpi sgt, %jit3A_417, %sign3A_426 : i32
        %sign3A_428 = arith.extui %sign3A_427 : i1 to i32
        %sign3A_429 = arith.constant 0 : i32
        %sign3A_430 = arith.cmpi slt, %jit3A_417, %sign3A_429 : i32
        %sign3A_431 = arith.extui %sign3A_430 : i1 to i32
        %sign3A_432 = arith.subi %sign3A_428, %sign3A_431 : i32
        %ne3A_433 = arith.cmpi ne, %sign3A_425, %sign3A_432 : i32
        %rem3A_434 = arith.remsi %while3A_362, %jit3A_417 : i32
        %ne3A_435 = arith.constant 0 : i32
        %ne3A_436 = arith.cmpi ne, %rem3A_434, %ne3A_435 : i32
        %and3A_437 = arith.andi %ne3A_433, %ne3A_436 : i1
        %sub3A_438 = arith.constant 1 : i32
        %sub3A_439 = arith.subi %div3A_418, %sub3A_438 : i32
        %select_n3A_440 = arith.select %and3A_437, %sub3A_439, %div3A_418 : i32
        %swap3A_441 = arith.index_cast %select_n3A_440 : i32 to index
        %swap3A_442 = arith.constant 0 : index
        %swap3A_443 = tpu.vector_load %arg11[%swap3A_441, %swap3A_442] {strides = array<i32>} : memref<8x16xi32, #tpu.memory_space<vmem>>, vector<16xi32>,
        tpu.vector_store %arg11[%swap3A_441, %swap3A_442], %add3A_416 {strides = array<i32>} : memref<8x16xi32, #tpu.memory_space<vmem>>, vector<16xi32>,
      }
      %while3A_265 = arith.constant 1 : i32
      scf.for %while3A_362 = %while3A_263 to %while3A_259 step %while3A_265  : i32 {
        %swap3A_363 = arith.index_cast %while3A_362 : i32 to index
        %swap3A_364 = arith.constant 0 : index
        %swap3A_365 = tpu.vector_load %arg9[%swap3A_363, %swap3A_364] {strides = array<i32>} : memref<128x32xf32, #tpu.memory_space<vmem>>, vector<16xf32>,
        tpu.vector_store %arg9[%swap3A_363, %swap3A_364], %get3A_205 {strides = array<i32>} : memref<128x32xf32, #tpu.memory_space<vmem>>, vector<16xf32>,
        %swap3A_366 = arith.index_cast %while3A_362 : i32 to index
        %swap3A_367 = arith.constant 16 : index
        %swap3A_368 = tpu.vector_load %arg9[%swap3A_366, %swap3A_367] {strides = array<i32>} : memref<128x32xf32, #tpu.memory_space<vmem>>, vector<16xf32>,
        tpu.vector_store %arg9[%swap3A_366, %swap3A_367], %get3A_208 {strides = array<i32>} : memref<128x32xf32, #tpu.memory_space<vmem>>, vector<16xf32>,
        %jit3A_369 = arith.constant 16 : i32
        %div3A_370 = arith.divsi %while3A_362, %jit3A_369 : i32
        %sign3A_371 = arith.constant 0 : i32
        %sign3A_372 = arith.cmpi sgt, %while3A_362, %sign3A_371 : i32
        %sign3A_373 = arith.extui %sign3A_372 : i1 to i32
        %sign3A_374 = arith.constant 0 : i32
        %sign3A_375 = arith.cmpi slt, %while3A_362, %sign3A_374 : i32
        %sign3A_376 = arith.extui %sign3A_375 : i1 to i32
        %sign3A_377 = arith.subi %sign3A_373, %sign3A_376 : i32
        %sign3A_378 = arith.constant 0 : i32
        %sign3A_379 = arith.cmpi sgt, %jit3A_369, %sign3A_378 : i32
        %sign3A_380 = arith.extui %sign3A_379 : i1 to i32
        %sign3A_381 = arith.constant 0 : i32
        %sign3A_382 = arith.cmpi slt, %jit3A_369, %sign3A_381 : i32
        %sign3A_383 = arith.extui %sign3A_382 : i1 to i32
        %sign3A_384 = arith.subi %sign3A_380, %sign3A_383 : i32
        %ne3A_385 = arith.cmpi ne, %sign3A_377, %sign3A_384 : i32
        %rem3A_386 = arith.remsi %while3A_362, %jit3A_369 : i32
        %ne3A_387 = arith.constant 0 : i32
        %ne3A_388 = arith.cmpi ne, %rem3A_386, %ne3A_387 : i32
        %and3A_389 = arith.andi %ne3A_385, %ne3A_388 : i1
        %sub3A_390 = arith.constant 1 : i32
        %sub3A_391 = arith.subi %div3A_370, %sub3A_390 : i32
        %select_n3A_392 = arith.select %and3A_389, %sub3A_391, %div3A_370 : i32
        %get3A_393 = arith.index_cast %select_n3A_392 : i32 to index
        %get3A_394 = arith.constant 0 : index
        %get3A_395 = tpu.vector_load %arg11[%get3A_393, %get3A_394] {strides = array<i32>} : memref<8x16xi32, #tpu.memory_space<vmem>>, vector<16xi32>,
        %jit3A_396 = arith.constant 16 : i32
        %eq3A_397 = arith.constant 0 : i32
        %eq3A_398 = arith.cmpi eq, %jit3A_396, %eq3A_397 : i32
        %jit3A_399 = arith.constant 1 : i32
        %select_n3A_400 = arith.select %eq3A_398, %jit3A_399, %jit3A_396 : i32
        %rem3A_401 = arith.remsi %while3A_362, %select_n3A_400 : i32
        %ne3A_402 = arith.constant 0 : i32
        %ne3A_403 = arith.cmpi ne, %rem3A_401, %ne3A_402 : i32
        %lt3A_404 = arith.constant 0 : i32
        %lt3A_405 = arith.cmpi slt, %rem3A_401, %lt3A_404 : i32
        %lt3A_406 = arith.constant 0 : i32
        %lt3A_407 = arith.cmpi slt, %select_n3A_400, %lt3A_406 : i32
        %ne3A_408 = arith.xori %lt3A_405, %lt3A_407 : i1
        %and3A_409 = arith.andi %ne3A_408, %ne3A_403 : i1
        %add3A_410 = arith.addi %rem3A_401, %select_n3A_400 : i32
        %select_n3A_411 = arith.select %and3A_409, %add3A_410, %rem3A_401 : i32
        %eq3A_412 = vector.broadcast %select_n3A_411 : i32 to vector<16xi32>
        %eq3A_413 = arith.cmpi eq, %iota3A, %eq3A_412 : vector<16xi32>
        %convert_element_type3A_414 = arith.extui %eq3A_413 : vector<16xi1> to vector<16xi32>
        %mul3A_415 = arith.muli %gather3A_255, %convert_element_type3A_414 : vector<16xi32>
        %add3A_416 = arith.addi %get3A_395, %mul3A_415 : vector<16xi32>
        %jit3A_417 = arith.constant 16 : i32
        %div3A_418 = arith.divsi %while3A_362, %jit3A_417 : i32
        %sign3A_419 = arith.constant 0 : i32
        %sign3A_420 = arith.cmpi sgt, %while3A_362, %sign3A_419 : i32
        %sign3A_421 = arith.extui %sign3A_420 : i1 to i32
        %sign3A_422 = arith.constant 0 : i32
        %sign3A_423 = arith.cmpi slt, %while3A_362, %sign3A_422 : i32
        %sign3A_424 = arith.extui %sign3A_423 : i1 to i32
        %sign3A_425 = arith.subi %sign3A_421, %sign3A_424 : i32
        %sign3A_426 = arith.constant 0 : i32
        %sign3A_427 = arith.cmpi sgt, %jit3A_417, %sign3A_426 : i32
        %sign3A_428 = arith.extui %sign3A_427 : i1 to i32
        %sign3A_429 = arith.constant 0 : i32
        %sign3A_430 = arith.cmpi slt, %jit3A_417, %sign3A_429 : i32
        %sign3A_431 = arith.extui %sign3A_430 : i1 to i32
        %sign3A_432 = arith.subi %sign3A_428, %sign3A_431 : i32
        %ne3A_433 = arith.cmpi ne, %sign3A_425, %sign3A_432 : i32
        %rem3A_434 = arith.remsi %while3A_362, %jit3A_417 : i32
        %ne3A_435 = arith.constant 0 : i32
        %ne3A_436 = arith.cmpi ne, %rem3A_434, %ne3A_435 : i32
        %and3A_437 = arith.andi %ne3A_433, %ne3A_436 : i1
        %sub3A_438 = arith.constant 1 : i32
        %sub3A_439 = arith.subi %div3A_418, %sub3A_438 : i32
        %select_n3A_440 = arith.select %and3A_437, %sub3A_439, %div3A_418 : i32
        %swap3A_441 = arith.index_cast %select_n3A_440 : i32 to index
        %swap3A_442 = arith.constant 0 : index
        %swap3A_443 = tpu.vector_load %arg11[%swap3A_441, %swap3A_442] {strides = array<i32>} : memref<8x16xi32, #tpu.memory_space<vmem>>, vector<16xi32>,
        tpu.vector_store %arg11[%swap3A_441, %swap3A_442], %add3A_416 {strides = array<i32>} : memref<8x16xi32, #tpu.memory_space<vmem>>, vector<16xi32>,
      }
      %get3A_266 = arith.constant 0 : i32
      %get3A_267 = arith.index_cast %get3A_266 : i32 to index
      %get3A_268 = arith.constant 0 : index
      %get3A_269 = tpu.vector_load %arg11[%get3A_267, %get3A_268] {strides = array<i32>} : memref<8x16xi32, #tpu.memory_space<vmem>>, vector<16xi32>,
      %swap3A_270 = arith.constant 0 : index
      %swap3A_271 = tpu.vector_load %arg10[%swap3A_270] {strides = array<i32>} : memref<128xi32, #tpu.memory_space<vmem>>, vector<16xi32>,
      tpu.vector_store %arg10[%swap3A_270], %get3A_269 {strides = array<i32>} : memref<128xi32, #tpu.memory_space<vmem>>, vector<16xi32>,
      %get3A_272 = arith.constant 1 : i32
      %get3A_273 = arith.index_cast %get3A_272 : i32 to index
      %get3A_274 = arith.constant 0 : index
      %get3A_275 = tpu.vector_load %arg11[%get3A_273, %get3A_274] {strides = array<i32>} : memref<8x16xi32, #tpu.memory_space<vmem>>, vector<16xi32>,
      %swap3A_276 = arith.constant 16 : index
      %swap3A_277 = tpu.vector_load %arg10[%swap3A_276] {strides = array<i32>} : memref<128xi32, #tpu.memory_space<vmem>>, vector<16xi32>,
      tpu.vector_store %arg10[%swap3A_276], %get3A_275 {strides = array<i32>} : memref<128xi32, #tpu.memory_space<vmem>>, vector<16xi32>,
      %get3A_278 = arith.constant 2 : i32
      %get3A_279 = arith.index_cast %get3A_278 : i32 to index
      %get3A_280 = arith.constant 0 : index
      %get3A_281 = tpu.vector_load %arg11[%get3A_279, %get3A_280] {strides = array<i32>} : memref<8x16xi32, #tpu.memory_space<vmem>>, vector<16xi32>,
      %swap3A_282 = arith.constant 32 : index
      %swap3A_283 = tpu.vector_load %arg10[%swap3A_282] {strides = array<i32>} : memref<128xi32, #tpu.memory_space<vmem>>, vector<16xi32>,
      tpu.vector_store %arg10[%swap3A_282], %get3A_281 {strides = array<i32>} : memref<128xi32, #tpu.memory_space<vmem>>, vector<16xi32>,
      %get3A_284 = arith.constant 3 : i32
      %get3A_285 = arith.index_cast %get3A_284 : i32 to index
      %get3A_286 = arith.constant 0 : index
      %get3A_287 = tpu.vector_load %arg11[%get3A_285, %get3A_286] {strides = array<i32>} : memref<8x16xi32, #tpu.memory_space<vmem>>, vector<16xi32>,
      %swap3A_288 = arith.constant 48 : index
      %swap3A_289 = tpu.vector_load %arg10[%swap3A_288] {strides = array<i32>} : memref<128xi32, #tpu.memory_space<vmem>>, vector<16xi32>,
      tpu.vector_store %arg10[%swap3A_288], %get3A_287 {strides = array<i32>} : memref<128xi32, #tpu.memory_space<vmem>>, vector<16xi32>,
      %get3A_290 = arith.constant 4 : i32
      %get3A_291 = arith.index_cast %get3A_290 : i32 to index
      %get3A_292 = arith.constant 0 : index
      %get3A_293 = tpu.vector_load %arg11[%get3A_291, %get3A_292] {strides = array<i32>} : memref<8x16xi32, #tpu.memory_space<vmem>>, vector<16xi32>,
      %swap3A_294 = arith.constant 64 : index
      %swap3A_295 = tpu.vector_load %arg10[%swap3A_294] {strides = array<i32>} : memref<128xi32, #tpu.memory_space<vmem>>, vector<16xi32>,
      tpu.vector_store %arg10[%swap3A_294], %get3A_293 {strides = array<i32>} : memref<128xi32, #tpu.memory_space<vmem>>, vector<16xi32>,
      %get3A_296 = arith.constant 5 : i32
      %get3A_297 = arith.index_cast %get3A_296 : i32 to index
      %get3A_298 = arith.constant 0 : index
      %get3A_299 = tpu.vector_load %arg11[%get3A_297, %get3A_298] {strides = array<i32>} : memref<8x16xi32, #tpu.memory_space<vmem>>, vector<16xi32>,
      %swap3A_300 = arith.constant 80 : index
      %swap3A_301 = tpu.vector_load %arg10[%swap3A_300] {strides = array<i32>} : memref<128xi32, #tpu.memory_space<vmem>>, vector<16xi32>,
      tpu.vector_store %arg10[%swap3A_300], %get3A_299 {strides = array<i32>} : memref<128xi32, #tpu.memory_space<vmem>>, vector<16xi32>,
      %get3A_302 = arith.constant 6 : i32
      %get3A_303 = arith.index_cast %get3A_302 : i32 to index
      %get3A_304 = arith.constant 0 : index
      %get3A_305 = tpu.vector_load %arg11[%get3A_303, %get3A_304] {strides = array<i32>} : memref<8x16xi32, #tpu.memory_space<vmem>>, vector<16xi32>,
      %swap3A_306 = arith.constant 96 : index
      %swap3A_307 = tpu.vector_load %arg10[%swap3A_306] {strides = array<i32>} : memref<128xi32, #tpu.memory_space<vmem>>, vector<16xi32>,
      tpu.vector_store %arg10[%swap3A_306], %get3A_305 {strides = array<i32>} : memref<128xi32, #tpu.memory_space<vmem>>, vector<16xi32>,
      %get3A_308 = arith.constant 7 : i32
      %get3A_309 = arith.index_cast %get3A_308 : i32 to index
      %get3A_310 = arith.constant 0 : index
      %get3A_311 = tpu.vector_load %arg11[%get3A_309, %get3A_310] {strides = array<i32>} : memref<8x16xi32, #tpu.memory_space<vmem>>, vector<16xi32>,
      %swap3A_312 = arith.constant 112 : index
      %swap3A_313 = tpu.vector_load %arg10[%swap3A_312] {strides = array<i32>} : memref<128xi32, #tpu.memory_space<vmem>>, vector<16xi32>,
      tpu.vector_store %arg10[%swap3A_312], %get3A_311 {strides = array<i32>} : memref<128xi32, #tpu.memory_space<vmem>>, vector<16xi32>,
      "tpu.region"() ({
        %run_scoped3A = tpu.sem_alloc : memref<!tpu.dma_semaphore, #tpu.memory_space<semaphore_mem>>
        %dma_start3A = arith.constant 0 : i32
        %dma_start3A_362 = arith.constant 0 : i32
        %dma_start3A_363 = tpu.memref_slice %arg6[%dma_start3A, %dma_start3A_362] : memref<100000x32xf32, #tpu.memory_space<hbm>> -> memref<100000x32xf32, #tpu.memory_space<hbm>>
        tpu.enqueue_indirect_dma source(%arg9 : memref<128x32xf32, #tpu.memory_space<vmem>>) target(%dma_start3A_363 : memref<100000x32xf32, #tpu.memory_space<hbm>>) offsets(%arg10 : memref<128xi32, #tpu.memory_space<vmem>>) semaphore(%run_scoped3A : memref<!tpu.dma_semaphore, #tpu.memory_space<semaphore_mem>>)
        %dma_wait3A = arith.constant 0 : i32
        %dma_wait3A_364 = arith.constant 0 : i32
        %dma_wait3A_365 = tpu.memref_slice %arg6[%dma_wait3A, %dma_wait3A_364] : memref<100000x32xf32, #tpu.memory_space<hbm>> -> memref<100000x32xf32, #tpu.memory_space<hbm>>
        tpu.wait_indirect_dma semaphore(%run_scoped3A : memref<!tpu.dma_semaphore, #tpu.memory_space<semaphore_mem>>) src(%arg9 : memref<128x32xf32, #tpu.memory_space<vmem>>) dst(%dma_wait3A_365 : memref<100000x32xf32, #tpu.memory_space<hbm>>)
        tpu.yield
      }) : () -> ()
      %broadcast_in_dim3A_314 = arith.constant 0 : i32
      %broadcast_in_dim3A_315 = vector.broadcast %broadcast_in_dim3A_314 : i32 to vector<16xi32>
      %swap3A_316 = arith.constant 0 : i32
      %swap3A_317 = arith.index_cast %swap3A_316 : i32 to index
      %swap3A_318 = arith.constant 0 : index
      %swap3A_319 = tpu.vector_load %arg11[%swap3A_317, %swap3A_318] {strides = array<i32>} : memref<8x16xi32, #tpu.memory_space<vmem>>, vector<16xi32>,
      tpu.vector_store %arg11[%swap3A_317, %swap3A_318], %broadcast_in_dim3A_315 {strides = array<i32>} : memref<8x16xi32, #tpu.memory_space<vmem>>, vector<16xi32>,
      %broadcast_in_dim3A_320 = arith.constant 0 : i32
      %broadcast_in_dim3A_321 = vector.broadcast %broadcast_in_dim3A_320 : i32 to vector<16xi32>
      %swap3A_322 = arith.constant 1 : i32
      %swap3A_323 = arith.index_cast %swap3A_322 : i32 to index
      %swap3A_324 = arith.constant 0 : index
      %swap3A_325 = tpu.vector_load %arg11[%swap3A_323, %swap3A_324] {strides = array<i32>} : memref<8x16xi32, #tpu.memory_space<vmem>>, vector<16xi32>,
      tpu.vector_store %arg11[%swap3A_323, %swap3A_324], %broadcast_in_dim3A_321 {strides = array<i32>} : memref<8x16xi32, #tpu.memory_space<vmem>>, vector<16xi32>,
      %broadcast_in_dim3A_326 = arith.constant 0 : i32
      %broadcast_in_dim3A_327 = vector.broadcast %broadcast_in_dim3A_326 : i32 to vector<16xi32>
      %swap3A_328 = arith.constant 2 : i32
      %swap3A_329 = arith.index_cast %swap3A_328 : i32 to index
      %swap3A_330 = arith.constant 0 : index
      %swap3A_331 = tpu.vector_load %arg11[%swap3A_329, %swap3A_330] {strides = array<i32>} : memref<8x16xi32, #tpu.memory_space<vmem>>, vector<16xi32>,
      tpu.vector_store %arg11[%swap3A_329, %swap3A_330], %broadcast_in_dim3A_327 {strides = array<i32>} : memref<8x16xi32, #tpu.memory_space<vmem>>, vector<16xi32>,
      %broadcast_in_dim3A_332 = arith.constant 0 : i32
      %broadcast_in_dim3A_333 = vector.broadcast %broadcast_in_dim3A_332 : i32 to vector<16xi32>
      %swap3A_334 = arith.constant 3 : i32
      %swap3A_335 = arith.index_cast %swap3A_334 : i32 to index
      %swap3A_336 = arith.constant 0 : index
      %swap3A_337 = tpu.vector_load %arg11[%swap3A_335, %swap3A_336] {strides = array<i32>} : memref<8x16xi32, #tpu.memory_space<vmem>>, vector<16xi32>,
      tpu.vector_store %arg11[%swap3A_335, %swap3A_336], %broadcast_in_dim3A_333 {strides = array<i32>} : memref<8x16xi32, #tpu.memory_space<vmem>>, vector<16xi32>,
      %broadcast_in_dim3A_338 = arith.constant 0 : i32
      %broadcast_in_dim3A_339 = vector.broadcast %broadcast_in_dim3A_338 : i32 to vector<16xi32>
      %swap3A_340 = arith.constant 4 : i32
      %swap3A_341 = arith.index_cast %swap3A_340 : i32 to index
      %swap3A_342 = arith.constant 0 : index
      %swap3A_343 = tpu.vector_load %arg11[%swap3A_341, %swap3A_342] {strides = array<i32>} : memref<8x16xi32, #tpu.memory_space<vmem>>, vector<16xi32>,
      tpu.vector_store %arg11[%swap3A_341, %swap3A_342], %broadcast_in_dim3A_339 {strides = array<i32>} : memref<8x16xi32, #tpu.memory_space<vmem>>, vector<16xi32>,
      %broadcast_in_dim3A_344 = arith.constant 0 : i32
      %broadcast_in_dim3A_345 = vector.broadcast %broadcast_in_dim3A_344 : i32 to vector<16xi32>
      %swap3A_346 = arith.constant 5 : i32
      %swap3A_347 = arith.index_cast %swap3A_346 : i32 to index
      %swap3A_348 = arith.constant 0 : index
      %swap3A_349 = tpu.vector_load %arg11[%swap3A_347, %swap3A_348] {strides = array<i32>} : memref<8x16xi32, #tpu.memory_space<vmem>>, vector<16xi32>,
      tpu.vector_store %arg11[%swap3A_347, %swap3A_348], %broadcast_in_dim3A_345 {strides = array<i32>} : memref<8x16xi32, #tpu.memory_space<vmem>>, vector<16xi32>,
      %broadcast_in_dim3A_350 = arith.constant 0 : i32
      %broadcast_in_dim3A_351 = vector.broadcast %broadcast_in_dim3A_350 : i32 to vector<16xi32>
      %swap3A_352 = arith.constant 6 : i32
      %swap3A_353 = arith.index_cast %swap3A_352 : i32 to index
      %swap3A_354 = arith.constant 0 : index
      %swap3A_355 = tpu.vector_load %arg11[%swap3A_353, %swap3A_354] {strides = array<i32>} : memref<8x16xi32, #tpu.memory_space<vmem>>, vector<16xi32>,
      tpu.vector_store %arg11[%swap3A_353, %swap3A_354], %broadcast_in_dim3A_351 {strides = array<i32>} : memref<8x16xi32, #tpu.memory_space<vmem>>, vector<16xi32>,
      %broadcast_in_dim3A_356 = arith.constant 0 : i32
      %broadcast_in_dim3A_357 = vector.broadcast %broadcast_in_dim3A_356 : i32 to vector<16xi32>
      %swap3A_358 = arith.constant 7 : i32
      %swap3A_359 = arith.index_cast %swap3A_358 : i32 to index
      %swap3A_360 = arith.constant 0 : index
      %swap3A_361 = tpu.vector_load %arg11[%swap3A_359, %swap3A_360] {strides = array<i32>} : memref<8x16xi32, #tpu.memory_space<vmem>>, vector<16xi32>,
      tpu.vector_store %arg11[%swap3A_359, %swap3A_360], %broadcast_in_dim3A_357 {strides = array<i32>} : memref<8x16xi32, #tpu.memory_space<vmem>>, vector<16xi32>,
    } else {
    }
    return
  }
}

#map = affine_map<(d0, d1) -> (0)>
#map1 = affine_map<(d0, d1) -> (0, 0)>
module attributes {stable_mosaic.version = 14 : i64} {
  func.func @body(%arg0: i32, %arg1: i32, %arg2: memref<51200000xf32, #tpu.memory_space<hbm>>, %arg3: memref<3200000xi32, #tpu.memory_space<hbm>>, %arg4: memref<100000x32xf32, #tpu.memory_space<hbm>>, %arg5: memref<51200000xf32, #tpu.memory_space<hbm>>, %arg6: memref<16384xf32, #tpu.memory_space<vmem>>, %arg7: memref<16384xf32, #tpu.memory_space<vmem>>, %arg8: memref<1024xi32, #tpu.memory_space<vmem>>, %arg9: memref<1024x32xf32, #tpu.memory_space<vmem>>, %arg10: memref<!tpu.dma_semaphore, #tpu.memory_space<semaphore_mem>>) attributes {dimension_semantics = [#tpu.dimension_semantics<core_parallel>, #tpu.dimension_semantics<subcore_parallel>], iteration_bounds = array<i64: 2, 16>, scalar_prefetch = 0 : i64, scratch_operands = 5 : i64, tpu.core_type = #tpu.core_type<sc_vector_subcore>, window_params = [{transform_indices = #map}, {transform_indices = #map}, {transform_indices = #map1}, {transform_indices = #map}]} {
    %mul3A = arith.constant 16 : i32
    %mul3A_0 = arith.muli %arg0, %mul3A : i32
    %add3A = arith.addi %mul3A_0, %arg1 : i32
    %iota3A = tpu.iota {dimensions = array<i32: 0>} : vector<16xi32>
    %scan3A = arith.constant 0 : i32
    %scan3A_1 = arith.constant 0 : i32
    %scan3A_2 = arith.constant 98 : i32
    %scan3A_3 = arith.addi %scan3A_1, %scan3A_2 : i32
    %scan3A_4 = arith.constant 1 : i32
    scf.for %scan3A_6 = %scan3A_1 to %scan3A_3 step %scan3A_4  : i32 {
      %mul3A_7 = arith.constant 32 : i32
      %mul3A_8 = arith.muli %scan3A_6, %mul3A_7 : i32
      %add3A_9 = arith.addi %add3A, %mul3A_8 : i32
      %lt3A = arith.constant 3125 : i32
      %lt3A_10 = arith.cmpi slt, %add3A_9, %lt3A : i32
      %convert_element_type3A = arith.extui %lt3A_10 : i1 to i32
      %cond3A = arith.constant 0 : i32
      %cond3A_11 = arith.cmpi ne, %convert_element_type3A, %cond3A : i32
      scf.if %cond3A_11 {
        %mul3A_12 = arith.constant 8192 : i32
        %mul3A_13 = arith.muli %add3A_9, %mul3A_12 : i32
        %multiple_of3A = tpu.assume_multiple %mul3A_13, 8192 : i32
        "tpu.region"() ({
          %run_scoped3A = tpu.sem_alloc : memref<!tpu.dma_semaphore, #tpu.memory_space<semaphore_mem>>
          %dma_start3A_161 = arith.constant 0 : i32
          %dma_start3A_162 = tpu.memref_slice %arg6[%dma_start3A_161] : memref<16384xf32, #tpu.memory_space<vmem>> -> memref<8192xf32, #tpu.memory_space<vmem>>
          %dma_start3A_163 = tpu.memref_slice %arg2[%multiple_of3A] : memref<51200000xf32, #tpu.memory_space<hbm>> -> memref<8192xf32, #tpu.memory_space<hbm>>
          %dma_start3A_164 = arith.constant 0 : i32
          %dma_start3A_165 = tpu.memref_slice %arg6[%dma_start3A_164] : memref<16384xf32, #tpu.memory_space<vmem>> -> memref<8192xf32, #tpu.memory_space<vmem>>
          %dma_start3A_166 = tpu.memref_slice %arg2[%multiple_of3A] : memref<51200000xf32, #tpu.memory_space<hbm>> -> memref<8192xf32, #tpu.memory_space<hbm>>
          tpu.enqueue_dma source(%dma_start3A_166 : memref<8192xf32, #tpu.memory_space<hbm>>) target(%dma_start3A_165 : memref<8192xf32, #tpu.memory_space<vmem>>) target_semaphore(%run_scoped3A : memref<!tpu.dma_semaphore, #tpu.memory_space<semaphore_mem>>)
          %dma_wait3A_167 = arith.constant 0 : i32
          %dma_wait3A_168 = tpu.memref_slice %arg6[%dma_wait3A_167] : memref<16384xf32, #tpu.memory_space<vmem>> -> memref<8192xf32, #tpu.memory_space<vmem>>
          %dma_wait3A_169 = tpu.memref_slice %arg2[%multiple_of3A] : memref<51200000xf32, #tpu.memory_space<hbm>> -> memref<8192xf32, #tpu.memory_space<hbm>>
          %dma_wait3A_170 = arith.constant 0 : i32
          %dma_wait3A_171 = tpu.memref_slice %arg6[%dma_wait3A_170] : memref<16384xf32, #tpu.memory_space<vmem>> -> memref<8192xf32, #tpu.memory_space<vmem>>
          %dma_wait3A_172 = tpu.memref_slice %arg2[%multiple_of3A] : memref<51200000xf32, #tpu.memory_space<hbm>> -> memref<8192xf32, #tpu.memory_space<hbm>>
          tpu.wait_dma2 semaphore(%run_scoped3A : memref<!tpu.dma_semaphore, #tpu.memory_space<semaphore_mem>>) src(%dma_wait3A_172 : memref<8192xf32, #tpu.memory_space<hbm>>) dst(%dma_wait3A_171 : memref<8192xf32, #tpu.memory_space<vmem>>)
          tpu.yield
        }) : () -> ()
        %add3A_14 = arith.constant 25600000 : i32
        %add3A_15 = arith.addi %add3A_14, %multiple_of3A : i32
        %multiple_of3A_16 = tpu.assume_multiple %add3A_15, 1024 : i32
        "tpu.region"() ({
          %run_scoped3A = tpu.sem_alloc : memref<!tpu.dma_semaphore, #tpu.memory_space<semaphore_mem>>
          %dma_start3A_161 = arith.constant 8192 : i32
          %dma_start3A_162 = tpu.memref_slice %arg6[%dma_start3A_161] : memref<16384xf32, #tpu.memory_space<vmem>> -> memref<8192xf32, #tpu.memory_space<vmem>>
          %dma_start3A_163 = tpu.memref_slice %arg2[%multiple_of3A_16] : memref<51200000xf32, #tpu.memory_space<hbm>> -> memref<8192xf32, #tpu.memory_space<hbm>>
          %dma_start3A_164 = arith.constant 8192 : i32
          %dma_start3A_165 = tpu.memref_slice %arg6[%dma_start3A_164] : memref<16384xf32, #tpu.memory_space<vmem>> -> memref<8192xf32, #tpu.memory_space<vmem>>
          %dma_start3A_166 = tpu.memref_slice %arg2[%multiple_of3A_16] : memref<51200000xf32, #tpu.memory_space<hbm>> -> memref<8192xf32, #tpu.memory_space<hbm>>
          tpu.enqueue_dma source(%dma_start3A_166 : memref<8192xf32, #tpu.memory_space<hbm>>) target(%dma_start3A_165 : memref<8192xf32, #tpu.memory_space<vmem>>) target_semaphore(%run_scoped3A : memref<!tpu.dma_semaphore, #tpu.memory_space<semaphore_mem>>)
          %dma_wait3A_167 = arith.constant 8192 : i32
          %dma_wait3A_168 = tpu.memref_slice %arg6[%dma_wait3A_167] : memref<16384xf32, #tpu.memory_space<vmem>> -> memref<8192xf32, #tpu.memory_space<vmem>>
          %dma_wait3A_169 = tpu.memref_slice %arg2[%multiple_of3A_16] : memref<51200000xf32, #tpu.memory_space<hbm>> -> memref<8192xf32, #tpu.memory_space<hbm>>
          %dma_wait3A_170 = arith.constant 8192 : i32
          %dma_wait3A_171 = tpu.memref_slice %arg6[%dma_wait3A_170] : memref<16384xf32, #tpu.memory_space<vmem>> -> memref<8192xf32, #tpu.memory_space<vmem>>
          %dma_wait3A_172 = tpu.memref_slice %arg2[%multiple_of3A_16] : memref<51200000xf32, #tpu.memory_space<hbm>> -> memref<8192xf32, #tpu.memory_space<hbm>>
          tpu.wait_dma2 semaphore(%run_scoped3A : memref<!tpu.dma_semaphore, #tpu.memory_space<semaphore_mem>>) src(%dma_wait3A_172 : memref<8192xf32, #tpu.memory_space<hbm>>) dst(%dma_wait3A_171 : memref<8192xf32, #tpu.memory_space<vmem>>)
          tpu.yield
        }) : () -> ()
        %mul3A_17 = arith.constant 1024 : i32
        %mul3A_18 = arith.muli %add3A_9, %mul3A_17 : i32
        %multiple_of3A_19 = tpu.assume_multiple %mul3A_18, 1024 : i32
        "tpu.region"() ({
          %run_scoped3A = tpu.sem_alloc : memref<!tpu.dma_semaphore, #tpu.memory_space<semaphore_mem>>
          %dma_start3A_161 = tpu.memref_slice %arg3[%multiple_of3A_19] : memref<3200000xi32, #tpu.memory_space<hbm>> -> memref<1024xi32, #tpu.memory_space<hbm>>
          %dma_start3A_162 = tpu.memref_slice %arg3[%multiple_of3A_19] : memref<3200000xi32, #tpu.memory_space<hbm>> -> memref<1024xi32, #tpu.memory_space<hbm>>
          tpu.enqueue_dma source(%dma_start3A_162 : memref<1024xi32, #tpu.memory_space<hbm>>) target(%arg8 : memref<1024xi32, #tpu.memory_space<vmem>>) target_semaphore(%run_scoped3A : memref<!tpu.dma_semaphore, #tpu.memory_space<semaphore_mem>>)
          %dma_wait3A_163 = tpu.memref_slice %arg3[%multiple_of3A_19] : memref<3200000xi32, #tpu.memory_space<hbm>> -> memref<1024xi32, #tpu.memory_space<hbm>>
          %dma_wait3A_164 = tpu.memref_slice %arg3[%multiple_of3A_19] : memref<3200000xi32, #tpu.memory_space<hbm>> -> memref<1024xi32, #tpu.memory_space<hbm>>
          tpu.wait_dma2 semaphore(%run_scoped3A : memref<!tpu.dma_semaphore, #tpu.memory_space<semaphore_mem>>) src(%dma_wait3A_164 : memref<1024xi32, #tpu.memory_space<hbm>>) dst(%arg8 : memref<1024xi32, #tpu.memory_space<vmem>>)
          tpu.yield
        }) : () -> ()
        %dma_start3A = arith.constant 0 : i32
        %dma_start3A_20 = arith.constant 0 : i32
        %dma_start3A_21 = tpu.memref_slice %arg9[%dma_start3A, %dma_start3A_20] : memref<1024x32xf32, #tpu.memory_space<vmem>> -> memref<128x32xf32, #tpu.memory_space<vmem>>
        %dma_start3A_22 = arith.constant 0 : i32
        %dma_start3A_23 = tpu.memref_slice %arg8[%dma_start3A_22] : memref<1024xi32, #tpu.memory_space<vmem>> -> memref<128xi32, #tpu.memory_space<vmem>>
        %dma_start3A_24 = arith.constant 0 : i32
        %dma_start3A_25 = arith.constant 0 : i32
        %dma_start3A_26 = tpu.memref_slice %arg4[%dma_start3A_24, %dma_start3A_25] : memref<100000x32xf32, #tpu.memory_space<hbm>> -> memref<100000x32xf32, #tpu.memory_space<hbm>>
        tpu.enqueue_indirect_dma source(%dma_start3A_26 : memref<100000x32xf32, #tpu.memory_space<hbm>>) target(%dma_start3A_21 : memref<128x32xf32, #tpu.memory_space<vmem>>) offsets(%dma_start3A_23 : memref<128xi32, #tpu.memory_space<vmem>>) semaphore(%arg10 : memref<!tpu.dma_semaphore, #tpu.memory_space<semaphore_mem>>)
        %dma_start3A_27 = arith.constant 128 : i32
        %dma_start3A_28 = arith.constant 0 : i32
        %dma_start3A_29 = tpu.memref_slice %arg9[%dma_start3A_27, %dma_start3A_28] : memref<1024x32xf32, #tpu.memory_space<vmem>> -> memref<128x32xf32, #tpu.memory_space<vmem>>
        %dma_start3A_30 = arith.constant 128 : i32
        %dma_start3A_31 = tpu.memref_slice %arg8[%dma_start3A_30] : memref<1024xi32, #tpu.memory_space<vmem>> -> memref<128xi32, #tpu.memory_space<vmem>>
        %dma_start3A_32 = arith.constant 0 : i32
        %dma_start3A_33 = arith.constant 0 : i32
        %dma_start3A_34 = tpu.memref_slice %arg4[%dma_start3A_32, %dma_start3A_33] : memref<100000x32xf32, #tpu.memory_space<hbm>> -> memref<100000x32xf32, #tpu.memory_space<hbm>>
        tpu.enqueue_indirect_dma source(%dma_start3A_34 : memref<100000x32xf32, #tpu.memory_space<hbm>>) target(%dma_start3A_29 : memref<128x32xf32, #tpu.memory_space<vmem>>) offsets(%dma_start3A_31 : memref<128xi32, #tpu.memory_space<vmem>>) semaphore(%arg10 : memref<!tpu.dma_semaphore, #tpu.memory_space<semaphore_mem>>)
        %dma_start3A_35 = arith.constant 256 : i32
        %dma_start3A_36 = arith.constant 0 : i32
        %dma_start3A_37 = tpu.memref_slice %arg9[%dma_start3A_35, %dma_start3A_36] : memref<1024x32xf32, #tpu.memory_space<vmem>> -> memref<128x32xf32, #tpu.memory_space<vmem>>
        %dma_start3A_38 = arith.constant 256 : i32
        %dma_start3A_39 = tpu.memref_slice %arg8[%dma_start3A_38] : memref<1024xi32, #tpu.memory_space<vmem>> -> memref<128xi32, #tpu.memory_space<vmem>>
        %dma_start3A_40 = arith.constant 0 : i32
        %dma_start3A_41 = arith.constant 0 : i32
        %dma_start3A_42 = tpu.memref_slice %arg4[%dma_start3A_40, %dma_start3A_41] : memref<100000x32xf32, #tpu.memory_space<hbm>> -> memref<100000x32xf32, #tpu.memory_space<hbm>>
        tpu.enqueue_indirect_dma source(%dma_start3A_42 : memref<100000x32xf32, #tpu.memory_space<hbm>>) target(%dma_start3A_37 : memref<128x32xf32, #tpu.memory_space<vmem>>) offsets(%dma_start3A_39 : memref<128xi32, #tpu.memory_space<vmem>>) semaphore(%arg10 : memref<!tpu.dma_semaphore, #tpu.memory_space<semaphore_mem>>)
        %dma_start3A_43 = arith.constant 384 : i32
        %dma_start3A_44 = arith.constant 0 : i32
        %dma_start3A_45 = tpu.memref_slice %arg9[%dma_start3A_43, %dma_start3A_44] : memref<1024x32xf32, #tpu.memory_space<vmem>> -> memref<128x32xf32, #tpu.memory_space<vmem>>
        %dma_start3A_46 = arith.constant 384 : i32
        %dma_start3A_47 = tpu.memref_slice %arg8[%dma_start3A_46] : memref<1024xi32, #tpu.memory_space<vmem>> -> memref<128xi32, #tpu.memory_space<vmem>>
        %dma_start3A_48 = arith.constant 0 : i32
        %dma_start3A_49 = arith.constant 0 : i32
        %dma_start3A_50 = tpu.memref_slice %arg4[%dma_start3A_48, %dma_start3A_49] : memref<100000x32xf32, #tpu.memory_space<hbm>> -> memref<100000x32xf32, #tpu.memory_space<hbm>>
        tpu.enqueue_indirect_dma source(%dma_start3A_50 : memref<100000x32xf32, #tpu.memory_space<hbm>>) target(%dma_start3A_45 : memref<128x32xf32, #tpu.memory_space<vmem>>) offsets(%dma_start3A_47 : memref<128xi32, #tpu.memory_space<vmem>>) semaphore(%arg10 : memref<!tpu.dma_semaphore, #tpu.memory_space<semaphore_mem>>)
        %dma_start3A_51 = arith.constant 512 : i32
        %dma_start3A_52 = arith.constant 0 : i32
        %dma_start3A_53 = tpu.memref_slice %arg9[%dma_start3A_51, %dma_start3A_52] : memref<1024x32xf32, #tpu.memory_space<vmem>> -> memref<128x32xf32, #tpu.memory_space<vmem>>
        %dma_start3A_54 = arith.constant 512 : i32
        %dma_start3A_55 = tpu.memref_slice %arg8[%dma_start3A_54] : memref<1024xi32, #tpu.memory_space<vmem>> -> memref<128xi32, #tpu.memory_space<vmem>>
        %dma_start3A_56 = arith.constant 0 : i32
        %dma_start3A_57 = arith.constant 0 : i32
        %dma_start3A_58 = tpu.memref_slice %arg4[%dma_start3A_56, %dma_start3A_57] : memref<100000x32xf32, #tpu.memory_space<hbm>> -> memref<100000x32xf32, #tpu.memory_space<hbm>>
        tpu.enqueue_indirect_dma source(%dma_start3A_58 : memref<100000x32xf32, #tpu.memory_space<hbm>>) target(%dma_start3A_53 : memref<128x32xf32, #tpu.memory_space<vmem>>) offsets(%dma_start3A_55 : memref<128xi32, #tpu.memory_space<vmem>>) semaphore(%arg10 : memref<!tpu.dma_semaphore, #tpu.memory_space<semaphore_mem>>)
        %dma_start3A_59 = arith.constant 640 : i32
        %dma_start3A_60 = arith.constant 0 : i32
        %dma_start3A_61 = tpu.memref_slice %arg9[%dma_start3A_59, %dma_start3A_60] : memref<1024x32xf32, #tpu.memory_space<vmem>> -> memref<128x32xf32, #tpu.memory_space<vmem>>
        %dma_start3A_62 = arith.constant 640 : i32
        %dma_start3A_63 = tpu.memref_slice %arg8[%dma_start3A_62] : memref<1024xi32, #tpu.memory_space<vmem>> -> memref<128xi32, #tpu.memory_space<vmem>>
        %dma_start3A_64 = arith.constant 0 : i32
        %dma_start3A_65 = arith.constant 0 : i32
        %dma_start3A_66 = tpu.memref_slice %arg4[%dma_start3A_64, %dma_start3A_65] : memref<100000x32xf32, #tpu.memory_space<hbm>> -> memref<100000x32xf32, #tpu.memory_space<hbm>>
        tpu.enqueue_indirect_dma source(%dma_start3A_66 : memref<100000x32xf32, #tpu.memory_space<hbm>>) target(%dma_start3A_61 : memref<128x32xf32, #tpu.memory_space<vmem>>) offsets(%dma_start3A_63 : memref<128xi32, #tpu.memory_space<vmem>>) semaphore(%arg10 : memref<!tpu.dma_semaphore, #tpu.memory_space<semaphore_mem>>)
        %dma_start3A_67 = arith.constant 768 : i32
        %dma_start3A_68 = arith.constant 0 : i32
        %dma_start3A_69 = tpu.memref_slice %arg9[%dma_start3A_67, %dma_start3A_68] : memref<1024x32xf32, #tpu.memory_space<vmem>> -> memref<128x32xf32, #tpu.memory_space<vmem>>
        %dma_start3A_70 = arith.constant 768 : i32
        %dma_start3A_71 = tpu.memref_slice %arg8[%dma_start3A_70] : memref<1024xi32, #tpu.memory_space<vmem>> -> memref<128xi32, #tpu.memory_space<vmem>>
        %dma_start3A_72 = arith.constant 0 : i32
        %dma_start3A_73 = arith.constant 0 : i32
        %dma_start3A_74 = tpu.memref_slice %arg4[%dma_start3A_72, %dma_start3A_73] : memref<100000x32xf32, #tpu.memory_space<hbm>> -> memref<100000x32xf32, #tpu.memory_space<hbm>>
        tpu.enqueue_indirect_dma source(%dma_start3A_74 : memref<100000x32xf32, #tpu.memory_space<hbm>>) target(%dma_start3A_69 : memref<128x32xf32, #tpu.memory_space<vmem>>) offsets(%dma_start3A_71 : memref<128xi32, #tpu.memory_space<vmem>>) semaphore(%arg10 : memref<!tpu.dma_semaphore, #tpu.memory_space<semaphore_mem>>)
        %dma_start3A_75 = arith.constant 896 : i32
        %dma_start3A_76 = arith.constant 0 : i32
        %dma_start3A_77 = tpu.memref_slice %arg9[%dma_start3A_75, %dma_start3A_76] : memref<1024x32xf32, #tpu.memory_space<vmem>> -> memref<128x32xf32, #tpu.memory_space<vmem>>
        %dma_start3A_78 = arith.constant 896 : i32
        %dma_start3A_79 = tpu.memref_slice %arg8[%dma_start3A_78] : memref<1024xi32, #tpu.memory_space<vmem>> -> memref<128xi32, #tpu.memory_space<vmem>>
        %dma_start3A_80 = arith.constant 0 : i32
        %dma_start3A_81 = arith.constant 0 : i32
        %dma_start3A_82 = tpu.memref_slice %arg4[%dma_start3A_80, %dma_start3A_81] : memref<100000x32xf32, #tpu.memory_space<hbm>> -> memref<100000x32xf32, #tpu.memory_space<hbm>>
        tpu.enqueue_indirect_dma source(%dma_start3A_82 : memref<100000x32xf32, #tpu.memory_space<hbm>>) target(%dma_start3A_77 : memref<128x32xf32, #tpu.memory_space<vmem>>) offsets(%dma_start3A_79 : memref<128xi32, #tpu.memory_space<vmem>>) semaphore(%arg10 : memref<!tpu.dma_semaphore, #tpu.memory_space<semaphore_mem>>)
        %dma_wait3A = arith.constant 0 : i32
        %dma_wait3A_83 = arith.constant 0 : i32
        %dma_wait3A_84 = tpu.memref_slice %arg9[%dma_wait3A, %dma_wait3A_83] : memref<1024x32xf32, #tpu.memory_space<vmem>> -> memref<128x32xf32, #tpu.memory_space<vmem>>
        %dma_wait3A_85 = arith.constant 0 : i32
        %dma_wait3A_86 = tpu.memref_slice %arg8[%dma_wait3A_85] : memref<1024xi32, #tpu.memory_space<vmem>> -> memref<128xi32, #tpu.memory_space<vmem>>
        %dma_wait3A_87 = arith.constant 0 : i32
        %dma_wait3A_88 = arith.constant 0 : i32
        %dma_wait3A_89 = tpu.memref_slice %arg4[%dma_wait3A_87, %dma_wait3A_88] : memref<100000x32xf32, #tpu.memory_space<hbm>> -> memref<100000x32xf32, #tpu.memory_space<hbm>>
        tpu.wait_indirect_dma semaphore(%arg10 : memref<!tpu.dma_semaphore, #tpu.memory_space<semaphore_mem>>) src(%dma_wait3A_89 : memref<100000x32xf32, #tpu.memory_space<hbm>>) dst(%dma_wait3A_84 : memref<128x32xf32, #tpu.memory_space<vmem>>)
        %dma_wait3A_90 = arith.constant 128 : i32
        %dma_wait3A_91 = arith.constant 0 : i32
        %dma_wait3A_92 = tpu.memref_slice %arg9[%dma_wait3A_90, %dma_wait3A_91] : memref<1024x32xf32, #tpu.memory_space<vmem>> -> memref<128x32xf32, #tpu.memory_space<vmem>>
        %dma_wait3A_93 = arith.constant 128 : i32
        %dma_wait3A_94 = tpu.memref_slice %arg8[%dma_wait3A_93] : memref<1024xi32, #tpu.memory_space<vmem>> -> memref<128xi32, #tpu.memory_space<vmem>>
        %dma_wait3A_95 = arith.constant 0 : i32
        %dma_wait3A_96 = arith.constant 0 : i32
        %dma_wait3A_97 = tpu.memref_slice %arg4[%dma_wait3A_95, %dma_wait3A_96] : memref<100000x32xf32, #tpu.memory_space<hbm>> -> memref<100000x32xf32, #tpu.memory_space<hbm>>
        tpu.wait_indirect_dma semaphore(%arg10 : memref<!tpu.dma_semaphore, #tpu.memory_space<semaphore_mem>>) src(%dma_wait3A_97 : memref<100000x32xf32, #tpu.memory_space<hbm>>) dst(%dma_wait3A_92 : memref<128x32xf32, #tpu.memory_space<vmem>>)
        %dma_wait3A_98 = arith.constant 256 : i32
        %dma_wait3A_99 = arith.constant 0 : i32
        %dma_wait3A_100 = tpu.memref_slice %arg9[%dma_wait3A_98, %dma_wait3A_99] : memref<1024x32xf32, #tpu.memory_space<vmem>> -> memref<128x32xf32, #tpu.memory_space<vmem>>
        %dma_wait3A_101 = arith.constant 256 : i32
        %dma_wait3A_102 = tpu.memref_slice %arg8[%dma_wait3A_101] : memref<1024xi32, #tpu.memory_space<vmem>> -> memref<128xi32, #tpu.memory_space<vmem>>
        %dma_wait3A_103 = arith.constant 0 : i32
        %dma_wait3A_104 = arith.constant 0 : i32
        %dma_wait3A_105 = tpu.memref_slice %arg4[%dma_wait3A_103, %dma_wait3A_104] : memref<100000x32xf32, #tpu.memory_space<hbm>> -> memref<100000x32xf32, #tpu.memory_space<hbm>>
        tpu.wait_indirect_dma semaphore(%arg10 : memref<!tpu.dma_semaphore, #tpu.memory_space<semaphore_mem>>) src(%dma_wait3A_105 : memref<100000x32xf32, #tpu.memory_space<hbm>>) dst(%dma_wait3A_100 : memref<128x32xf32, #tpu.memory_space<vmem>>)
        %dma_wait3A_106 = arith.constant 384 : i32
        %dma_wait3A_107 = arith.constant 0 : i32
        %dma_wait3A_108 = tpu.memref_slice %arg9[%dma_wait3A_106, %dma_wait3A_107] : memref<1024x32xf32, #tpu.memory_space<vmem>> -> memref<128x32xf32, #tpu.memory_space<vmem>>
        %dma_wait3A_109 = arith.constant 384 : i32
        %dma_wait3A_110 = tpu.memref_slice %arg8[%dma_wait3A_109] : memref<1024xi32, #tpu.memory_space<vmem>> -> memref<128xi32, #tpu.memory_space<vmem>>
        %dma_wait3A_111 = arith.constant 0 : i32
        %dma_wait3A_112 = arith.constant 0 : i32
        %dma_wait3A_113 = tpu.memref_slice %arg4[%dma_wait3A_111, %dma_wait3A_112] : memref<100000x32xf32, #tpu.memory_space<hbm>> -> memref<100000x32xf32, #tpu.memory_space<hbm>>
        tpu.wait_indirect_dma semaphore(%arg10 : memref<!tpu.dma_semaphore, #tpu.memory_space<semaphore_mem>>) src(%dma_wait3A_113 : memref<100000x32xf32, #tpu.memory_space<hbm>>) dst(%dma_wait3A_108 : memref<128x32xf32, #tpu.memory_space<vmem>>)
        %dma_wait3A_114 = arith.constant 512 : i32
        %dma_wait3A_115 = arith.constant 0 : i32
        %dma_wait3A_116 = tpu.memref_slice %arg9[%dma_wait3A_114, %dma_wait3A_115] : memref<1024x32xf32, #tpu.memory_space<vmem>> -> memref<128x32xf32, #tpu.memory_space<vmem>>
        %dma_wait3A_117 = arith.constant 512 : i32
        %dma_wait3A_118 = tpu.memref_slice %arg8[%dma_wait3A_117] : memref<1024xi32, #tpu.memory_space<vmem>> -> memref<128xi32, #tpu.memory_space<vmem>>
        %dma_wait3A_119 = arith.constant 0 : i32
        %dma_wait3A_120 = arith.constant 0 : i32
        %dma_wait3A_121 = tpu.memref_slice %arg4[%dma_wait3A_119, %dma_wait3A_120] : memref<100000x32xf32, #tpu.memory_space<hbm>> -> memref<100000x32xf32, #tpu.memory_space<hbm>>
        tpu.wait_indirect_dma semaphore(%arg10 : memref<!tpu.dma_semaphore, #tpu.memory_space<semaphore_mem>>) src(%dma_wait3A_121 : memref<100000x32xf32, #tpu.memory_space<hbm>>) dst(%dma_wait3A_116 : memref<128x32xf32, #tpu.memory_space<vmem>>)
        %dma_wait3A_122 = arith.constant 640 : i32
        %dma_wait3A_123 = arith.constant 0 : i32
        %dma_wait3A_124 = tpu.memref_slice %arg9[%dma_wait3A_122, %dma_wait3A_123] : memref<1024x32xf32, #tpu.memory_space<vmem>> -> memref<128x32xf32, #tpu.memory_space<vmem>>
        %dma_wait3A_125 = arith.constant 640 : i32
        %dma_wait3A_126 = tpu.memref_slice %arg8[%dma_wait3A_125] : memref<1024xi32, #tpu.memory_space<vmem>> -> memref<128xi32, #tpu.memory_space<vmem>>
        %dma_wait3A_127 = arith.constant 0 : i32
        %dma_wait3A_128 = arith.constant 0 : i32
        %dma_wait3A_129 = tpu.memref_slice %arg4[%dma_wait3A_127, %dma_wait3A_128] : memref<100000x32xf32, #tpu.memory_space<hbm>> -> memref<100000x32xf32, #tpu.memory_space<hbm>>
        tpu.wait_indirect_dma semaphore(%arg10 : memref<!tpu.dma_semaphore, #tpu.memory_space<semaphore_mem>>) src(%dma_wait3A_129 : memref<100000x32xf32, #tpu.memory_space<hbm>>) dst(%dma_wait3A_124 : memref<128x32xf32, #tpu.memory_space<vmem>>)
        %dma_wait3A_130 = arith.constant 768 : i32
        %dma_wait3A_131 = arith.constant 0 : i32
        %dma_wait3A_132 = tpu.memref_slice %arg9[%dma_wait3A_130, %dma_wait3A_131] : memref<1024x32xf32, #tpu.memory_space<vmem>> -> memref<128x32xf32, #tpu.memory_space<vmem>>
        %dma_wait3A_133 = arith.constant 768 : i32
        %dma_wait3A_134 = tpu.memref_slice %arg8[%dma_wait3A_133] : memref<1024xi32, #tpu.memory_space<vmem>> -> memref<128xi32, #tpu.memory_space<vmem>>
        %dma_wait3A_135 = arith.constant 0 : i32
        %dma_wait3A_136 = arith.constant 0 : i32
        %dma_wait3A_137 = tpu.memref_slice %arg4[%dma_wait3A_135, %dma_wait3A_136] : memref<100000x32xf32, #tpu.memory_space<hbm>> -> memref<100000x32xf32, #tpu.memory_space<hbm>>
        tpu.wait_indirect_dma semaphore(%arg10 : memref<!tpu.dma_semaphore, #tpu.memory_space<semaphore_mem>>) src(%dma_wait3A_137 : memref<100000x32xf32, #tpu.memory_space<hbm>>) dst(%dma_wait3A_132 : memref<128x32xf32, #tpu.memory_space<vmem>>)
        %dma_wait3A_138 = arith.constant 896 : i32
        %dma_wait3A_139 = arith.constant 0 : i32
        %dma_wait3A_140 = tpu.memref_slice %arg9[%dma_wait3A_138, %dma_wait3A_139] : memref<1024x32xf32, #tpu.memory_space<vmem>> -> memref<128x32xf32, #tpu.memory_space<vmem>>
        %dma_wait3A_141 = arith.constant 896 : i32
        %dma_wait3A_142 = tpu.memref_slice %arg8[%dma_wait3A_141] : memref<1024xi32, #tpu.memory_space<vmem>> -> memref<128xi32, #tpu.memory_space<vmem>>
        %dma_wait3A_143 = arith.constant 0 : i32
        %dma_wait3A_144 = arith.constant 0 : i32
        %dma_wait3A_145 = tpu.memref_slice %arg4[%dma_wait3A_143, %dma_wait3A_144] : memref<100000x32xf32, #tpu.memory_space<hbm>> -> memref<100000x32xf32, #tpu.memory_space<hbm>>
        tpu.wait_indirect_dma semaphore(%arg10 : memref<!tpu.dma_semaphore, #tpu.memory_space<semaphore_mem>>) src(%dma_wait3A_145 : memref<100000x32xf32, #tpu.memory_space<hbm>>) dst(%dma_wait3A_140 : memref<128x32xf32, #tpu.memory_space<vmem>>)
        %add3A_146 = arith.constant 1 : i32
        %add3A_147 = vector.broadcast %add3A_146 : i32 to vector<16xi32>
        %add3A_148 = arith.addi %iota3A, %add3A_147 : vector<16xi32>
        %min3A = arith.constant 15 : i32
        %min3A_149 = vector.broadcast %min3A : i32 to vector<16xi32>
        %min3A_150 = arith.minsi %add3A_148, %min3A_149 : vector<16xi32>
        %broadcast_in_dim3A = arith.constant 0.000000e+00 : f32
        %broadcast_in_dim3A_151 = vector.broadcast %broadcast_in_dim3A : f32 to vector<16xf32>
        %scan3A_152 = arith.constant 0 : i32
        %scan3A_153 = arith.constant 0 : i32
        %scan3A_154 = arith.constant 64 : i32
        %scan3A_155 = arith.addi %scan3A_153, %scan3A_154 : i32
        %scan3A_156 = arith.constant 1 : i32
        scf.for %scan3A_161 = %scan3A_153 to %scan3A_155 step %scan3A_156  : i32 {
          %mul3A_162 = arith.constant 16 : i32
          %mul3A_163 = arith.muli %scan3A_161, %mul3A_162 : i32
          %jit3A = arith.constant 8 : i32
          %div3A = arith.divsi %scan3A_161, %jit3A : i32
          %sign3A = arith.constant 0 : i32
          %sign3A_164 = arith.cmpi sgt, %scan3A_161, %sign3A : i32
          %sign3A_165 = arith.extui %sign3A_164 : i1 to i32
          %sign3A_166 = arith.constant 0 : i32
          %sign3A_167 = arith.cmpi slt, %scan3A_161, %sign3A_166 : i32
          %sign3A_168 = arith.extui %sign3A_167 : i1 to i32
          %sign3A_169 = arith.subi %sign3A_165, %sign3A_168 : i32
          %sign3A_170 = arith.constant 0 : i32
          %sign3A_171 = arith.cmpi sgt, %jit3A, %sign3A_170 : i32
          %sign3A_172 = arith.extui %sign3A_171 : i1 to i32
          %sign3A_173 = arith.constant 0 : i32
          %sign3A_174 = arith.cmpi slt, %jit3A, %sign3A_173 : i32
          %sign3A_175 = arith.extui %sign3A_174 : i1 to i32
          %sign3A_176 = arith.subi %sign3A_172, %sign3A_175 : i32
          %ne3A = arith.cmpi ne, %sign3A_169, %sign3A_176 : i32
          %rem3A = arith.remsi %scan3A_161, %jit3A : i32
          %ne3A_177 = arith.constant 0 : i32
          %ne3A_178 = arith.cmpi ne, %rem3A, %ne3A_177 : i32
          %and3A = arith.andi %ne3A, %ne3A_178 : i1
          %sub3A = arith.constant 1 : i32
          %sub3A_179 = arith.subi %div3A, %sub3A : i32
          %select_n3A = arith.select %and3A, %sub3A_179, %div3A : i32
          %jit3A_180 = arith.constant 8 : i32
          %eq3A = arith.constant 0 : i32
          %eq3A_181 = arith.cmpi eq, %jit3A_180, %eq3A : i32
          %jit3A_182 = arith.constant 1 : i32
          %select_n3A_183 = arith.select %eq3A_181, %jit3A_182, %jit3A_180 : i32
          %rem3A_184 = arith.remsi %scan3A_161, %select_n3A_183 : i32
          %ne3A_185 = arith.constant 0 : i32
          %ne3A_186 = arith.cmpi ne, %rem3A_184, %ne3A_185 : i32
          %lt3A_187 = arith.constant 0 : i32
          %lt3A_188 = arith.cmpi slt, %rem3A_184, %lt3A_187 : i32
          %lt3A_189 = arith.constant 0 : i32
          %lt3A_190 = arith.cmpi slt, %select_n3A_183, %lt3A_189 : i32
          %ne3A_191 = arith.xori %lt3A_188, %lt3A_190 : i1
          %and3A_192 = arith.andi %ne3A_191, %ne3A_186 : i1
          %add3A_193 = arith.addi %rem3A_184, %select_n3A_183 : i32
          %select_n3A_194 = arith.select %and3A_192, %add3A_193, %rem3A_184 : i32
          %mul3A_195 = arith.constant 16 : i32
          %mul3A_196 = arith.muli %select_n3A_194, %mul3A_195 : i32
          %multiple_of3A_197 = tpu.assume_multiple %mul3A_163, 16 : i32
          %get3A = arith.index_cast %multiple_of3A_197 : i32 to index
          %get3A_198 = tpu.vector_load %arg8[%get3A] {strides = array<i32>} : memref<1024xi32, #tpu.memory_space<vmem>>, vector<16xi32>,
          %broadcast_in_dim3A_199 = vector.shape_cast %min3A_150 : vector<16xi32> to vector<16x1xi32>
          %gather3A = vector.shape_cast %broadcast_in_dim3A_199 : vector<16x1xi32> to vector<16xi32>
          %gather3A_200 = tpu.dynamic_gather %get3A_198[%gather3A] in [0] : vector<16xi32>, vector<16xi32> -> vector<16xi32>
          %ne3A_201 = arith.cmpi ne, %get3A_198, %gather3A_200 : vector<16xi32>
          %mul3A_202 = arith.constant 1024 : i32
          %mul3A_203 = arith.muli %select_n3A, %mul3A_202 : i32
          %add3A_204 = arith.constant 0 : i32
          %add3A_205 = arith.addi %add3A_204, %mul3A_203 : i32
          %add3A_206 = arith.constant 0 : i32
          %add3A_207 = arith.addi %add3A_205, %add3A_206 : i32
          %add3A_208 = arith.addi %add3A_207, %mul3A_196 : i32
          %multiple_of3A_209 = tpu.assume_multiple %add3A_208, 16 : i32
          %get3A_210 = arith.index_cast %multiple_of3A_209 : i32 to index
          %get3A_211 = tpu.vector_load %arg6[%get3A_210] {strides = array<i32>} : memref<16384xf32, #tpu.memory_space<vmem>>, vector<16xf32>,
          %mul3A_212 = arith.constant 1024 : i32
          %mul3A_213 = arith.muli %select_n3A, %mul3A_212 : i32
          %add3A_214 = arith.constant 0 : i32
          %add3A_215 = arith.addi %add3A_214, %mul3A_213 : i32
          %add3A_216 = arith.constant 128 : i32
          %add3A_217 = arith.addi %add3A_215, %add3A_216 : i32
          %add3A_218 = arith.addi %add3A_217, %mul3A_196 : i32
          %multiple_of3A_219 = tpu.assume_multiple %add3A_218, 16 : i32
          %get3A_220 = arith.index_cast %multiple_of3A_219 : i32 to index
          %get3A_221 = tpu.vector_load %arg6[%get3A_220] {strides = array<i32>} : memref<16384xf32, #tpu.memory_space<vmem>>, vector<16xf32>,
          %mul3A_222 = arith.constant 1024 : i32
          %mul3A_223 = arith.muli %select_n3A, %mul3A_222 : i32
          %add3A_224 = arith.constant 0 : i32
          %add3A_225 = arith.addi %add3A_224, %mul3A_223 : i32
          %add3A_226 = arith.constant 256 : i32
          %add3A_227 = arith.addi %add3A_225, %add3A_226 : i32
          %add3A_228 = arith.addi %add3A_227, %mul3A_196 : i32
          %multiple_of3A_229 = tpu.assume_multiple %add3A_228, 16 : i32
          %get3A_230 = arith.index_cast %multiple_of3A_229 : i32 to index
          %get3A_231 = tpu.vector_load %arg6[%get3A_230] {strides = array<i32>} : memref<16384xf32, #tpu.memory_space<vmem>>, vector<16xf32>,
          %mul3A_232 = arith.constant 1024 : i32
          %mul3A_233 = arith.muli %select_n3A, %mul3A_232 : i32
          %add3A_234 = arith.constant 0 : i32
          %add3A_235 = arith.addi %add3A_234, %mul3A_233 : i32
          %add3A_236 = arith.constant 384 : i32
          %add3A_237 = arith.addi %add3A_235, %add3A_236 : i32
          %add3A_238 = arith.addi %add3A_237, %mul3A_196 : i32
          %multiple_of3A_239 = tpu.assume_multiple %add3A_238, 16 : i32
          %get3A_240 = arith.index_cast %multiple_of3A_239 : i32 to index
          %get3A_241 = tpu.vector_load %arg6[%get3A_240] {strides = array<i32>} : memref<16384xf32, #tpu.memory_space<vmem>>, vector<16xf32>,
          %mul3A_242 = arith.constant 1024 : i32
          %mul3A_243 = arith.muli %select_n3A, %mul3A_242 : i32
          %add3A_244 = arith.constant 0 : i32
          %add3A_245 = arith.addi %add3A_244, %mul3A_243 : i32
          %add3A_246 = arith.constant 512 : i32
          %add3A_247 = arith.addi %add3A_245, %add3A_246 : i32
          %add3A_248 = arith.addi %add3A_247, %mul3A_196 : i32
          %multiple_of3A_249 = tpu.assume_multiple %add3A_248, 16 : i32
          %get3A_250 = arith.index_cast %multiple_of3A_249 : i32 to index
          %get3A_251 = tpu.vector_load %arg6[%get3A_250] {strides = array<i32>} : memref<16384xf32, #tpu.memory_space<vmem>>, vector<16xf32>,
          %mul3A_252 = arith.constant 1024 : i32
          %mul3A_253 = arith.muli %select_n3A, %mul3A_252 : i32
          %add3A_254 = arith.constant 0 : i32
          %add3A_255 = arith.addi %add3A_254, %mul3A_253 : i32
          %add3A_256 = arith.constant 640 : i32
          %add3A_257 = arith.addi %add3A_255, %add3A_256 : i32
          %add3A_258 = arith.addi %add3A_257, %mul3A_196 : i32
          %multiple_of3A_259 = tpu.assume_multiple %add3A_258, 16 : i32
          %get3A_260 = arith.index_cast %multiple_of3A_259 : i32 to index
          %get3A_261 = tpu.vector_load %arg6[%get3A_260] {strides = array<i32>} : memref<16384xf32, #tpu.memory_space<vmem>>, vector<16xf32>,
          %mul3A_262 = arith.constant 1024 : i32
          %mul3A_263 = arith.muli %select_n3A, %mul3A_262 : i32
          %add3A_264 = arith.constant 0 : i32
          %add3A_265 = arith.addi %add3A_264, %mul3A_263 : i32
          %add3A_266 = arith.constant 768 : i32
          %add3A_267 = arith.addi %add3A_265, %add3A_266 : i32
          %add3A_268 = arith.addi %add3A_267, %mul3A_196 : i32
          %multiple_of3A_269 = tpu.assume_multiple %add3A_268, 16 : i32
          %get3A_270 = arith.index_cast %multiple_of3A_269 : i32 to index
          %get3A_271 = tpu.vector_load %arg6[%get3A_270] {strides = array<i32>} : memref<16384xf32, #tpu.memory_space<vmem>>, vector<16xf32>,
          %mul3A_272 = arith.constant 1024 : i32
          %mul3A_273 = arith.muli %select_n3A, %mul3A_272 : i32
          %add3A_274 = arith.constant 0 : i32
          %add3A_275 = arith.addi %add3A_274, %mul3A_273 : i32
          %add3A_276 = arith.constant 896 : i32
          %add3A_277 = arith.addi %add3A_275, %add3A_276 : i32
          %add3A_278 = arith.addi %add3A_277, %mul3A_196 : i32
          %multiple_of3A_279 = tpu.assume_multiple %add3A_278, 16 : i32
          %get3A_280 = arith.index_cast %multiple_of3A_279 : i32 to index
          %get3A_281 = tpu.vector_load %arg6[%get3A_280] {strides = array<i32>} : memref<16384xf32, #tpu.memory_space<vmem>>, vector<16xf32>,
          %mul3A_282 = arith.constant 1024 : i32
          %mul3A_283 = arith.muli %select_n3A, %mul3A_282 : i32
          %add3A_284 = arith.constant 8192 : i32
          %add3A_285 = arith.addi %add3A_284, %mul3A_283 : i32
          %add3A_286 = arith.constant 0 : i32
          %add3A_287 = arith.addi %add3A_285, %add3A_286 : i32
          %add3A_288 = arith.addi %add3A_287, %mul3A_196 : i32
          %multiple_of3A_289 = tpu.assume_multiple %add3A_288, 16 : i32
          %get3A_290 = arith.index_cast %multiple_of3A_289 : i32 to index
          %get3A_291 = tpu.vector_load %arg6[%get3A_290] {strides = array<i32>} : memref<16384xf32, #tpu.memory_space<vmem>>, vector<16xf32>,
          %mul3A_292 = arith.constant 1024 : i32
          %mul3A_293 = arith.muli %select_n3A, %mul3A_292 : i32
          %add3A_294 = arith.constant 8192 : i32
          %add3A_295 = arith.addi %add3A_294, %mul3A_293 : i32
          %add3A_296 = arith.constant 128 : i32
          %add3A_297 = arith.addi %add3A_295, %add3A_296 : i32
          %add3A_298 = arith.addi %add3A_297, %mul3A_196 : i32
          %multiple_of3A_299 = tpu.assume_multiple %add3A_298, 16 : i32
          %get3A_300 = arith.index_cast %multiple_of3A_299 : i32 to index
          %get3A_301 = tpu.vector_load %arg6[%get3A_300] {strides = array<i32>} : memref<16384xf32, #tpu.memory_space<vmem>>, vector<16xf32>,
          %mul3A_302 = arith.constant 1024 : i32
          %mul3A_303 = arith.muli %select_n3A, %mul3A_302 : i32
          %add3A_304 = arith.constant 8192 : i32
          %add3A_305 = arith.addi %add3A_304, %mul3A_303 : i32
          %add3A_306 = arith.constant 256 : i32
          %add3A_307 = arith.addi %add3A_305, %add3A_306 : i32
          %add3A_308 = arith.addi %add3A_307, %mul3A_196 : i32
          %multiple_of3A_309 = tpu.assume_multiple %add3A_308, 16 : i32
          %get3A_310 = arith.index_cast %multiple_of3A_309 : i32 to index
          %get3A_311 = tpu.vector_load %arg6[%get3A_310] {strides = array<i32>} : memref<16384xf32, #tpu.memory_space<vmem>>, vector<16xf32>,
          %mul3A_312 = arith.constant 1024 : i32
          %mul3A_313 = arith.muli %select_n3A, %mul3A_312 : i32
          %add3A_314 = arith.constant 8192 : i32
          %add3A_315 = arith.addi %add3A_314, %mul3A_313 : i32
          %add3A_316 = arith.constant 384 : i32
          %add3A_317 = arith.addi %add3A_315, %add3A_316 : i32
          %add3A_318 = arith.addi %add3A_317, %mul3A_196 : i32
          %multiple_of3A_319 = tpu.assume_multiple %add3A_318, 16 : i32
          %get3A_320 = arith.index_cast %multiple_of3A_319 : i32 to index
          %get3A_321 = tpu.vector_load %arg6[%get3A_320] {strides = array<i32>} : memref<16384xf32, #tpu.memory_space<vmem>>, vector<16xf32>,
          %mul3A_322 = arith.constant 1024 : i32
          %mul3A_323 = arith.muli %select_n3A, %mul3A_322 : i32
          %add3A_324 = arith.constant 8192 : i32
          %add3A_325 = arith.addi %add3A_324, %mul3A_323 : i32
          %add3A_326 = arith.constant 512 : i32
          %add3A_327 = arith.addi %add3A_325, %add3A_326 : i32
          %add3A_328 = arith.addi %add3A_327, %mul3A_196 : i32
          %multiple_of3A_329 = tpu.assume_multiple %add3A_328, 16 : i32
          %get3A_330 = arith.index_cast %multiple_of3A_329 : i32 to index
          %get3A_331 = tpu.vector_load %arg6[%get3A_330] {strides = array<i32>} : memref<16384xf32, #tpu.memory_space<vmem>>, vector<16xf32>,
          %mul3A_332 = arith.constant 1024 : i32
          %mul3A_333 = arith.muli %select_n3A, %mul3A_332 : i32
          %add3A_334 = arith.constant 8192 : i32
          %add3A_335 = arith.addi %add3A_334, %mul3A_333 : i32
          %add3A_336 = arith.constant 640 : i32
          %add3A_337 = arith.addi %add3A_335, %add3A_336 : i32
          %add3A_338 = arith.addi %add3A_337, %mul3A_196 : i32
          %multiple_of3A_339 = tpu.assume_multiple %add3A_338, 16 : i32
          %get3A_340 = arith.index_cast %multiple_of3A_339 : i32 to index
          %get3A_341 = tpu.vector_load %arg6[%get3A_340] {strides = array<i32>} : memref<16384xf32, #tpu.memory_space<vmem>>, vector<16xf32>,
          %mul3A_342 = arith.constant 1024 : i32
          %mul3A_343 = arith.muli %select_n3A, %mul3A_342 : i32
          %add3A_344 = arith.constant 8192 : i32
          %add3A_345 = arith.addi %add3A_344, %mul3A_343 : i32
          %add3A_346 = arith.constant 768 : i32
          %add3A_347 = arith.addi %add3A_345, %add3A_346 : i32
          %add3A_348 = arith.addi %add3A_347, %mul3A_196 : i32
          %multiple_of3A_349 = tpu.assume_multiple %add3A_348, 16 : i32
          %get3A_350 = arith.index_cast %multiple_of3A_349 : i32 to index
          %get3A_351 = tpu.vector_load %arg6[%get3A_350] {strides = array<i32>} : memref<16384xf32, #tpu.memory_space<vmem>>, vector<16xf32>,
          %mul3A_352 = arith.constant 1024 : i32
          %mul3A_353 = arith.muli %select_n3A, %mul3A_352 : i32
          %add3A_354 = arith.constant 8192 : i32
          %add3A_355 = arith.addi %add3A_354, %mul3A_353 : i32
          %add3A_356 = arith.constant 896 : i32
          %add3A_357 = arith.addi %add3A_355, %add3A_356 : i32
          %add3A_358 = arith.addi %add3A_357, %mul3A_196 : i32
          %multiple_of3A_359 = tpu.assume_multiple %add3A_358, 16 : i32
          %get3A_360 = arith.index_cast %multiple_of3A_359 : i32 to index
          %get3A_361 = tpu.vector_load %arg6[%get3A_360] {strides = array<i32>} : memref<16384xf32, #tpu.memory_space<vmem>>, vector<16xf32>,
          %while3A = arith.constant 0 : i32
          %while3A_362:17 = scf.while (%while3A_522 = %while3A, %while3A_523 = %broadcast_in_dim3A_151, %while3A_524 = %broadcast_in_dim3A_151, %while3A_525 = %broadcast_in_dim3A_151, %while3A_526 = %broadcast_in_dim3A_151, %while3A_527 = %broadcast_in_dim3A_151, %while3A_528 = %broadcast_in_dim3A_151, %while3A_529 = %broadcast_in_dim3A_151, %while3A_530 = %broadcast_in_dim3A_151, %while3A_531 = %broadcast_in_dim3A_151, %while3A_532 = %broadcast_in_dim3A_151, %while3A_533 = %broadcast_in_dim3A_151, %while3A_534 = %broadcast_in_dim3A_151, %while3A_535 = %broadcast_in_dim3A_151, %while3A_536 = %broadcast_in_dim3A_151, %while3A_537 = %broadcast_in_dim3A_151, %while3A_538 = %broadcast_in_dim3A_151) : (i32, vector<16xf32>, vector<16xf32>, vector<16xf32>, vector<16xf32>, vector<16xf32>, vector<16xf32>, vector<16xf32>, vector<16xf32>, vector<16xf32>, vector<16xf32>, vector<16xf32>, vector<16xf32>, vector<16xf32>, vector<16xf32>, vector<16xf32>, vector<16xf32>) -> (i32, vector<16xf32>, vector<16xf32>, vector<16xf32>, vector<16xf32>, vector<16xf32>, vector<16xf32>, vector<16xf32>, vector<16xf32>, vector<16xf32>, vector<16xf32>, vector<16xf32>, vector<16xf32>, vector<16xf32>, vector<16xf32>, vector<16xf32>, vector<16xf32>) {
            %lt3A_539 = arith.constant 16 : i32
            %lt3A_540 = arith.cmpi slt, %while3A_522, %lt3A_539 : i32
            scf.condition(%lt3A_540) %while3A_522, %while3A_523, %while3A_524, %while3A_525, %while3A_526, %while3A_527, %while3A_528, %while3A_529, %while3A_530, %while3A_531, %while3A_532, %while3A_533, %while3A_534, %while3A_535, %while3A_536, %while3A_537, %while3A_538 : i32, vector<16xf32>, vector<16xf32>, vector<16xf32>, vector<16xf32>, vector<16xf32>, vector<16xf32>, vector<16xf32>, vector<16xf32>, vector<16xf32>, vector<16xf32>, vector<16xf32>, vector<16xf32>, vector<16xf32>, vector<16xf32>, vector<16xf32>, vector<16xf32>
          } do {
          ^bb0(%while3A_522: i32, %while3A_523: vector<16xf32>, %while3A_524: vector<16xf32>, %while3A_525: vector<16xf32>, %while3A_526: vector<16xf32>, %while3A_527: vector<16xf32>, %while3A_528: vector<16xf32>, %while3A_529: vector<16xf32>, %while3A_530: vector<16xf32>, %while3A_531: vector<16xf32>, %while3A_532: vector<16xf32>, %while3A_533: vector<16xf32>, %while3A_534: vector<16xf32>, %while3A_535: vector<16xf32>, %while3A_536: vector<16xf32>, %while3A_537: vector<16xf32>, %while3A_538: vector<16xf32>):
            %ge3A = vector.broadcast %while3A_522 : i32 to vector<16xi32>
            %ge3A_539 = arith.cmpi sge, %iota3A, %ge3A : vector<16xi32>
            %and3A_540 = arith.andi %ne3A_201, %ge3A_539 : vector<16xi1>
            %all_reduce_ffs3A = tpu.all_reduce %and3A_540 {dim = 0 : i64, kind = #tpu.reduction_kind<find_first_set>} : vector<16xi1> -> vector<16xi32>
            %reduce_max3A = arith.constant true
            %reduce_max3A_541 = vector.broadcast %reduce_max3A : i1 to vector<16xi1>
            %reduce_max3A_542 = arith.constant -2147483648 : i32
            %reduce_max3A_543 = vector.broadcast %reduce_max3A_542 : i32 to vector<16xi32>
            %reduce_max3A_544 = arith.xori %all_reduce_ffs3A, %reduce_max3A_543 : vector<16xi32>
            %reduce_max3A_545 = tpu.scan <max>, %reduce_max3A_544 masked %reduce_max3A_541 : vector<16xi32>, vector<16xi1> -> vector<16xi32>
            %reduce_max3A_546 = arith.xori %reduce_max3A_545, %reduce_max3A_543 : vector<16xi32>
            %reduce_max3A_547 = vector.extract %reduce_max3A_546[15] : i32 from vector<16xi32>
            %add3A_548 = arith.constant 1 : i32
            %add3A_549 = arith.addi %reduce_max3A_547, %add3A_548 : i32
            %min3A_550 = arith.constant 16 : i32
            %min3A_551 = arith.minsi %add3A_549, %min3A_550 : i32
            %add3A_552 = arith.addi %mul3A_163, %while3A_522 : i32
            %get3A_553 = arith.index_cast %add3A_552 : i32 to index
            %get3A_554 = arith.constant 0 : index
            %get3A_555 = tpu.vector_load %arg9[%get3A_553, %get3A_554] {strides = array<i32>} : memref<1024x32xf32, #tpu.memory_space<vmem>>, vector<16xf32>,
            %add3A_556 = arith.addi %mul3A_163, %while3A_522 : i32
            %get3A_557 = arith.index_cast %add3A_556 : i32 to index
            %get3A_558 = arith.constant 16 : index
            %get3A_559 = tpu.vector_load %arg9[%get3A_557, %get3A_558] {strides = array<i32>} : memref<1024x32xf32, #tpu.memory_space<vmem>>, vector<16xf32>,
            %ge3A_560 = vector.broadcast %while3A_522 : i32 to vector<16xi32>
            %ge3A_561 = arith.cmpi sge, %iota3A, %ge3A_560 : vector<16xi32>
            %lt3A_562 = vector.broadcast %min3A_551 : i32 to vector<16xi32>
            %lt3A_563 = arith.cmpi slt, %iota3A, %lt3A_562 : vector<16xi32>
            %and3A_564 = arith.andi %ge3A_561, %lt3A_563 : vector<16xi1>
            %broadcast_in_dim3A_565 = arith.constant 0 : i32
            %broadcast_in_dim3A_566 = vector.broadcast %broadcast_in_dim3A_565 : i32 to vector<16xi32>
            %broadcast_in_dim3A_567 = vector.shape_cast %broadcast_in_dim3A_566 : vector<16xi32> to vector<16x1xi32>
            %gather3A_568 = vector.shape_cast %broadcast_in_dim3A_567 : vector<16x1xi32> to vector<16xi32>
            %gather3A_569 = tpu.dynamic_gather %get3A_555[%gather3A_568] in [0] : vector<16xf32>, vector<16xi32> -> vector<16xf32>
            %sub3A_570 = arith.subf %get3A_211, %gather3A_569 : vector<16xf32>
            %broadcast_in_dim3A_571 = arith.constant 0 : i32
            %broadcast_in_dim3A_572 = vector.broadcast %broadcast_in_dim3A_571 : i32 to vector<16xi32>
            %broadcast_in_dim3A_573 = vector.shape_cast %broadcast_in_dim3A_572 : vector<16xi32> to vector<16x1xi32>
            %gather3A_574 = vector.shape_cast %broadcast_in_dim3A_573 : vector<16x1xi32> to vector<16xi32>
            %gather3A_575 = tpu.dynamic_gather %get3A_559[%gather3A_574] in [0] : vector<16xf32>, vector<16xi32> -> vector<16xf32>
            %mul3A_576 = arith.mulf %sub3A_570, %gather3A_575 : vector<16xf32>
            %select_n3A_577 = arith.select %and3A_564, %mul3A_576, %while3A_523 : vector<16xi1>, vector<16xf32>
            %broadcast_in_dim3A_578 = arith.constant 1 : i32
            %broadcast_in_dim3A_579 = vector.broadcast %broadcast_in_dim3A_578 : i32 to vector<16xi32>
            %broadcast_in_dim3A_580 = vector.shape_cast %broadcast_in_dim3A_579 : vector<16xi32> to vector<16x1xi32>
            %gather3A_581 = vector.shape_cast %broadcast_in_dim3A_580 : vector<16x1xi32> to vector<16xi32>
            %gather3A_582 = tpu.dynamic_gather %get3A_555[%gather3A_581] in [0] : vector<16xf32>, vector<16xi32> -> vector<16xf32>
            %sub3A_583 = arith.subf %get3A_221, %gather3A_582 : vector<16xf32>
            %broadcast_in_dim3A_584 = arith.constant 1 : i32
            %broadcast_in_dim3A_585 = vector.broadcast %broadcast_in_dim3A_584 : i32 to vector<16xi32>
            %broadcast_in_dim3A_586 = vector.shape_cast %broadcast_in_dim3A_585 : vector<16xi32> to vector<16x1xi32>
            %gather3A_587 = vector.shape_cast %broadcast_in_dim3A_586 : vector<16x1xi32> to vector<16xi32>
            %gather3A_588 = tpu.dynamic_gather %get3A_559[%gather3A_587] in [0] : vector<16xf32>, vector<16xi32> -> vector<16xf32>
            %mul3A_589 = arith.mulf %sub3A_583, %gather3A_588 : vector<16xf32>
            %select_n3A_590 = arith.select %and3A_564, %mul3A_589, %while3A_524 : vector<16xi1>, vector<16xf32>
            %broadcast_in_dim3A_591 = arith.constant 2 : i32
            %broadcast_in_dim3A_592 = vector.broadcast %broadcast_in_dim3A_591 : i32 to vector<16xi32>
            %broadcast_in_dim3A_593 = vector.shape_cast %broadcast_in_dim3A_592 : vector<16xi32> to vector<16x1xi32>
            %gather3A_594 = vector.shape_cast %broadcast_in_dim3A_593 : vector<16x1xi32> to vector<16xi32>
            %gather3A_595 = tpu.dynamic_gather %get3A_555[%gather3A_594] in [0] : vector<16xf32>, vector<16xi32> -> vector<16xf32>
            %sub3A_596 = arith.subf %get3A_231, %gather3A_595 : vector<16xf32>
            %broadcast_in_dim3A_597 = arith.constant 2 : i32
            %broadcast_in_dim3A_598 = vector.broadcast %broadcast_in_dim3A_597 : i32 to vector<16xi32>
            %broadcast_in_dim3A_599 = vector.shape_cast %broadcast_in_dim3A_598 : vector<16xi32> to vector<16x1xi32>
            %gather3A_600 = vector.shape_cast %broadcast_in_dim3A_599 : vector<16x1xi32> to vector<16xi32>
            %gather3A_601 = tpu.dynamic_gather %get3A_559[%gather3A_600] in [0] : vector<16xf32>, vector<16xi32> -> vector<16xf32>
            %mul3A_602 = arith.mulf %sub3A_596, %gather3A_601 : vector<16xf32>
            %select_n3A_603 = arith.select %and3A_564, %mul3A_602, %while3A_525 : vector<16xi1>, vector<16xf32>
            %broadcast_in_dim3A_604 = arith.constant 3 : i32
            %broadcast_in_dim3A_605 = vector.broadcast %broadcast_in_dim3A_604 : i32 to vector<16xi32>
            %broadcast_in_dim3A_606 = vector.shape_cast %broadcast_in_dim3A_605 : vector<16xi32> to vector<16x1xi32>
            %gather3A_607 = vector.shape_cast %broadcast_in_dim3A_606 : vector<16x1xi32> to vector<16xi32>
            %gather3A_608 = tpu.dynamic_gather %get3A_555[%gather3A_607] in [0] : vector<16xf32>, vector<16xi32> -> vector<16xf32>
            %sub3A_609 = arith.subf %get3A_241, %gather3A_608 : vector<16xf32>
            %broadcast_in_dim3A_610 = arith.constant 3 : i32
            %broadcast_in_dim3A_611 = vector.broadcast %broadcast_in_dim3A_610 : i32 to vector<16xi32>
            %broadcast_in_dim3A_612 = vector.shape_cast %broadcast_in_dim3A_611 : vector<16xi32> to vector<16x1xi32>
            %gather3A_613 = vector.shape_cast %broadcast_in_dim3A_612 : vector<16x1xi32> to vector<16xi32>
            %gather3A_614 = tpu.dynamic_gather %get3A_559[%gather3A_613] in [0] : vector<16xf32>, vector<16xi32> -> vector<16xf32>
            %mul3A_615 = arith.mulf %sub3A_609, %gather3A_614 : vector<16xf32>
            %select_n3A_616 = arith.select %and3A_564, %mul3A_615, %while3A_526 : vector<16xi1>, vector<16xf32>
            %broadcast_in_dim3A_617 = arith.constant 4 : i32
            %broadcast_in_dim3A_618 = vector.broadcast %broadcast_in_dim3A_617 : i32 to vector<16xi32>
            %broadcast_in_dim3A_619 = vector.shape_cast %broadcast_in_dim3A_618 : vector<16xi32> to vector<16x1xi32>
            %gather3A_620 = vector.shape_cast %broadcast_in_dim3A_619 : vector<16x1xi32> to vector<16xi32>
            %gather3A_621 = tpu.dynamic_gather %get3A_555[%gather3A_620] in [0] : vector<16xf32>, vector<16xi32> -> vector<16xf32>
            %sub3A_622 = arith.subf %get3A_251, %gather3A_621 : vector<16xf32>
            %broadcast_in_dim3A_623 = arith.constant 4 : i32
            %broadcast_in_dim3A_624 = vector.broadcast %broadcast_in_dim3A_623 : i32 to vector<16xi32>
            %broadcast_in_dim3A_625 = vector.shape_cast %broadcast_in_dim3A_624 : vector<16xi32> to vector<16x1xi32>
            %gather3A_626 = vector.shape_cast %broadcast_in_dim3A_625 : vector<16x1xi32> to vector<16xi32>
            %gather3A_627 = tpu.dynamic_gather %get3A_559[%gather3A_626] in [0] : vector<16xf32>, vector<16xi32> -> vector<16xf32>
            %mul3A_628 = arith.mulf %sub3A_622, %gather3A_627 : vector<16xf32>
            %select_n3A_629 = arith.select %and3A_564, %mul3A_628, %while3A_527 : vector<16xi1>, vector<16xf32>
            %broadcast_in_dim3A_630 = arith.constant 5 : i32
            %broadcast_in_dim3A_631 = vector.broadcast %broadcast_in_dim3A_630 : i32 to vector<16xi32>
            %broadcast_in_dim3A_632 = vector.shape_cast %broadcast_in_dim3A_631 : vector<16xi32> to vector<16x1xi32>
            %gather3A_633 = vector.shape_cast %broadcast_in_dim3A_632 : vector<16x1xi32> to vector<16xi32>
            %gather3A_634 = tpu.dynamic_gather %get3A_555[%gather3A_633] in [0] : vector<16xf32>, vector<16xi32> -> vector<16xf32>
            %sub3A_635 = arith.subf %get3A_261, %gather3A_634 : vector<16xf32>
            %broadcast_in_dim3A_636 = arith.constant 5 : i32
            %broadcast_in_dim3A_637 = vector.broadcast %broadcast_in_dim3A_636 : i32 to vector<16xi32>
            %broadcast_in_dim3A_638 = vector.shape_cast %broadcast_in_dim3A_637 : vector<16xi32> to vector<16x1xi32>
            %gather3A_639 = vector.shape_cast %broadcast_in_dim3A_638 : vector<16x1xi32> to vector<16xi32>
            %gather3A_640 = tpu.dynamic_gather %get3A_559[%gather3A_639] in [0] : vector<16xf32>, vector<16xi32> -> vector<16xf32>
            %mul3A_641 = arith.mulf %sub3A_635, %gather3A_640 : vector<16xf32>
            %select_n3A_642 = arith.select %and3A_564, %mul3A_641, %while3A_528 : vector<16xi1>, vector<16xf32>
            %broadcast_in_dim3A_643 = arith.constant 6 : i32
            %broadcast_in_dim3A_644 = vector.broadcast %broadcast_in_dim3A_643 : i32 to vector<16xi32>
            %broadcast_in_dim3A_645 = vector.shape_cast %broadcast_in_dim3A_644 : vector<16xi32> to vector<16x1xi32>
            %gather3A_646 = vector.shape_cast %broadcast_in_dim3A_645 : vector<16x1xi32> to vector<16xi32>
            %gather3A_647 = tpu.dynamic_gather %get3A_555[%gather3A_646] in [0] : vector<16xf32>, vector<16xi32> -> vector<16xf32>
            %sub3A_648 = arith.subf %get3A_271, %gather3A_647 : vector<16xf32>
            %broadcast_in_dim3A_649 = arith.constant 6 : i32
            %broadcast_in_dim3A_650 = vector.broadcast %broadcast_in_dim3A_649 : i32 to vector<16xi32>
            %broadcast_in_dim3A_651 = vector.shape_cast %broadcast_in_dim3A_650 : vector<16xi32> to vector<16x1xi32>
            %gather3A_652 = vector.shape_cast %broadcast_in_dim3A_651 : vector<16x1xi32> to vector<16xi32>
            %gather3A_653 = tpu.dynamic_gather %get3A_559[%gather3A_652] in [0] : vector<16xf32>, vector<16xi32> -> vector<16xf32>
            %mul3A_654 = arith.mulf %sub3A_648, %gather3A_653 : vector<16xf32>
            %select_n3A_655 = arith.select %and3A_564, %mul3A_654, %while3A_529 : vector<16xi1>, vector<16xf32>
            %broadcast_in_dim3A_656 = arith.constant 7 : i32
            %broadcast_in_dim3A_657 = vector.broadcast %broadcast_in_dim3A_656 : i32 to vector<16xi32>
            %broadcast_in_dim3A_658 = vector.shape_cast %broadcast_in_dim3A_657 : vector<16xi32> to vector<16x1xi32>
            %gather3A_659 = vector.shape_cast %broadcast_in_dim3A_658 : vector<16x1xi32> to vector<16xi32>
            %gather3A_660 = tpu.dynamic_gather %get3A_555[%gather3A_659] in [0] : vector<16xf32>, vector<16xi32> -> vector<16xf32>
            %sub3A_661 = arith.subf %get3A_281, %gather3A_660 : vector<16xf32>
            %broadcast_in_dim3A_662 = arith.constant 7 : i32
            %broadcast_in_dim3A_663 = vector.broadcast %broadcast_in_dim3A_662 : i32 to vector<16xi32>
            %broadcast_in_dim3A_664 = vector.shape_cast %broadcast_in_dim3A_663 : vector<16xi32> to vector<16x1xi32>
            %gather3A_665 = vector.shape_cast %broadcast_in_dim3A_664 : vector<16x1xi32> to vector<16xi32>
            %gather3A_666 = tpu.dynamic_gather %get3A_559[%gather3A_665] in [0] : vector<16xf32>, vector<16xi32> -> vector<16xf32>
            %mul3A_667 = arith.mulf %sub3A_661, %gather3A_666 : vector<16xf32>
            %select_n3A_668 = arith.select %and3A_564, %mul3A_667, %while3A_530 : vector<16xi1>, vector<16xf32>
            %broadcast_in_dim3A_669 = arith.constant 8 : i32
            %broadcast_in_dim3A_670 = vector.broadcast %broadcast_in_dim3A_669 : i32 to vector<16xi32>
            %broadcast_in_dim3A_671 = vector.shape_cast %broadcast_in_dim3A_670 : vector<16xi32> to vector<16x1xi32>
            %gather3A_672 = vector.shape_cast %broadcast_in_dim3A_671 : vector<16x1xi32> to vector<16xi32>
            %gather3A_673 = tpu.dynamic_gather %get3A_555[%gather3A_672] in [0] : vector<16xf32>, vector<16xi32> -> vector<16xf32>
            %sub3A_674 = arith.subf %get3A_291, %gather3A_673 : vector<16xf32>
            %broadcast_in_dim3A_675 = arith.constant 8 : i32
            %broadcast_in_dim3A_676 = vector.broadcast %broadcast_in_dim3A_675 : i32 to vector<16xi32>
            %broadcast_in_dim3A_677 = vector.shape_cast %broadcast_in_dim3A_676 : vector<16xi32> to vector<16x1xi32>
            %gather3A_678 = vector.shape_cast %broadcast_in_dim3A_677 : vector<16x1xi32> to vector<16xi32>
            %gather3A_679 = tpu.dynamic_gather %get3A_559[%gather3A_678] in [0] : vector<16xf32>, vector<16xi32> -> vector<16xf32>
            %mul3A_680 = arith.mulf %sub3A_674, %gather3A_679 : vector<16xf32>
            %select_n3A_681 = arith.select %and3A_564, %mul3A_680, %while3A_531 : vector<16xi1>, vector<16xf32>
            %broadcast_in_dim3A_682 = arith.constant 9 : i32
            %broadcast_in_dim3A_683 = vector.broadcast %broadcast_in_dim3A_682 : i32 to vector<16xi32>
            %broadcast_in_dim3A_684 = vector.shape_cast %broadcast_in_dim3A_683 : vector<16xi32> to vector<16x1xi32>
            %gather3A_685 = vector.shape_cast %broadcast_in_dim3A_684 : vector<16x1xi32> to vector<16xi32>
            %gather3A_686 = tpu.dynamic_gather %get3A_555[%gather3A_685] in [0] : vector<16xf32>, vector<16xi32> -> vector<16xf32>
            %sub3A_687 = arith.subf %get3A_301, %gather3A_686 : vector<16xf32>
            %broadcast_in_dim3A_688 = arith.constant 9 : i32
            %broadcast_in_dim3A_689 = vector.broadcast %broadcast_in_dim3A_688 : i32 to vector<16xi32>
            %broadcast_in_dim3A_690 = vector.shape_cast %broadcast_in_dim3A_689 : vector<16xi32> to vector<16x1xi32>
            %gather3A_691 = vector.shape_cast %broadcast_in_dim3A_690 : vector<16x1xi32> to vector<16xi32>
            %gather3A_692 = tpu.dynamic_gather %get3A_559[%gather3A_691] in [0] : vector<16xf32>, vector<16xi32> -> vector<16xf32>
            %mul3A_693 = arith.mulf %sub3A_687, %gather3A_692 : vector<16xf32>
            %select_n3A_694 = arith.select %and3A_564, %mul3A_693, %while3A_532 : vector<16xi1>, vector<16xf32>
            %broadcast_in_dim3A_695 = arith.constant 10 : i32
            %broadcast_in_dim3A_696 = vector.broadcast %broadcast_in_dim3A_695 : i32 to vector<16xi32>
            %broadcast_in_dim3A_697 = vector.shape_cast %broadcast_in_dim3A_696 : vector<16xi32> to vector<16x1xi32>
            %gather3A_698 = vector.shape_cast %broadcast_in_dim3A_697 : vector<16x1xi32> to vector<16xi32>
            %gather3A_699 = tpu.dynamic_gather %get3A_555[%gather3A_698] in [0] : vector<16xf32>, vector<16xi32> -> vector<16xf32>
            %sub3A_700 = arith.subf %get3A_311, %gather3A_699 : vector<16xf32>
            %broadcast_in_dim3A_701 = arith.constant 10 : i32
            %broadcast_in_dim3A_702 = vector.broadcast %broadcast_in_dim3A_701 : i32 to vector<16xi32>
            %broadcast_in_dim3A_703 = vector.shape_cast %broadcast_in_dim3A_702 : vector<16xi32> to vector<16x1xi32>
            %gather3A_704 = vector.shape_cast %broadcast_in_dim3A_703 : vector<16x1xi32> to vector<16xi32>
            %gather3A_705 = tpu.dynamic_gather %get3A_559[%gather3A_704] in [0] : vector<16xf32>, vector<16xi32> -> vector<16xf32>
            %mul3A_706 = arith.mulf %sub3A_700, %gather3A_705 : vector<16xf32>
            %select_n3A_707 = arith.select %and3A_564, %mul3A_706, %while3A_533 : vector<16xi1>, vector<16xf32>
            %broadcast_in_dim3A_708 = arith.constant 11 : i32
            %broadcast_in_dim3A_709 = vector.broadcast %broadcast_in_dim3A_708 : i32 to vector<16xi32>
            %broadcast_in_dim3A_710 = vector.shape_cast %broadcast_in_dim3A_709 : vector<16xi32> to vector<16x1xi32>
            %gather3A_711 = vector.shape_cast %broadcast_in_dim3A_710 : vector<16x1xi32> to vector<16xi32>
            %gather3A_712 = tpu.dynamic_gather %get3A_555[%gather3A_711] in [0] : vector<16xf32>, vector<16xi32> -> vector<16xf32>
            %sub3A_713 = arith.subf %get3A_321, %gather3A_712 : vector<16xf32>
            %broadcast_in_dim3A_714 = arith.constant 11 : i32
            %broadcast_in_dim3A_715 = vector.broadcast %broadcast_in_dim3A_714 : i32 to vector<16xi32>
            %broadcast_in_dim3A_716 = vector.shape_cast %broadcast_in_dim3A_715 : vector<16xi32> to vector<16x1xi32>
            %gather3A_717 = vector.shape_cast %broadcast_in_dim3A_716 : vector<16x1xi32> to vector<16xi32>
            %gather3A_718 = tpu.dynamic_gather %get3A_559[%gather3A_717] in [0] : vector<16xf32>, vector<16xi32> -> vector<16xf32>
            %mul3A_719 = arith.mulf %sub3A_713, %gather3A_718 : vector<16xf32>
            %select_n3A_720 = arith.select %and3A_564, %mul3A_719, %while3A_534 : vector<16xi1>, vector<16xf32>
            %broadcast_in_dim3A_721 = arith.constant 12 : i32
            %broadcast_in_dim3A_722 = vector.broadcast %broadcast_in_dim3A_721 : i32 to vector<16xi32>
            %broadcast_in_dim3A_723 = vector.shape_cast %broadcast_in_dim3A_722 : vector<16xi32> to vector<16x1xi32>
            %gather3A_724 = vector.shape_cast %broadcast_in_dim3A_723 : vector<16x1xi32> to vector<16xi32>
            %gather3A_725 = tpu.dynamic_gather %get3A_555[%gather3A_724] in [0] : vector<16xf32>, vector<16xi32> -> vector<16xf32>
            %sub3A_726 = arith.subf %get3A_331, %gather3A_725 : vector<16xf32>
            %broadcast_in_dim3A_727 = arith.constant 12 : i32
            %broadcast_in_dim3A_728 = vector.broadcast %broadcast_in_dim3A_727 : i32 to vector<16xi32>
            %broadcast_in_dim3A_729 = vector.shape_cast %broadcast_in_dim3A_728 : vector<16xi32> to vector<16x1xi32>
            %gather3A_730 = vector.shape_cast %broadcast_in_dim3A_729 : vector<16x1xi32> to vector<16xi32>
            %gather3A_731 = tpu.dynamic_gather %get3A_559[%gather3A_730] in [0] : vector<16xf32>, vector<16xi32> -> vector<16xf32>
            %mul3A_732 = arith.mulf %sub3A_726, %gather3A_731 : vector<16xf32>
            %select_n3A_733 = arith.select %and3A_564, %mul3A_732, %while3A_535 : vector<16xi1>, vector<16xf32>
            %broadcast_in_dim3A_734 = arith.constant 13 : i32
            %broadcast_in_dim3A_735 = vector.broadcast %broadcast_in_dim3A_734 : i32 to vector<16xi32>
            %broadcast_in_dim3A_736 = vector.shape_cast %broadcast_in_dim3A_735 : vector<16xi32> to vector<16x1xi32>
            %gather3A_737 = vector.shape_cast %broadcast_in_dim3A_736 : vector<16x1xi32> to vector<16xi32>
            %gather3A_738 = tpu.dynamic_gather %get3A_555[%gather3A_737] in [0] : vector<16xf32>, vector<16xi32> -> vector<16xf32>
            %sub3A_739 = arith.subf %get3A_341, %gather3A_738 : vector<16xf32>
            %broadcast_in_dim3A_740 = arith.constant 13 : i32
            %broadcast_in_dim3A_741 = vector.broadcast %broadcast_in_dim3A_740 : i32 to vector<16xi32>
            %broadcast_in_dim3A_742 = vector.shape_cast %broadcast_in_dim3A_741 : vector<16xi32> to vector<16x1xi32>
            %gather3A_743 = vector.shape_cast %broadcast_in_dim3A_742 : vector<16x1xi32> to vector<16xi32>
            %gather3A_744 = tpu.dynamic_gather %get3A_559[%gather3A_743] in [0] : vector<16xf32>, vector<16xi32> -> vector<16xf32>
            %mul3A_745 = arith.mulf %sub3A_739, %gather3A_744 : vector<16xf32>
            %select_n3A_746 = arith.select %and3A_564, %mul3A_745, %while3A_536 : vector<16xi1>, vector<16xf32>
            %broadcast_in_dim3A_747 = arith.constant 14 : i32
            %broadcast_in_dim3A_748 = vector.broadcast %broadcast_in_dim3A_747 : i32 to vector<16xi32>
            %broadcast_in_dim3A_749 = vector.shape_cast %broadcast_in_dim3A_748 : vector<16xi32> to vector<16x1xi32>
            %gather3A_750 = vector.shape_cast %broadcast_in_dim3A_749 : vector<16x1xi32> to vector<16xi32>
            %gather3A_751 = tpu.dynamic_gather %get3A_555[%gather3A_750] in [0] : vector<16xf32>, vector<16xi32> -> vector<16xf32>
            %sub3A_752 = arith.subf %get3A_351, %gather3A_751 : vector<16xf32>
            %broadcast_in_dim3A_753 = arith.constant 14 : i32
            %broadcast_in_dim3A_754 = vector.broadcast %broadcast_in_dim3A_753 : i32 to vector<16xi32>
            %broadcast_in_dim3A_755 = vector.shape_cast %broadcast_in_dim3A_754 : vector<16xi32> to vector<16x1xi32>
            %gather3A_756 = vector.shape_cast %broadcast_in_dim3A_755 : vector<16x1xi32> to vector<16xi32>
            %gather3A_757 = tpu.dynamic_gather %get3A_559[%gather3A_756] in [0] : vector<16xf32>, vector<16xi32> -> vector<16xf32>
            %mul3A_758 = arith.mulf %sub3A_752, %gather3A_757 : vector<16xf32>
            %select_n3A_759 = arith.select %and3A_564, %mul3A_758, %while3A_537 : vector<16xi1>, vector<16xf32>
            %broadcast_in_dim3A_760 = arith.constant 15 : i32
            %broadcast_in_dim3A_761 = vector.broadcast %broadcast_in_dim3A_760 : i32 to vector<16xi32>
            %broadcast_in_dim3A_762 = vector.shape_cast %broadcast_in_dim3A_761 : vector<16xi32> to vector<16x1xi32>
            %gather3A_763 = vector.shape_cast %broadcast_in_dim3A_762 : vector<16x1xi32> to vector<16xi32>
            %gather3A_764 = tpu.dynamic_gather %get3A_555[%gather3A_763] in [0] : vector<16xf32>, vector<16xi32> -> vector<16xf32>
            %sub3A_765 = arith.subf %get3A_361, %gather3A_764 : vector<16xf32>
            %broadcast_in_dim3A_766 = arith.constant 15 : i32
            %broadcast_in_dim3A_767 = vector.broadcast %broadcast_in_dim3A_766 : i32 to vector<16xi32>
            %broadcast_in_dim3A_768 = vector.shape_cast %broadcast_in_dim3A_767 : vector<16xi32> to vector<16x1xi32>
            %gather3A_769 = vector.shape_cast %broadcast_in_dim3A_768 : vector<16x1xi32> to vector<16xi32>
            %gather3A_770 = tpu.dynamic_gather %get3A_559[%gather3A_769] in [0] : vector<16xf32>, vector<16xi32> -> vector<16xf32>
            %mul3A_771 = arith.mulf %sub3A_765, %gather3A_770 : vector<16xf32>
            %select_n3A_772 = arith.select %and3A_564, %mul3A_771, %while3A_538 : vector<16xi1>, vector<16xf32>
            scf.yield %min3A_551, %select_n3A_577, %select_n3A_590, %select_n3A_603, %select_n3A_616, %select_n3A_629, %select_n3A_642, %select_n3A_655, %select_n3A_668, %select_n3A_681, %select_n3A_694, %select_n3A_707, %select_n3A_720, %select_n3A_733, %select_n3A_746, %select_n3A_759, %select_n3A_772 : i32, vector<16xf32>, vector<16xf32>, vector<16xf32>, vector<16xf32>, vector<16xf32>, vector<16xf32>, vector<16xf32>, vector<16xf32>, vector<16xf32>, vector<16xf32>, vector<16xf32>, vector<16xf32>, vector<16xf32>, vector<16xf32>, vector<16xf32>, vector<16xf32>
          }
          %mul3A_363 = arith.constant 1024 : i32
          %mul3A_364 = arith.muli %select_n3A, %mul3A_363 : i32
          %add3A_365 = arith.constant 0 : i32
          %add3A_366 = arith.addi %add3A_365, %mul3A_364 : i32
          %add3A_367 = arith.constant 0 : i32
          %add3A_368 = arith.addi %add3A_366, %add3A_367 : i32
          %add3A_369 = arith.addi %add3A_368, %mul3A_196 : i32
          %multiple_of3A_370 = tpu.assume_multiple %add3A_369, 16 : i32
          %swap3A = arith.index_cast %multiple_of3A_370 : i32 to index
          %swap3A_371 = tpu.vector_load %arg7[%swap3A] {strides = array<i32>} : memref<16384xf32, #tpu.memory_space<vmem>>, vector<16xf32>,
          tpu.vector_store %arg7[%swap3A], %while3A_362#1 {strides = array<i32>} : memref<16384xf32, #tpu.memory_space<vmem>>, vector<16xf32>,
          %mul3A_372 = arith.constant 1024 : i32
          %mul3A_373 = arith.muli %select_n3A, %mul3A_372 : i32
          %add3A_374 = arith.constant 0 : i32
          %add3A_375 = arith.addi %add3A_374, %mul3A_373 : i32
          %add3A_376 = arith.constant 128 : i32
          %add3A_377 = arith.addi %add3A_375, %add3A_376 : i32
          %add3A_378 = arith.addi %add3A_377, %mul3A_196 : i32
          %multiple_of3A_379 = tpu.assume_multiple %add3A_378, 16 : i32
          %swap3A_380 = arith.index_cast %multiple_of3A_379 : i32 to index
          %swap3A_381 = tpu.vector_load %arg7[%swap3A_380] {strides = array<i32>} : memref<16384xf32, #tpu.memory_space<vmem>>, vector<16xf32>,
          tpu.vector_store %arg7[%swap3A_380], %while3A_362#2 {strides = array<i32>} : memref<16384xf32, #tpu.memory_space<vmem>>, vector<16xf32>,
          %mul3A_382 = arith.constant 1024 : i32
          %mul3A_383 = arith.muli %select_n3A, %mul3A_382 : i32
          %add3A_384 = arith.constant 0 : i32
          %add3A_385 = arith.addi %add3A_384, %mul3A_383 : i32
          %add3A_386 = arith.constant 256 : i32
          %add3A_387 = arith.addi %add3A_385, %add3A_386 : i32
          %add3A_388 = arith.addi %add3A_387, %mul3A_196 : i32
          %multiple_of3A_389 = tpu.assume_multiple %add3A_388, 16 : i32
          %swap3A_390 = arith.index_cast %multiple_of3A_389 : i32 to index
          %swap3A_391 = tpu.vector_load %arg7[%swap3A_390] {strides = array<i32>} : memref<16384xf32, #tpu.memory_space<vmem>>, vector<16xf32>,
          tpu.vector_store %arg7[%swap3A_390], %while3A_362#3 {strides = array<i32>} : memref<16384xf32, #tpu.memory_space<vmem>>, vector<16xf32>,
          %mul3A_392 = arith.constant 1024 : i32
          %mul3A_393 = arith.muli %select_n3A, %mul3A_392 : i32
          %add3A_394 = arith.constant 0 : i32
          %add3A_395 = arith.addi %add3A_394, %mul3A_393 : i32
          %add3A_396 = arith.constant 384 : i32
          %add3A_397 = arith.addi %add3A_395, %add3A_396 : i32
          %add3A_398 = arith.addi %add3A_397, %mul3A_196 : i32
          %multiple_of3A_399 = tpu.assume_multiple %add3A_398, 16 : i32
          %swap3A_400 = arith.index_cast %multiple_of3A_399 : i32 to index
          %swap3A_401 = tpu.vector_load %arg7[%swap3A_400] {strides = array<i32>} : memref<16384xf32, #tpu.memory_space<vmem>>, vector<16xf32>,
          tpu.vector_store %arg7[%swap3A_400], %while3A_362#4 {strides = array<i32>} : memref<16384xf32, #tpu.memory_space<vmem>>, vector<16xf32>,
          %mul3A_402 = arith.constant 1024 : i32
          %mul3A_403 = arith.muli %select_n3A, %mul3A_402 : i32
          %add3A_404 = arith.constant 0 : i32
          %add3A_405 = arith.addi %add3A_404, %mul3A_403 : i32
          %add3A_406 = arith.constant 512 : i32
          %add3A_407 = arith.addi %add3A_405, %add3A_406 : i32
          %add3A_408 = arith.addi %add3A_407, %mul3A_196 : i32
          %multiple_of3A_409 = tpu.assume_multiple %add3A_408, 16 : i32
          %swap3A_410 = arith.index_cast %multiple_of3A_409 : i32 to index
          %swap3A_411 = tpu.vector_load %arg7[%swap3A_410] {strides = array<i32>} : memref<16384xf32, #tpu.memory_space<vmem>>, vector<16xf32>,
          tpu.vector_store %arg7[%swap3A_410], %while3A_362#5 {strides = array<i32>} : memref<16384xf32, #tpu.memory_space<vmem>>, vector<16xf32>,
          %mul3A_412 = arith.constant 1024 : i32
          %mul3A_413 = arith.muli %select_n3A, %mul3A_412 : i32
          %add3A_414 = arith.constant 0 : i32
          %add3A_415 = arith.addi %add3A_414, %mul3A_413 : i32
          %add3A_416 = arith.constant 640 : i32
          %add3A_417 = arith.addi %add3A_415, %add3A_416 : i32
          %add3A_418 = arith.addi %add3A_417, %mul3A_196 : i32
          %multiple_of3A_419 = tpu.assume_multiple %add3A_418, 16 : i32
          %swap3A_420 = arith.index_cast %multiple_of3A_419 : i32 to index
          %swap3A_421 = tpu.vector_load %arg7[%swap3A_420] {strides = array<i32>} : memref<16384xf32, #tpu.memory_space<vmem>>, vector<16xf32>,
          tpu.vector_store %arg7[%swap3A_420], %while3A_362#6 {strides = array<i32>} : memref<16384xf32, #tpu.memory_space<vmem>>, vector<16xf32>,
          %mul3A_422 = arith.constant 1024 : i32
          %mul3A_423 = arith.muli %select_n3A, %mul3A_422 : i32
          %add3A_424 = arith.constant 0 : i32
          %add3A_425 = arith.addi %add3A_424, %mul3A_423 : i32
          %add3A_426 = arith.constant 768 : i32
          %add3A_427 = arith.addi %add3A_425, %add3A_426 : i32
          %add3A_428 = arith.addi %add3A_427, %mul3A_196 : i32
          %multiple_of3A_429 = tpu.assume_multiple %add3A_428, 16 : i32
          %swap3A_430 = arith.index_cast %multiple_of3A_429 : i32 to index
          %swap3A_431 = tpu.vector_load %arg7[%swap3A_430] {strides = array<i32>} : memref<16384xf32, #tpu.memory_space<vmem>>, vector<16xf32>,
          tpu.vector_store %arg7[%swap3A_430], %while3A_362#7 {strides = array<i32>} : memref<16384xf32, #tpu.memory_space<vmem>>, vector<16xf32>,
          %mul3A_432 = arith.constant 1024 : i32
          %mul3A_433 = arith.muli %select_n3A, %mul3A_432 : i32
          %add3A_434 = arith.constant 0 : i32
          %add3A_435 = arith.addi %add3A_434, %mul3A_433 : i32
          %add3A_436 = arith.constant 896 : i32
          %add3A_437 = arith.addi %add3A_435, %add3A_436 : i32
          %add3A_438 = arith.addi %add3A_437, %mul3A_196 : i32
          %multiple_of3A_439 = tpu.assume_multiple %add3A_438, 16 : i32
          %swap3A_440 = arith.index_cast %multiple_of3A_439 : i32 to index
          %swap3A_441 = tpu.vector_load %arg7[%swap3A_440] {strides = array<i32>} : memref<16384xf32, #tpu.memory_space<vmem>>, vector<16xf32>,
          tpu.vector_store %arg7[%swap3A_440], %while3A_362#8 {strides = array<i32>} : memref<16384xf32, #tpu.memory_space<vmem>>, vector<16xf32>,
          %mul3A_442 = arith.constant 1024 : i32
          %mul3A_443 = arith.muli %select_n3A, %mul3A_442 : i32
          %add3A_444 = arith.constant 8192 : i32
          %add3A_445 = arith.addi %add3A_444, %mul3A_443 : i32
          %add3A_446 = arith.constant 0 : i32
          %add3A_447 = arith.addi %add3A_445, %add3A_446 : i32
          %add3A_448 = arith.addi %add3A_447, %mul3A_196 : i32
          %multiple_of3A_449 = tpu.assume_multiple %add3A_448, 16 : i32
          %swap3A_450 = arith.index_cast %multiple_of3A_449 : i32 to index
          %swap3A_451 = tpu.vector_load %arg7[%swap3A_450] {strides = array<i32>} : memref<16384xf32, #tpu.memory_space<vmem>>, vector<16xf32>,
          tpu.vector_store %arg7[%swap3A_450], %while3A_362#9 {strides = array<i32>} : memref<16384xf32, #tpu.memory_space<vmem>>, vector<16xf32>,
          %mul3A_452 = arith.constant 1024 : i32
          %mul3A_453 = arith.muli %select_n3A, %mul3A_452 : i32
          %add3A_454 = arith.constant 8192 : i32
          %add3A_455 = arith.addi %add3A_454, %mul3A_453 : i32
          %add3A_456 = arith.constant 128 : i32
          %add3A_457 = arith.addi %add3A_455, %add3A_456 : i32
          %add3A_458 = arith.addi %add3A_457, %mul3A_196 : i32
          %multiple_of3A_459 = tpu.assume_multiple %add3A_458, 16 : i32
          %swap3A_460 = arith.index_cast %multiple_of3A_459 : i32 to index
          %swap3A_461 = tpu.vector_load %arg7[%swap3A_460] {strides = array<i32>} : memref<16384xf32, #tpu.memory_space<vmem>>, vector<16xf32>,
          tpu.vector_store %arg7[%swap3A_460], %while3A_362#10 {strides = array<i32>} : memref<16384xf32, #tpu.memory_space<vmem>>, vector<16xf32>,
          %mul3A_462 = arith.constant 1024 : i32
          %mul3A_463 = arith.muli %select_n3A, %mul3A_462 : i32
          %add3A_464 = arith.constant 8192 : i32
          %add3A_465 = arith.addi %add3A_464, %mul3A_463 : i32
          %add3A_466 = arith.constant 256 : i32
          %add3A_467 = arith.addi %add3A_465, %add3A_466 : i32
          %add3A_468 = arith.addi %add3A_467, %mul3A_196 : i32
          %multiple_of3A_469 = tpu.assume_multiple %add3A_468, 16 : i32
          %swap3A_470 = arith.index_cast %multiple_of3A_469 : i32 to index
          %swap3A_471 = tpu.vector_load %arg7[%swap3A_470] {strides = array<i32>} : memref<16384xf32, #tpu.memory_space<vmem>>, vector<16xf32>,
          tpu.vector_store %arg7[%swap3A_470], %while3A_362#11 {strides = array<i32>} : memref<16384xf32, #tpu.memory_space<vmem>>, vector<16xf32>,
          %mul3A_472 = arith.constant 1024 : i32
          %mul3A_473 = arith.muli %select_n3A, %mul3A_472 : i32
          %add3A_474 = arith.constant 8192 : i32
          %add3A_475 = arith.addi %add3A_474, %mul3A_473 : i32
          %add3A_476 = arith.constant 384 : i32
          %add3A_477 = arith.addi %add3A_475, %add3A_476 : i32
          %add3A_478 = arith.addi %add3A_477, %mul3A_196 : i32
          %multiple_of3A_479 = tpu.assume_multiple %add3A_478, 16 : i32
          %swap3A_480 = arith.index_cast %multiple_of3A_479 : i32 to index
          %swap3A_481 = tpu.vector_load %arg7[%swap3A_480] {strides = array<i32>} : memref<16384xf32, #tpu.memory_space<vmem>>, vector<16xf32>,
          tpu.vector_store %arg7[%swap3A_480], %while3A_362#12 {strides = array<i32>} : memref<16384xf32, #tpu.memory_space<vmem>>, vector<16xf32>,
          %mul3A_482 = arith.constant 1024 : i32
          %mul3A_483 = arith.muli %select_n3A, %mul3A_482 : i32
          %add3A_484 = arith.constant 8192 : i32
          %add3A_485 = arith.addi %add3A_484, %mul3A_483 : i32
          %add3A_486 = arith.constant 512 : i32
          %add3A_487 = arith.addi %add3A_485, %add3A_486 : i32
          %add3A_488 = arith.addi %add3A_487, %mul3A_196 : i32
          %multiple_of3A_489 = tpu.assume_multiple %add3A_488, 16 : i32
          %swap3A_490 = arith.index_cast %multiple_of3A_489 : i32 to index
          %swap3A_491 = tpu.vector_load %arg7[%swap3A_490] {strides = array<i32>} : memref<16384xf32, #tpu.memory_space<vmem>>, vector<16xf32>,
          tpu.vector_store %arg7[%swap3A_490], %while3A_362#13 {strides = array<i32>} : memref<16384xf32, #tpu.memory_space<vmem>>, vector<16xf32>,
          %mul3A_492 = arith.constant 1024 : i32
          %mul3A_493 = arith.muli %select_n3A, %mul3A_492 : i32
          %add3A_494 = arith.constant 8192 : i32
          %add3A_495 = arith.addi %add3A_494, %mul3A_493 : i32
          %add3A_496 = arith.constant 640 : i32
          %add3A_497 = arith.addi %add3A_495, %add3A_496 : i32
          %add3A_498 = arith.addi %add3A_497, %mul3A_196 : i32
          %multiple_of3A_499 = tpu.assume_multiple %add3A_498, 16 : i32
          %swap3A_500 = arith.index_cast %multiple_of3A_499 : i32 to index
          %swap3A_501 = tpu.vector_load %arg7[%swap3A_500] {strides = array<i32>} : memref<16384xf32, #tpu.memory_space<vmem>>, vector<16xf32>,
          tpu.vector_store %arg7[%swap3A_500], %while3A_362#14 {strides = array<i32>} : memref<16384xf32, #tpu.memory_space<vmem>>, vector<16xf32>,
          %mul3A_502 = arith.constant 1024 : i32
          %mul3A_503 = arith.muli %select_n3A, %mul3A_502 : i32
          %add3A_504 = arith.constant 8192 : i32
          %add3A_505 = arith.addi %add3A_504, %mul3A_503 : i32
          %add3A_506 = arith.constant 768 : i32
          %add3A_507 = arith.addi %add3A_505, %add3A_506 : i32
          %add3A_508 = arith.addi %add3A_507, %mul3A_196 : i32
          %multiple_of3A_509 = tpu.assume_multiple %add3A_508, 16 : i32
          %swap3A_510 = arith.index_cast %multiple_of3A_509 : i32 to index
          %swap3A_511 = tpu.vector_load %arg7[%swap3A_510] {strides = array<i32>} : memref<16384xf32, #tpu.memory_space<vmem>>, vector<16xf32>,
          tpu.vector_store %arg7[%swap3A_510], %while3A_362#15 {strides = array<i32>} : memref<16384xf32, #tpu.memory_space<vmem>>, vector<16xf32>,
          %mul3A_512 = arith.constant 1024 : i32
          %mul3A_513 = arith.muli %select_n3A, %mul3A_512 : i32
          %add3A_514 = arith.constant 8192 : i32
          %add3A_515 = arith.addi %add3A_514, %mul3A_513 : i32
          %add3A_516 = arith.constant 896 : i32
          %add3A_517 = arith.addi %add3A_515, %add3A_516 : i32
          %add3A_518 = arith.addi %add3A_517, %mul3A_196 : i32
          %multiple_of3A_519 = tpu.assume_multiple %add3A_518, 16 : i32
          %swap3A_520 = arith.index_cast %multiple_of3A_519 : i32 to index
          %swap3A_521 = tpu.vector_load %arg7[%swap3A_520] {strides = array<i32>} : memref<16384xf32, #tpu.memory_space<vmem>>, vector<16xf32>,
          tpu.vector_store %arg7[%swap3A_520], %while3A_362#16 {strides = array<i32>} : memref<16384xf32, #tpu.memory_space<vmem>>, vector<16xf32>,
        }
        %scan3A_157 = arith.constant 64 : i32
        "tpu.region"() ({
          %run_scoped3A = tpu.sem_alloc : memref<!tpu.dma_semaphore, #tpu.memory_space<semaphore_mem>>
          %dma_start3A_161 = arith.constant 0 : i32
          %dma_start3A_162 = tpu.memref_slice %arg7[%dma_start3A_161] : memref<16384xf32, #tpu.memory_space<vmem>> -> memref<8192xf32, #tpu.memory_space<vmem>>
          %dma_start3A_163 = tpu.memref_slice %arg5[%multiple_of3A] : memref<51200000xf32, #tpu.memory_space<hbm>> -> memref<8192xf32, #tpu.memory_space<hbm>>
          %dma_start3A_164 = tpu.memref_slice %arg5[%multiple_of3A] : memref<51200000xf32, #tpu.memory_space<hbm>> -> memref<8192xf32, #tpu.memory_space<hbm>>
          %dma_start3A_165 = arith.constant 0 : i32
          %dma_start3A_166 = tpu.memref_slice %arg7[%dma_start3A_165] : memref<16384xf32, #tpu.memory_space<vmem>> -> memref<8192xf32, #tpu.memory_space<vmem>>
          tpu.enqueue_dma source(%dma_start3A_166 : memref<8192xf32, #tpu.memory_space<vmem>>) target(%dma_start3A_164 : memref<8192xf32, #tpu.memory_space<hbm>>) target_semaphore(%run_scoped3A : memref<!tpu.dma_semaphore, #tpu.memory_space<semaphore_mem>>)
          %dma_wait3A_167 = arith.constant 0 : i32
          %dma_wait3A_168 = tpu.memref_slice %arg7[%dma_wait3A_167] : memref<16384xf32, #tpu.memory_space<vmem>> -> memref<8192xf32, #tpu.memory_space<vmem>>
          %dma_wait3A_169 = tpu.memref_slice %arg5[%multiple_of3A] : memref<51200000xf32, #tpu.memory_space<hbm>> -> memref<8192xf32, #tpu.memory_space<hbm>>
          %dma_wait3A_170 = tpu.memref_slice %arg5[%multiple_of3A] : memref<51200000xf32, #tpu.memory_space<hbm>> -> memref<8192xf32, #tpu.memory_space<hbm>>
          %dma_wait3A_171 = arith.constant 0 : i32
          %dma_wait3A_172 = tpu.memref_slice %arg7[%dma_wait3A_171] : memref<16384xf32, #tpu.memory_space<vmem>> -> memref<8192xf32, #tpu.memory_space<vmem>>
          tpu.wait_dma2 semaphore(%run_scoped3A : memref<!tpu.dma_semaphore, #tpu.memory_space<semaphore_mem>>) src(%dma_wait3A_172 : memref<8192xf32, #tpu.memory_space<vmem>>) dst(%dma_wait3A_170 : memref<8192xf32, #tpu.memory_space<hbm>>)
          tpu.yield
        }) : () -> ()
        %add3A_158 = arith.constant 25600000 : i32
        %add3A_159 = arith.addi %add3A_158, %multiple_of3A : i32
        %multiple_of3A_160 = tpu.assume_multiple %add3A_159, 1024 : i32
        "tpu.region"() ({
          %run_scoped3A = tpu.sem_alloc : memref<!tpu.dma_semaphore, #tpu.memory_space<semaphore_mem>>
          %dma_start3A_161 = arith.constant 8192 : i32
          %dma_start3A_162 = tpu.memref_slice %arg7[%dma_start3A_161] : memref<16384xf32, #tpu.memory_space<vmem>> -> memref<8192xf32, #tpu.memory_space<vmem>>
          %dma_start3A_163 = tpu.memref_slice %arg5[%multiple_of3A_160] : memref<51200000xf32, #tpu.memory_space<hbm>> -> memref<8192xf32, #tpu.memory_space<hbm>>
          %dma_start3A_164 = tpu.memref_slice %arg5[%multiple_of3A_160] : memref<51200000xf32, #tpu.memory_space<hbm>> -> memref<8192xf32, #tpu.memory_space<hbm>>
          %dma_start3A_165 = arith.constant 8192 : i32
          %dma_start3A_166 = tpu.memref_slice %arg7[%dma_start3A_165] : memref<16384xf32, #tpu.memory_space<vmem>> -> memref<8192xf32, #tpu.memory_space<vmem>>
          tpu.enqueue_dma source(%dma_start3A_166 : memref<8192xf32, #tpu.memory_space<vmem>>) target(%dma_start3A_164 : memref<8192xf32, #tpu.memory_space<hbm>>) target_semaphore(%run_scoped3A : memref<!tpu.dma_semaphore, #tpu.memory_space<semaphore_mem>>)
          %dma_wait3A_167 = arith.constant 8192 : i32
          %dma_wait3A_168 = tpu.memref_slice %arg7[%dma_wait3A_167] : memref<16384xf32, #tpu.memory_space<vmem>> -> memref<8192xf32, #tpu.memory_space<vmem>>
          %dma_wait3A_169 = tpu.memref_slice %arg5[%multiple_of3A_160] : memref<51200000xf32, #tpu.memory_space<hbm>> -> memref<8192xf32, #tpu.memory_space<hbm>>
          %dma_wait3A_170 = tpu.memref_slice %arg5[%multiple_of3A_160] : memref<51200000xf32, #tpu.memory_space<hbm>> -> memref<8192xf32, #tpu.memory_space<hbm>>
          %dma_wait3A_171 = arith.constant 8192 : i32
          %dma_wait3A_172 = tpu.memref_slice %arg7[%dma_wait3A_171] : memref<16384xf32, #tpu.memory_space<vmem>> -> memref<8192xf32, #tpu.memory_space<vmem>>
          tpu.wait_dma2 semaphore(%run_scoped3A : memref<!tpu.dma_semaphore, #tpu.memory_space<semaphore_mem>>) src(%dma_wait3A_172 : memref<8192xf32, #tpu.memory_space<vmem>>) dst(%dma_wait3A_170 : memref<8192xf32, #tpu.memory_space<hbm>>)
          tpu.yield
        }) : () -> ()
      } else {
      }
    }
    %scan3A_5 = arith.constant 98 : i32
    return
  }
}

</mosaic_0001>

<sc_bundles>
// kernel: _run.4.cloned.1.call-start
scs
__scs_entry_jumppad:
0x0: {  	(pc) =	sbr.rel $0x88, $3  }
0x1: {  	(tag) =	ssettag $0x0;
	lr =	simm.s32 $0x1  }
0x2: {  	[smem:$0x3F9D] =	sst lr;
	_ =	strace $0xD0000000  }
0x3: {  	_ = 	snop  }
0x4: {  	_ = 	snop  }
0x5: {  	_ = 	snop  }
0x6: {  	_ = 	snop  }
0x7: {  	_ = 	snop  }
__scs_overlays_trampoline_lowered:
0x8: {  	[smem:$0x3FAC] =	sst s0  }
0x9: {  	[smem:$0x3FAD] =	sst s1  }
0xa: {  	[smem:$0x3FAE] =	sst s2  }
0xb: {  	[smem:$0x3FAF] =	sst s3  }
0xc: {  	[smem:$0x3FB0] =	sst s4  }
0xd: {  	[smem:$0x3FB1] =	sst s5  }
0xe: {  	[smem:$0x3FB2] =	sst s6  }
0xf: {  	[smem:$0x3FB3] =	sst s7  }
0x10: {  	[smem:$0x3FB4] =	sst s8  }
0x11: {  	[smem:$0x3FB5] =	sst s9;
	s0 =	simm.s32 @!p0 $0x0  }
0x12: {  	s1 =	sld [smem:$0x3F9B];
	s0 =	simm.s32 @p0 $0x1  }
0x13: {  	[smem:$0x3FB6] =	sst s0;
	s0 =	simm.s32 @!p1 $0x0  }
0x14: {  	s2 =	sld [smem:$0x3F9A];
	s0 =	simm.s32 @p1 $0x1  }
0x15: {  	[smem:$0x3FB7] =	sst s0;
	s0 =	simm.s32 @!p2 $0x0  }
0x16: {  	s3 =	sld [smem:$0x3FDB];
	s0 =	simm.s32 @p2 $0x1  }
0x17: {  	s4 =	simm.s32 $0x1BF5;
	[smem:$0x3FB9] =	sst s0  }
0x18: {  	s0 =	sld [smem:$0x3F9C];
	_ =	swait.ge [sflag:s4], $0x0  }
0x19: {  	s7 =	sld [smem:$0x3F9D]  }
0x1a: {  	s8 =	sadd.s32 $0xFFFFE003, lr  }
0x1b: {  	s9 =	sadd.s32 $0xFFFFFEF7, lr;
	s5 =	simm.s32 $0xFFFFFFFF;
	p2 =	slt.u32 s8, $0xFFFFF086  }
0x1c: {  	p1 =	slt.u32 s9, $0xF7A;
	s5 =	simm.s32 @!p2 $0x0  }
0x1d: {  	s5 =	simm.s32 @p1 $0x1;
	p0 =	seq.s32 s7, s2  }
0x1e: {  	s7 =	smul.u32 @!p0 $0xF7A, s2;
	p2 =	seq.s32 @!p0 s5, $0x0  }
0x1f: {  	s9 =	smul.u32 $0xF7A, s1;
	s8 =	simm.s32 @!p0 $0x1BF5;
	p2 =	por !p2, p0  }
0x20: {  	[sflag:s8] =	ssyncset.s32 @!p0 $0xFFFFF086;
	s6 =	sadd.s32 @!p0 s3, s7;
	s7 =	simm.s32 @!p0 $0x108  }
0x21: {  	s3 =	sadd.s32 s3, s9;
	s6 =	sadd.s32 @!p0 $0x88, s6;
	s7 =	simm.s32 @p2 $0x1082  }
0x22: {  	[simem:s7], [sflag:s8] =	dma.local @!p0 [hbm:s6], $0xF7A  }
0x23: {  	s9 =	sor.u32 $0xD0000000, s2;
	s6 =	simm.s32 $0x108;
	_ =	swait.ge @!p0 [sflag:s8], $0x0  }
0x24: {  	s3 =	sadd.s32 $0x88, s3;
	s6 =	simm.s32 @!p1 $0x1082;
	[sflag:s4] =	ssyncset.s32 $0xFFFFF086  }
0x25: {  	[simem:s6], [sflag:s4] =	dma.local [hbm:s3], $0xF7A  }
0x26: {  	[smem:$0x3F9D] =	sst s1;
	(tag) =	ssettag s2;
	_ =	strace s9  }
0x27: {  	s1 =	sld [smem:$0x3FAD]  }
0x28: {  	s2 =	sld [smem:$0x3FAE]  }
0x29: {  	s4 =	sld [smem:$0x3FB0]  }
0x2a: {  	p0 =	seq.s32 s5, $0x0;
	s5 =	sld [smem:$0x3FB1]  }
0x2b: {  	s6 =	sld [smem:$0x3FB2]  }
0x2c: {  	s7 =	sld [smem:$0x3FB3]  }
0x2d: {  	s3 =	simm.s32 $0x108;
	s8 =	sld [smem:$0x3FB4]  }
0x2e: {  	s3 =	simm.s32 @!p0 $0x1082;
	s9 =	sld [smem:$0x3FB5]  }
0x2f: {  	lr =	sadd.s32 s0, s3;
	s0 =	sld [smem:$0x3FAC]  }
0x30: {  	s3 =	sld [smem:$0x3FAF]  }
0x31: {  	[smem:$0x3FB8] =	sst s10  }
0x32: {  	s10 =	sld [smem:$0x3FB6];
	_ =	sdelay $0x3  }
0x33: {  	p0 =	seq.s32 s10, $0x1;
	s10 =	sld [smem:$0x3FB8];
	_ =	sdelay $0x3  }
0x34: {  	[smem:$0x3FB8] =	sst s10  }
0x35: {  	s10 =	sld [smem:$0x3FB7];
	_ =	sdelay $0x3  }
0x36: {  	p1 =	seq.s32 s10, $0x1;
	s10 =	sld [smem:$0x3FB8];
	_ =	sdelay $0x3  }
0x37: {  	[smem:$0x3FB8] =	sst s10  }
0x38: {  	s10 =	sld [smem:$0x3FB9]  }
0x39: {  	_ = 	snop;
	(pc) =	sbr.ind lr, $3  }
0x3a: {  	_ = 	snop  }
0x3b: {  	_ = 	snop  }
0x3c: {  	p2 =	seq.s32 s10, $0x1;
	s10 =	sld [smem:$0x3FB8]  }
0x3d: {  	_ =	shalt  }
0x3e: {  	_ =	shalt  }
0x3f: {  	_ =	shalt  }
0x40: {  	_ =	shalt  }
0x41: {  	_ =	shalt  }
0x42: {  	_ =	shalt  }
0x43: {  	_ =	shalt  }
0x44: {  	_ =	shalt  }
0x45: {  	_ =	shalt  }
0x46: {  	_ =	shalt  }
0x47: {  	_ =	shalt  }
0x48: {  	_ =	shalt  }
0x49: {  	_ =	shalt  }
0x4a: {  	_ =	shalt  }
0x4b: {  	_ =	shalt  }
0x4c: {  	_ =	shalt  }
0x4d: {  	_ =	shalt  }
0x4e: {  	_ =	shalt  }
0x4f: {  	_ =	shalt  }
0x50: {  	_ =	shalt  }
0x51: {  	_ =	shalt  }
0x52: {  	_ =	shalt  }
0x53: {  	_ =	shalt  }
0x54: {  	_ =	shalt  }
0x55: {  	_ =	shalt  }
0x56: {  	_ =	shalt  }
0x57: {  	_ =	shalt  }
0x58: {  	_ =	shalt  }
0x59: {  	_ =	shalt  }
0x5a: {  	_ =	shalt  }
0x5b: {  	_ =	shalt  }
0x5c: {  	_ =	shalt  }
0x5d: {  	_ =	shalt  }
0x5e: {  	_ =	shalt  }
0x5f: {  	_ =	shalt  }
0x60: {  	_ =	shalt  }
0x61: {  	_ =	shalt  }
0x62: {  	_ =	shalt  }
0x63: {  	_ =	shalt  }
0x64: {  	_ =	shalt  }
0x65: {  	_ =	shalt  }
0x66: {  	_ =	shalt  }
0x67: {  	_ =	shalt  }
0x68: {  	_ =	shalt  }
0x69: {  	_ =	shalt  }
0x6a: {  	_ =	shalt  }
0x6b: {  	_ =	shalt  }
0x6c: {  	_ =	shalt  }
0x6d: {  	_ =	shalt  }
0x6e: {  	_ =	shalt  }
0x6f: {  	_ =	shalt  }
0x70: {  	_ =	shalt  }
0x71: {  	_ =	shalt  }
0x72: {  	_ =	shalt  }
0x73: {  	_ =	shalt  }
0x74: {  	_ =	shalt  }
0x75: {  	_ =	shalt  }
0x76: {  	_ =	shalt  }
0x77: {  	_ =	shalt  }
0x78: {  	_ =	shalt  }
0x79: {  	_ =	shalt  }
0x7a: {  	_ =	shalt  }
0x7b: {  	_ =	shalt  }
0x7c: {  	_ =	shalt  }
0x7d: {  	_ =	shalt  }
0x7e: {  	_ =	shalt  }
0x7f: {  	_ =	shalt  }
0x80: {  	_ =	shalt  }
0x81: {  	_ =	shalt  }
0x82: {  	_ =	shalt  }
0x83: {  	_ =	shalt  }
0x84: {  	_ =	shalt  }
0x85: {  	_ =	shalt  }
0x86: {  	_ =	shalt  }
0x87: {  	_ =	shalt  }
.Lfunc_end0:
.L_simem_size_0:
called_computation_lowered:
.L_overlay_start_0:
0x88: {  	s2 =	sld [smem:$0x3FD9]  }
0x89: {  	s3 =	sld [smem:$0x3FFE];
	_ =	sdelay $0x1  }
0x8a: {  	s1 =	srdreg.scid  }
0x8b: {  	s0 =	sand.u32 $0x1, s1  }
0x8c: {  	s17 =	sshll.u32 s0, $0xA;
	s2 =	sadd.s32 s3, s2  }
0x8d: {  	s2 =	sadd.s32 s2, s17  }
0x8e: {  	[smem:$0x3FC4] =	sst s2  }
0x8f: {  	_ = 	snop  }
0x90: {  	s2 =	sld [smem:$0x3FC9]  }
0x91: {  	s18 =	sld [smem:$0x3FC8]  }
0x92: {  	s4 =	sld [smem:$0x3FC7]  }
0x93: {  	s5 =	sld [smem:$0x3FC6];
	(tm) =	ssettm $0x1  }
0x94: {  	s6 =	sld [smem:$0x3FFB];
	_ =	sdelay $0x3  }
0x95: {  	_ =	strace s6  }
0x96: {  	s6 =	sld [smem:$0x3FFC];
	_ =	sdelay $0x3  }
0x97: {  	_ =	strace s6  }
0x98: {  	s6 =	sld [smem:$0x3FFD];
	_ =	sdelay $0x3  }
0x99: {  	_ =	strace s6  }
0x9a: {  	_ =	strace $0x8FFFFFFF  }
0x9b: {  	s19 =	sld [smem:$0x3FDB];
	_ =	sdelay $0x1  }
0x9c: {  	s7 =	simm.s32 $_scs_section_size  }
0x9d: {  	s8 =	simm.s32 $_size__tile_overlayer_lowered;
	s9 =	simm.s32 $_tile_overlayer_lowered  }
0x9e: {  	s22 =	simm.s32 $0x1BFF;
	s21 =	sshll.u32 s9, $0x1;
	s6 =	sadd.s32 s7, s19  }
0x9f: {  	s10 =	simm.s32 $0x0;
	s20 =	sshll.u32 s8, $0x1;
	s8 =	sadd.s32 s21, s6  }
0xa0: {  	[timem:s10], [sflag:s22] =	dma.local [hbm:s8], s20  }
0xa1: {  	_ =	swait.ge [sflag:s22], s20  }
0xa2: {  	s7 =	ssub.s32 $0x0, s20;
	[sflag:s22] =	ssyncset.done $0x0  }
0xa3: {  	[sflag:s22] =	ssyncadd.s32 s7;
	_ =	sdelay $0x1  }
0xa4: {  	s23 =	simm.s32 $0x1B8B  }
0xa5: {  	_ =	swait.ge [sflag:s23], $0x1  }
0xa6: {  	[sflag:s23] =	ssyncset.done $0x0  }
0xa7: {  	s25 =	simm.s32 $0x1B8E;
	s24 =	sld [smem:$0x3FFE];
	[sflag:s23] =	ssyncadd.s32 $0xFFFFFFFF  }
0xa8: {  	s26 =	simm.s32 $execute0_lowered;
	[smem:$0x3FD2] =	sst s25  }
0xa9: {  	s8 =	sshll.u32 s26, $0x1;
	_ =	strace $0x80000046;
	[dreg:$0x1] =	wrdreg $0xFFFFFFFF  }
0xaa: {  	s28 =	simm.s32 $_size_execute0_lowered;
	s6 =	sadd.s32 s6, s8;
	[dreg:$0x0] =	wrdreg $0x0  }
0xab: {  	s8 =	sshll.u32 s28, $0x1;
	[dreg:$0x2] =	wrdreg s6  }
0xac: {  	[dreg:$0x3] =	wrdreg s8  }
0xad: {  	[dreg:$0x4] =	wrdreg $0xC0  }
0xae: {  	_ =	task [dreg:s10], $0x5FFFF  }
0xaf: {  	[dreg:$0x1] =	wrdreg $0xFFFFFFFF  }
0xb0: {  	[dreg:$0x0] =	wrdreg $0x60  }
0xb1: {  	[dreg:$0x2] =	wrdreg s2  }
0xb2: {  	[dreg:$0x3] =	wrdreg s18  }
0xb3: {  	[dreg:$0x4] =	wrdreg s4  }
0xb4: {  	[dreg:$0x5] =	wrdreg s5  }
0xb5: {  	[dreg:$0x6] =	wrdreg s24  }
0xb6: {  	[dreg:$0x7] =	wrdreg $0x9  }
0xb7: {  	_ =	task.clear_ibuf [dreg:s10], $0x8FFFF;
	_ =	strace $0x90000046  }
0xb8: {  	s29 =	simm.s32 $0x9;
	_ =	strace $0x80000048  }
0xb9: {  	_ =	swait.ge [sflag:s29], $0x1  }
0xba: {  	[sflag:s29] =	ssyncadd.s32 $0xFFFFFFFF  }
0xbb: {  	_ =	strace $0x90000048  }
0xbc: {  	_ =	sfence  }
0xbd: {  	s30 =	sld [smem:$0x0];
	_ =	sdelay $0x2  }
0xbe: {  	s31 =	sshll.u32 s1, $0xD;
	s1 =	sshrl.u32 s1, $0x2  }
0xbf: {  	s3 =	sand.u32 $0x4000, s31;
	s1 =	sadd.s32 s1, s30  }
0xc0: {  	s0 =	sor.u32 s3, s0;
	s1 =	sshll.u32 s1, $0x11  }
0xc1: {  	s0 =	sor.u32 s1, s0  }
0xc2: {  	s0 =	sadd.s32 $0x8F2B, s0  }
0xc3: {  	[sflag:s0] =	ssyncadd.remote.s32 $0x1  }
0xc4: {  	_ =	sfence.sel $0xFFFF  }
0xc5: {  	[dreg:$0x0] =	wrdreg $0xFFFFFFFF;
	(pc) =	sbr.abs _section_cstart, $3  }
0xc6: {  	[dreg:$0x1] =	wrdreg $0xFFFFFFFF  }
0xc7: {  	_ =	task.clear_ibuf [dreg:s10], $0x2FFFF;
	_ =	strace $0x9FFFFFFF  }
0xc8: {  	(tm) =	ssettm $0x7FFFFFFF  }
0xc9: {  	_ =	shalt  }
tec
execute0_lowered:
.L_overlay_start_1:
0x0: {  	(tag) =	ssettag $0x1  }
0x1: {  	v0 =	vimm.s32 $0xFFEDCBA9;
	v1 =	vimm.s32 $0x87654321  }
0x2: {  	v2 =	vimm.s32 $0x0;
	v6 =	vimm.s32 $0xEDCBA987;
	vm0 =	vcmask $0xB08  }
0x3: {  	vm1 =	vcmask $0x300;
	v7 =	vimm.s32 $0x6543210F;
	v8 =	vimm.s32 $0xFEDCBA9  }
0x4: {  	v9 =	vimm.s32 $0xDCBA9876;
	v10 =	vimm.s32 $0x543210FE;
	vm2 =	vcmask $0x700  }
0x5: {  	v11 =	vimm.s32 $0xBA987654;
	v12 =	vimm.s32 $0x3210FEDC;
	vm3 =	vcmask $0xF00  }
0x6: {  	v63 =	vimm.s32 $0x76543210;
	vm4 =	vmmov $0xff;
	v0 =	vunpack.c.l.s4.s8 v0  }
0x7: {  	v1 =	vunpack.c.l.s4.s8 v1;
	v6 =	vunpack.c.l.s4.s8 v6;
	vm0 =	vmor vm1, vm0  }
0x8: {  	vm1 =	vcmask $0x1310;
	v7 =	vunpack.c.l.s4.s8 v7;
	v8 =	vunpack.c.l.s4.s8 v8  }
0x9: {  	v9 =	vunpack.c.l.s4.s8 v9;
	v10 =	vunpack.c.l.s4.s8 v10;
	v11 =	vunpack.c.l.s4.s8 v11  }
0xa: {  	v12 =	vunpack.c.l.s4.s8 v12;
	vm0 =	vmor vm0, vm1;
	vm1 =	vcmask $0x1B18  }
0xb: {  	v3 =	vunpack.c.0.s8.s32 v0;
	v4 =	vunpack.c.0.s8.s32 v1;
	v0 =	vimm.s32 $0xF  }
0xc: {  	v1 =	vlaneseq.u32;
	vm0 =	vmor vm0, vm1;
	vm1 =	vcmask $0x2320  }
0xd: {  	v6 =	vunpack.c.0.s8.s32 v6;
	v7 =	vunpack.c.0.s8.s32 v7;
	v8 =	vunpack.c.0.s8.s32 v8  }
0xe: {  	v11 =	vunpack.c.0.s8.s32 v11;
	v12 =	vunpack.c.0.s8.s32 v12;
	v5 =	vmul.u32 $0xFFFFFFFF, v1  }
0xf: {  	vm0 =	vmor vm0, vm1;
	vm1 =	vcmask $0x2B28;
	v3 =	vcombine.low v4, v3  }
0x10: {  	s0 =	rddreg [dreg:$0x0];
	vm0 =	vmor vm0, vm1;
	vm1 =	vcmask $0x3330;
	v6 =	vcombine.low v7, v6  }
0x11: {  	s1 =	srdreg.scid;
	s2 =	rddreg [dreg:$0x1];
	v7 =	vcombine.low v4, v8;
	v4 =	vunpack.c.0.s8.s32 v9;
	v8 =	vunpack.c.0.s8.s32 v10  }
0x12: {  	s4 =	stileid.u32;
	s5 =	rddreg [dreg:$0x4];
	s7 =	simm.s32 $0x0;
	v9 =	vimm.s32 $0x10FEDCBA;
	v10 =	vimm.s32 $0x98765432;
	vm0 =	vmor vm0, vm1  }
0x13: {  	s19 =	simm.s32 $0x1;
	s21 =	simm.s32 $0x9910;
	s22 =	simm.s32 $0x9920;
	vm1 =	vcmask $0x3B38;
	v9 =	vunpack.c.l.s4.s8 v9;
	v10 =	vunpack.c.l.s4.s8 v10  }
0x14: {  	s23 =	simm.s32 $0x4000;
	s24 =	simm.s32 $0x8000;
	s3 =	sand.u32 $0x1, s1;
	vm0 =	vmor vm0, vm1;
	vm1 =	vcmask $0x1710;
	v8 =	vcombine.low v8, v4  }
0x15: {  	s25 =	simm.s32 $0x8800;
	s30 =	simm.s32 $0x0;
	s1 =	sshll.u32 s3, $0x4;
	v4 =	vimm.s32 $0xFEDCBA98;
	vm1 =	vmor vm2, vm1;
	vm2 =	vcmask $0x2720  }
0x16: {  	[smem:$0x7FF] =	sst s7;
	s3 =	ssub.s32 $0x2, s3;
	s4 =	sor.u32 s4, s1;
	v9 =	vunpack.c.0.s8.s32 v9;
	v10 =	vunpack.c.0.s8.s32 v10;
	v13 =	vunpack.c.l.s4.s8 v4  }
0x17: {  	s8 =	sadd.s32 $0x800, s5;
	s9 =	sshrl.u32 s3, $0x1;
	s1 =	smul.u32 $0x186A0, s4;
	v4 =	vadd.s32 $0x30D3FF, v5;
	v5 =	vand.u32 $0xF, v6;
	v6 =	vand.u32 $0xF, v7  }
0x18: {  	_ =	strace $0x80000047;
	s3 =	ssub.s32 s3, s9;
	p0 =	seq.s32 s4, $0x0;
	vm1 =	vmor vm1, vm2;
	vm2 =	vcmask $0x3730;
	v9 =	vcombine.low v10, v9  }
.Ltmp0:
0x19: {  	s17 =	smax.u32 s3, $0x1;
	s6 =	smax.u32 s1, $0x10;
	v10 =	vcombine.low v12, v11;
	v11 =	vcombine.low v11, v12;
	v12 =	vunpack.c.l.s4.s8 v63;
	(pc) =	sbr.rel .LBB2_1-.Ltmp0, $4  }
0x1a: {  	s9 =	sadd.s32 $0x1869F, s1;
	s26 =	sand.u32 $0x3FF800, s1;
	s29 =	sshrl.u32 s1, $0x3;
	vm1 =	vmor vm1, vm2;
	vm2 =	vcmask $0x2F20;
	v13 =	vunpack.c.0.s8.s32 v13  }
0x1b: {  	s6 =	sadd.s32 $0xFFFFFFF0, s6;
	s12 =	sadd.s32 s0, s26;
	s31 =	sshrl.u32 s26, $0x3;
	v7 =	vand.u32 $0xF, v8;
	vm2 =	vmor vm3, vm2;
	v12 =	vunpack.c.0.s8.s32 v12  }
0x1c: {  	s13 =	sadd.s32 s2, s29;
	s28 =	sshrl.u32 s6, $0x3;
	s15 =	sadd.s32 s2, s31;
	vm3 =	vmmov $0x7fff;
	v8 =	vand.u32 $0xF, v9;
	v13 =	vand.u32 $0xF, v13  }
0x1d: {  	s14 =	sadd.s32 $0x30D400, s12;
	s10 =	sadd.s32 s2, s28;
	s16 =	sadd.s32 $0x100, s15;
	v9 =	vand.u32 $0xF, v10;
	v10 =	vand.u32 $0xF, v11;
	v11 =	vcombine.low v13, v12  }
.LBB2_9:
0x1e: {  	[tilespmem:s5+$0x9890] =	vst v15  }
.LBB2_10:
0x1f: {  	v12 =	vld [tilespmem:$0x9890]  }
0x20: {  	v13 =	vld [tilespmem:$0x98A0]  }
0x21: {  	v14 =	vld [tilespmem:$0x98B0]  }
0x22: {  	v15 =	vld [tilespmem:$0x98C0]  }
0x23: {  	v16 =	vld [tilespmem:$0x98D0]  }
0x24: {  	v61 =	vld [tilespmem:$0x98E0];
	[tilespmem:$0x9810] =	vst v12  }
0x25: {  	v62 =	vld [tilespmem:$0x98F0];
	[tilespmem:$0x9820] =	vst v13  }
0x26: {  	v63 =	vld [tilespmem:$0x9900];
	[tilespmem:$0x9830] =	vst v14  }
0x27: {  	[tilespmem:$0x9840] =	vst v15  }
0x28: {  	[tilespmem:$0x9850] =	vst v16  }
0x29: {  	[tilespmem:$0x9860] =	vst v61  }
0x2a: {  	[tilespmem:$0x9870] =	vst v62  }
0x2b: {  	s3 =	simm.s32 $0x80;
	s4 =	simm.s32 $0x9810;
	s5 =	simm.s32 $0x8810;
	[tilespmem:$0x9880] =	vst v63  }
0x2c: {  	[hbm4b:s8+s3] =	stream.indirect.scatter [tilespmem:s5], [sflag:$0x1], $0x20, s4, s3, $0xb8;
	[tilespmem:$0x9950] =	vst v63  }
0x2d: {  	_ =	swait.ge [sflag:s19], $0x1000  }
0x2e: {  	[sflag:s19] =	ssyncset.done $0x0  }
0x2f: {  	[sflag:s19] =	ssyncadd.s32 $0xFFFFF000  }
0x30: {  	[tilespmem:$0x9890] =	vst v2  }
0x31: {  	[tilespmem:$0x98A0] =	vst v2  }
0x32: {  	[tilespmem:$0x98B0] =	vst v2  }
0x33: {  	[tilespmem:$0x98C0] =	vst v2  }
0x34: {  	[tilespmem:$0x98D0] =	vst v2  }
0x35: {  	[tilespmem:$0x98E0] =	vst v2  }
0x36: {  	[tilespmem:$0x98F0] =	vst v2  }
0x37: {  	[tilespmem:$0x9900] =	vst v2  }
.LBB2_11:
0x38: {  	s30 =	sadd.s32 $0x1, s30  }
0x39: {  	p1 =	sne.s32 s30, s17  }
.Ltmp1:
0x3a: {  	_ = 	snop;
	(pc) =	sbr.rel @!p1 .LBB2_12-.Ltmp1, $1  }
0x3b: {  	_ =	sdelay $0x3  }
.LBB2_1:
0x3c: {  	s3 =	rddreg [dreg:$0x2];
	s4 =	simm.s32 $0x9930  }
0x3d: {  	[tilespmem:s4], [sflag:$0x1] =	stream.linear.gather [hbm4b:s3+s7], $0x10, $0x38;
	[tilespmem:$0x9950] =	vst v63  }
0x3e: {  	_ =	swait.ge [sflag:s19], $0x10  }
0x3f: {  	[sflag:s19] =	ssyncset.done $0x0  }
0x40: {  	[sflag:s19] =	ssyncadd.s32 $0xFFFFFFF0  }
0x41: {  	s28 =	simm.s32 $0x9940;
	s20 =	rddreg [dreg:$0x3]  }
0x42: {  	[tilespmem:s28], [sflag:$0x1] =	stream.linear.gather [hbm4b:s20+s7], $0x10, $0x38;
	[tilespmem:$0x9950] =	vst v63  }
0x43: {  	_ =	swait.ge [sflag:s19], $0x10  }
0x44: {  	[sflag:s19] =	ssyncset.done $0x0  }
0x45: {  	[sflag:s19] =	ssyncadd.s32 $0xFFFFFFF0  }
0x46: {  	v12 =	vld [tilespmem:$0x9930]  }
0x47: {  	v13 =	vld [tilespmem:$0x9940];
	[tilespmem:s21], [sflag:$0x1] =	stream.linear.gather [hbm4b:s10+s7], $0x10, $0x38  }
0x48: {  	_ =	swait.ge [sflag:s19], $0x10  }
0x49: {  	[sflag:s19] =	ssyncset.done $0x0  }
0x4a: {  	[sflag:s19] =	ssyncadd.s32 $0xFFFFFFF0  }
0x4b: {  	[tilespmem:s22], [sflag:$0x1] =	stream.linear.gather [hbm4b:s13+s7], $0x10, $0x38;
	[tilespmem:$0x9950] =	vst v63  }
0x4c: {  	_ =	swait.ge [sflag:s19], $0x10  }
0x4d: {  	[sflag:s19] =	ssyncset.done $0x0  }
0x4e: {  	[sflag:s19] =	ssyncadd.s32 $0xFFFFFFF0  }
0x4f: {  	[tilespmem:$0x9890] =	vst v2  }
0x50: {  	[tilespmem:$0x98A0] =	vst v2  }
0x51: {  	[tilespmem:$0x98B0] =	vst v2  }
0x52: {  	[tilespmem:$0x98C0] =	vst v2  }
0x53: {  	[tilespmem:$0x98D0] =	vst v2  }
0x54: {  	[tilespmem:$0x98E0] =	vst v2  }
0x55: {  	[tilespmem:$0x98F0] =	vst v2  }
0x56: {  	v14 =	vld [tilespmem:$0x9910];
	[tilespmem:$0x9900] =	vst v2  }
0x57: {  	v15 =	vld [tilespmem:$0x9920];
	[tilespmem:s7], [sflag:$0x1] =	stream.linear.gather [hbm4b:s12+s7], $0x4000, $0x38  }
0x58: {  	_ =	swait.ge [sflag:s19], $0x4000  }
0x59: {  	[sflag:s19] =	ssyncset.done $0x0  }
0x5a: {  	[sflag:s19] =	ssyncadd.s32 $0xFFFFC000  }
0x5b: {  	[tilespmem:s23], [sflag:$0x1] =	stream.linear.gather [hbm4b:s14+s7], $0x4000, $0x38;
	[tilespmem:$0x9950] =	vst v63  }
0x5c: {  	_ =	swait.ge [sflag:s19], $0x4000  }
0x5d: {  	[sflag:s19] =	ssyncset.done $0x0  }
0x5e: {  	[sflag:s19] =	ssyncadd.s32 $0xFFFFC000  }
0x5f: {  	[tilespmem:s24], [sflag:$0x1] =	stream.linear.gather [hbm4b:s15+s7], $0x800, $0x38;
	[tilespmem:$0x9950] =	vst v63  }
0x60: {  	v14 =	vperm.xlane v14, v0;
	v15 =	vperm.xlane v15, v2;
	_ =	swait.ge [sflag:s19], $0x800  }
0x61: {  	[sflag:s19] =	ssyncset.done $0x0  }
0x62: {  	vm5 =	vne.s32 v14, v15;
	[sflag:s19] =	ssyncadd.s32 $0xFFFFF800  }
0x63: {  	v14 =	vsel vm5, $0x1, v2;
	[tilespmem:s25], [sflag:$0x1] =	stream.linear.gather [hbm4b:s16+s7], $0x10, $0x38;
	[tilespmem:$0x9950] =	vst v63  }
0x64: {  	v14 =	vor.u32 $0x80000000, v14;
	_ =	swait.ge [sflag:s19], $0x10  }
0x65: {  	(xrf0) =	vmax.scan.msk.u32 $0xffff, v14;
	_ =	sdelay $0x5  }
0x66: {  	v14, _, _ =	vpop (xrf0)  }
0x67: {  	(v2sf) =	vpush v14, $0xF;
	_ =	sdelay $0xe  }
0x68: {  	s31 =	simm.s32 $0x0;
	s29 =	spop (v2sf)  }
0x69: {  	s11 =	smov.u32 s26;
	[sflag:s19] =	ssyncset.done $0x0;
	s6 =	sxor.u32 $0x80000000, s29  }
0x6a: {  	v23 =	vimm.f32 $0.0e+00;
	v28 =	vimm.f32 $0.0e+00;
	s5 =	smov.u32 s1;
	v15 =	vimm.f32 $0.0e+00;
	[sflag:s19] =	ssyncadd.s32 $0xFFFFFFF0;
	s6 =	simm.s32 @p0 $0x1  }
.LBB2_2:
0x6b: {  	s4 =	sadd.s32 $0x800, s11  }
0x6c: {  	s3 =	smov.u32 s11;
	p2 =	slt.s32 s4, $0x30CC00;
	s11 =	smov.u32 s4  }
0x6d: {  	p1 =	slt.s32 s5, s4;
	s11 =	simm.s32 @!p2 $0x30CC00  }
0x6e: {  	s28 =	sand.u32 @!p1 $0x7F, s11  }
0x6f: {  	p2 =	slt.s32 @!p1 s4, $0x1;
	p3 =	sne.s32 @!p1 s28, $0x0  }
0x70: {  	s28 =	sshra.s32 @!p1 s11, $0x1F;
	p2 =	por @!p1 !p2, !p3  }
0x71: {  	s28 =	sshrl.u32 @!p1 s28, $0x19;
	p2 =	por @!p1 !p2, !p2  }
0x72: {  	s29 =	simm.s32 @!p1 $0x1;
	s28 =	sadd.s32 @!p1 s28, s11;
	p2 =	por !p2, p1  }
0x73: {  	s28 =	sshrl.u32 @!p1 s28, $0x7;
	s29 =	simm.s32 @p2 $0x0  }
0x74: {  	s28 =	ssub.s32 @!p1 s28, s29  }
0x75: {  	s28 =	sshll.u32 @!p1 s28, $0xA  }
0x76: {  	s29 =	sshrl.u32 @!p1 s28, $0x3  }
0x77: {  	s18 =	simm.s32 @!p1 $0x1;
	s20 =	simm.s32 @!p1 $0x0;
	s29 =	sadd.s32 @!p1 s0, s29  }
0x78: {  	[tilespmem:s20], [sflag:$0x1] =	stream.linear.gather @!p1 [hbm4b:s29+s20], $0x4000, $0x38;
	[tilespmem:$0x9950] =	vst v63  }
0x79: {  	s28 =	sadd.s32 @!p1 $0x186A000, s28;
	_ =	swait.ge @!p1 [sflag:s18], $0x4000  }
0x7a: {  	p2 =	slt.s32 @!p1 s4, $0x30CBF0;
	s28 =	sshrl.u32 @!p1 s28, $0x3;
	[sflag:s18] =	ssyncset.done @!p1 $0x0  }
0x7b: {  	s28 =	sadd.s32 @!p1 s0, s28;
	s29 =	simm.s32 @!p1 $0x4000;
	[sflag:s18] =	ssyncadd.s32 @!p1 $0xFFFFC000  }
0x7c: {  	[tilespmem:s29], [sflag:$0x1] =	stream.linear.gather @!p1 [hbm4b:s28+s20], $0x4000, $0x38;
	[tilespmem:$0x9950] =	vst v63  }
0x7d: {  	p2 =	por !p2, p1;
	_ =	swait.ge @!p1 [sflag:s18], $0x4000  }
0x7e: {  	s4 =	simm.s32 @p2 $0x30CBF0;
	s28 =	sshrl.u32 @!p1 s11, $0x3;
	[sflag:s18] =	ssyncset.done @!p1 $0x0  }
0x7f: {  	s29 =	simm.s32 @!p1 $0x8000;
	s28 =	sadd.s32 @!p1 s2, s28;
	[sflag:s18] =	ssyncadd.s32 @!p1 $0xFFFFC000  }
0x80: {  	[tilespmem:s29], [sflag:$0x1] =	stream.linear.gather @!p1 [hbm4b:s28+s20], $0x800, $0x38;
	[tilespmem:$0x9950] =	vst v63  }
0x81: {  	s4 =	sadd.s32 @!p1 $0x800, s4;
	_ =	swait.ge @!p1 [sflag:s18], $0x800  }
0x82: {  	s11 =	smov.u32 @p1 s3;
	s3 =	sshrl.u32 @!p1 s4, $0x3;
	[sflag:s18] =	ssyncset.done @!p1 $0x0  }
0x83: {  	s4 =	simm.s32 @!p1 $0x8800;
	s3 =	sadd.s32 @!p1 s2, s3;
	[sflag:s18] =	ssyncadd.s32 @!p1 $0xFFFFF800  }
0x84: {  	[tilespmem:s4], [sflag:$0x1] =	stream.linear.gather @!p1 [hbm4b:s3+s20], $0x10, $0x38;
	[tilespmem:$0x9950] =	vst v63  }
0x85: {  	p2 =	sne.s32 s5, s11;
	s3 =	ssub.s32 s5, s11;
	s4 =	simm.s32 $0x1  }
0x86: {  	s20 =	sshra.s32 s3, $0x1F;
	s4 =	simm.s32 @!p2 $0x0  }
0x87: {  	s29 =	sand.u32 $0x70, s3;
	s4 =	sor.u32 s4, s20  }
0x88: {  	p6 =	sne.s32 s29, $0x0;
	p5 =	sne.s32 s4, $0x1  }
0x89: {  	s29 =	sshrl.u32 s20, $0x19;
	p2 =	por !p6, !p5  }
0x8a: {  	s20 =	simm.s32 $0x1;
	s4 =	sadd.s32 s29, s3;
	p2 =	por !p2, !p2  }
0x8b: {  	s4 =	sshrl.u32 s4, $0x7;
	s20 =	simm.s32 @!p2 $0x0  }
0x8c: {  	_ =	swait.ge @!p1 [sflag:s18], $0x10;
	s4 =	ssub.s32 s4, s20  }
0x8d: {  	[sflag:s18] =	ssyncset.done @!p1 $0x0;
	s4 =	smul.u32 $0xE00, s4  }
0x8e: {  	[sflag:s18] =	ssyncadd.s32 @!p1 $0xFFFFFFF0  }
0x8f: {  	v14 =	vld [tilespmem:s3+$0x8000];
	s4 =	sshra.s32 s4, $0x2  }
0x90: {  	v16 =	vld [tilespmem:s3+$0x8010];
	s3 =	sadd.s32 s4, s3  }
0x91: {  	v17 =	vld [tilespmem:s3+$0x0]  }
0x92: {  	v18 =	vld [tilespmem:s3+$0x80]  }
0x93: {  	v19 =	vld [tilespmem:s3+$0x100]  }
0x94: {  	v20 =	vld [tilespmem:s3+$0x180]  }
0x95: {  	v21 =	vld [tilespmem:s3+$0x200]  }
0x96: {  	v25 =	vperm.xlane v14, v3;
	v16 =	vperm.xlane v16, v2;
	v24 =	vld [tilespmem:s3+$0x300]  }
0x97: {  	v27 =	vld [tilespmem:s3+$0x4000]  }
0x98: {  	v16 =	vsel vm3, v25, v16;
	v25 =	vld [tilespmem:s3+$0x4080]  }
0x99: {  	v29 =	vmov s5;
	vm5 =	vne.s32 v14, v16;
	v16 =	vld [tilespmem:s3+$0x4100]  }
0x9a: {  	vm6 =	veq.s32 v29, v4;
	v29 =	vld [tilespmem:s3+$0x4200]  }
0x9b: {  	v56 =	vld [tilespmem:s3+$0x4300]  }
0x9c: {  	v58 =	vld [tilespmem:s3+$0x4380];
	v31 =	vperm.xlane v18, v5;
	v32 =	vperm.xlane v17, v6  }
0x9d: {  	v22 =	vld [tilespmem:s3+$0x280];
	v33 =	vperm.xlane v20, v5;
	v34 =	vperm.xlane v19, v6  }
0x9e: {  	v57 =	vperm.xlane v21, v6;
	v36 =	vperm.xlane v24, v6  }
0x9f: {  	v59 =	vperm.xlane v25, v5;
	v37 =	vperm.xlane v27, v6  }
0xa0: {  	v60 =	vperm.xlane v16, v6;
	v61 =	vperm.xlane v29, v6  }
0xa1: {  	v62 =	vperm.xlane v58, v5;
	v63 =	vperm.xlane v56, v6  }
0xa2: {  	v17 =	vsel vm0, v17, v31;
	v18 =	vsel vm0, v32, v18;
	v31 =	vperm.xlane v22, v5  }
0xa3: {  	v26 =	vld [tilespmem:s3+$0x380];
	v19 =	vsel vm0, v19, v33;
	v20 =	vsel vm0, v34, v20;
	v22 =	vsel vm0, v57, v22  }
0xa4: {  	v27 =	vsel vm0, v27, v59;
	v40 =	vperm.xlane v19, v7;
	v42 =	vperm.xlane v17, v8  }
0xa5: {  	v25 =	vsel vm0, v37, v25;
	v43 =	vperm.xlane v20, v7;
	v44 =	vperm.xlane v18, v8  }
0xa6: {  	v32 =	vsel vm0, v56, v62;
	v48 =	vperm.xlane v22, v8;
	v50 =	vperm.xlane v27, v8  }
0xa7: {  	v30 =	vld [tilespmem:s3+$0x4180];
	v41 =	vsel vm0, v63, v58;
	v52 =	vperm.xlane v25, v8;
	v53 =	vperm.xlane v32, v7  }
0xa8: {  	v55 =	vperm.xlane v41, v7;
	v21 =	vsel vm0, v21, v31;
	v31 =	vperm.xlane v26, v5  }
0xa9: {  	v26 =	vsel vm0, v36, v26;
	v17 =	vsel vm1, v17, v40;
	v19 =	vsel vm1, v42, v19  }
0xaa: {  	v35 =	vld [tilespmem:s3+$0x4280];
	v46 =	vperm.xlane v21, v8;
	v18 =	vsel vm1, v18, v43;
	v20 =	vsel vm1, v44, v20  }
0xab: {  	v47 =	vperm.xlane v26, v7;
	v26 =	vsel vm1, v48, v26;
	v24 =	vsel vm0, v24, v31  }
0xac: {  	v31 =	vperm.xlane v30, v5;
	v30 =	vsel vm0, v60, v30;
	v58 =	vperm.xlane v17, v10  }
0xad: {  	v62 =	vperm.xlane v19, v10;
	v45 =	vperm.xlane v24, v7;
	v24 =	vsel vm1, v46, v24  }
0xae: {  	v22 =	vsel vm1, v22, v47;
	v51 =	vperm.xlane v30, v7;
	v30 =	vsel vm1, v52, v30  }
0xaf: {  	v16 =	vsel vm0, v16, v31;
	v31 =	vperm.xlane v35, v5;
	v59 =	vperm.xlane v22, v9  }
0xb0: {  	v36 =	vsel vm2, v62, v24;
	v21 =	vsel vm1, v21, v45;
	v49 =	vperm.xlane v16, v7  }
0xb1: {  	v16 =	vsel vm1, v50, v16;
	v25 =	vsel vm1, v25, v51;
	v44 =	vperm.xlane v36, v11  }
0xb2: {  	v29 =	vsel vm0, v29, v31;
	v31 =	vsel vm0, v61, v35;
	v57 =	vperm.xlane v21, v9  }
0xb3: {  	v60 =	vsel vm2, v58, v21;
	v21 =	vperm.xlane v18, v10;
	v18 =	vsel vm2, v18, v59  }
0xb4: {  	v61 =	vperm.xlane v24, v9;
	v27 =	vsel vm1, v27, v49;
	v54 =	vperm.xlane v29, v8  }
0xb5: {  	v29 =	vsel vm1, v29, v53;
	v56 =	vperm.xlane v31, v8;
	v31 =	vsel vm1, v31, v55  }
0xb6: {  	v17 =	vsel vm2, v17, v57;
	v63 =	vsel vm2, v21, v22;
	v21 =	vperm.xlane v26, v9  }
0xb7: {  	v22 =	vperm.xlane v20, v10;
	v35 =	vsel vm2, v19, v61;
	v19 =	vperm.xlane v29, v9  }
0xb8: {  	v32 =	vsel vm1, v54, v32;
	v33 =	vsel vm1, v56, v41;
	v41 =	vperm.xlane v60, v11  }
0xb9: {  	v43 =	vperm.xlane v63, v11;
	v24 =	vsel vm2, v20, v21;
	v20 =	vperm.xlane v27, v10  }
0xba: {  	v38 =	vsel vm2, v22, v26;
	v21 =	vperm.xlane v31, v9;
	v22 =	vperm.xlane v25, v10  }
0xbb: {  	v19 =	vsel vm2, v27, v19;
	v26 =	vperm.xlane v16, v10;
	v46 =	vperm.xlane v38, v11  }
0xbc: {  	v39 =	vsel vm2, v20, v29;
	v20 =	vperm.xlane v32, v9;
	v21 =	vsel vm2, v25, v21  }
0xbd: {  	v40 =	vsel vm2, v22, v31;
	v22 =	vperm.xlane v33, v9;
	v42 =	vsel vm2, v26, v32  }
0xbe: {  	v29 =	vperm.xlane v18, v11;
	v27 =	vperm.xlane v21, v11;
	v25 =	vsel vm2, v16, v20  }
0xbf: {  	v16 =	vperm.xlane v30, v10;
	v26 =	vsel vm2, v30, v22;
	v20 =	vperm.xlane v19, v11  }
0xc0: {  	v22 =	vperm.xlane v17, v11;
	v30 =	vperm.xlane v42, v11;
	v42 =	vsel vm4, v44, v42  }
0xc1: {  	v18 =	vsel vm4, v18, v27;
	v27 =	vperm.xlane v24, v11;
	v48 =	vmul.f32 v42, v42  }
0xc2: {  	v45 =	vsel vm2, v16, v33;
	v16 =	vsel vm4, v17, v20;
	v17 =	vsel vm4, v22, v19  }
0xc3: {  	v20 =	vperm.xlane v25, v11;
	v19 =	vsel vm4, v29, v21;
	v21 =	vperm.xlane v35, v11  }
0xc4: {  	v22 =	vperm.xlane v26, v11;
	v29 =	vperm.xlane v40, v11  }
0xc5: {  	v30 =	vsel vm4, v36, v30;
	v36 =	vsel vm4, v41, v39;
	v33 =	vperm.xlane v45, v11  }
0xc6: {  	v37 =	vmul.f32 v30, v30;
	v41 =	vmul.f32 v19, v19;
	v45 =	vsel vm4, v46, v45  }
0xc7: {  	v46 =	vmul.f32 v36, v36;
	v20 =	vsel vm4, v35, v20;
	v21 =	vsel vm4, v21, v25  }
0xc8: {  	v25 =	vperm.xlane v39, v11;
	v22 =	vsel vm4, v24, v22;
	v24 =	vsel vm4, v27, v26  }
0xc9: {  	v26 =	vsel vm4, v63, v29;
	v27 =	vmul.f32 v16, v16;
	v29 =	vmul.f32 v18, v18  }
0xca: {  	v39 =	vsel vm4, v43, v40;
	v40 =	vmul.f32 v17, v17;
	v49 =	vmul.f32 v45, v45  }
0xcb: {  	v31 =	vmul.f32 v20, v20;
	v32 =	vmul.f32 v22, v22  }
0xcc: {  	v33 =	vsel vm4, v38, v33;
	v35 =	vmul.f32 v26, v26;
	v43 =	vmul.f32 v21, v21  }
0xcd: {  	v44 =	vmul.f32 v24, v24;
	v47 =	vmul.f32 v39, v39;
	v25 =	vsel vm4, v60, v25  }
0xce: {  	s4 =	simm.s32 $0x0;
	vm5 =	vmor vm6, vm5;
	v38 =	vmul.f32 v33, v33;
	v34 =	vmul.f32 v25, v25  }
.LBB2_3:
0xcf: {  	v50 =	vmov s4;
	v51 =	vadd.s32 $0x1, v1  }
0xd0: {  	vm6 =	vlt.s32 v50, v51  }
0xd1: {  	vm6 =	vmand vm5, vm6  }
0xd2: {  	v60 =	vmctz.xlane vm6;
	_ =	sdelay $0x1  }
0xd3: {  	v50 =	vxor.u32 $0x80000000, v60  }
0xd4: {  	(xrf0) =	vmax.scan.msk.u32 $0xffff, v50;
	_ =	sdelay $0x5  }
0xd5: {  	v50, _, _ =	vpop (xrf0)  }
0xd6: {  	(v2sf) =	vpush v50, $0xF;
	_ =	sdelay $0xe  }
0xd7: {  	s29 =	spop (v2sf)  }
0xd8: {  	p1 =	slt.s32 s4, $0x1;
	p2 =	slt.s32 s29, $0xFFFFFFFF  }
0xd9: {  	s3 =	sadd.s32 $0x80000001, s29;
	p1 =	por !p1, !p2  }
0xda: {  	p5 =	slt.s32 s4, $0x2;
	p3 =	sgt.s32 s3, $0x1;
	p1 =	por !p1, !p1  }
0xdb: {  	p2 =	por !p5, !p3;
	v61 =	vpsel !p1, $0x0, v16  }
0xdc: {  	p6 =	slt.s32 s4, $0x3;
	p4 =	sgt.s32 s3, $0x2;
	p2 =	por !p2, !p2;
	v28 =	vadd.f32 v61, v28  }
0xdd: {  	p4 =	por !p6, !p4;
	v62 =	vpsel !p1, $0x0, v27;
	v63 =	vpsel !p2, $0x0, v18  }
0xde: {  	p5 =	slt.s32 s4, $0x4;
	p6 =	sgt.s32 s3, $0x3;
	p1 =	por !p4, !p4;
	v23 =	vadd.f32 v62, v23;
	v28 =	vadd.f32 v63, v28  }
0xdf: {  	p4 =	por !p5, !p6;
	v54 =	vpsel !p2, $0x0, v29;
	v55 =	vpsel !p1, $0x0, v20  }
0xe0: {  	p5 =	slt.s32 s4, $0x5;
	p6 =	sgt.s32 s3, $0x4;
	p2 =	por !p4, !p4;
	v23 =	vadd.f32 v54, v23;
	v28 =	vadd.f32 v28, v55  }
0xe1: {  	v56 =	vpsel !p1, $0x0, v31;
	p4 =	por !p5, !p6;
	v57 =	vpsel !p2, $0x0, v22  }
0xe2: {  	p5 =	slt.s32 s4, $0x6;
	p6 =	sgt.s32 s3, $0x5;
	p1 =	por !p4, !p4;
	v23 =	vadd.f32 v23, v56;
	v28 =	vadd.f32 v28, v57  }
0xe3: {  	v58 =	vpsel !p2, $0x0, v32;
	p4 =	por !p5, !p6;
	v59 =	vpsel !p1, $0x0, v25  }
0xe4: {  	p5 =	slt.s32 s4, $0x7;
	p6 =	sgt.s32 s3, $0x6;
	p2 =	por !p4, !p4;
	v23 =	vadd.f32 v23, v58;
	v28 =	vadd.f32 v28, v59  }
0xe5: {  	v60 =	vpsel !p1, $0x0, v34;
	p4 =	por !p5, !p6;
	p5 =	slt.s32 s4, $0x8;
	p6 =	sgt.s32 s3, $0x7;
	v61 =	vpsel !p2, $0x0, v26  }
0xe6: {  	s28 =	smov.u32 s4;
	p1 =	por !p4, !p4;
	p3 =	por !p5, !p6;
	v23 =	vadd.f32 v23, v60;
	v28 =	vadd.f32 v28, v61  }
0xe7: {  	v62 =	vpsel !p2, $0x0, v35;
	p4 =	slt.s32 s4, $0x9;
	p6 =	sgt.s32 s3, $0x8;
	p5 =	slt.s32 s3, $0x10;
	v63 =	vpsel !p1, $0x0, v30  }
0xe8: {  	s4 =	smov.u32 s3;
	p2 =	por !p3, !p3;
	p3 =	por !p4, !p6;
	v23 =	vadd.f32 v23, v62;
	v28 =	vadd.f32 v28, v63  }
0xe9: {  	s4 =	simm.s32 @!p5 $0x10;
	v54 =	vpsel !p1, $0x0, v37;
	p4 =	sgt.s32 s3, $0x9;
	p5 =	slt.s32 s28, $0xB;
	v55 =	vpsel !p2, $0x0, v33  }
0xea: {  	p6 =	sgt.s32 s3, $0xA;
	p1 =	por !p3, !p3;
	p3 =	slt.s32 s28, $0xA;
	v23 =	vadd.f32 v23, v54;
	v28 =	vadd.f32 v28, v55  }
0xeb: {  	s29 =	sxor.u32 $0x80000000, s29;
	v56 =	vpsel !p2, $0x0, v38;
	p6 =	por !p5, !p6;
	v57 =	vpsel !p1, $0x0, v17;
	p4 =	por !p3, !p4  }
0xec: {  	s18 =	ssub.s32 s4, s28;
	p5 =	sgt.s32 s3, $0xB;
	p4 =	por !p4, !p4;
	v23 =	vadd.f32 v23, v56;
	v28 =	vadd.f32 v28, v57  }
0xed: {  	p2 =	por !p6, !p6;
	v58 =	vpsel !p1, $0x0, v40;
	p3 =	slt.s32 s28, $0xC;
	s18 =	scvt.s32.f32 s18;
	v59 =	vpsel !p4, $0x0, v19  }
0xee: {  	p1 =	slt.s32 s29, $0x10;
	p6 =	seq.s32 s6, $0x1;
	p3 =	por !p3, !p5;
	v23 =	vadd.f32 v23, v58;
	v28 =	vadd.f32 v28, v59  }
0xef: {  	v60 =	vpsel !p4, $0x0, v41;
	p4 =	por !p3, !p3;
	v15 =	vadd.f32 s18, v15;
	p3 =	por !p6, !p1;
	v61 =	vpsel !p2, $0x0, v21  }
0xf0: {  	p5 =	slt.s32 s28, $0xD;
	p6 =	sgt.s32 s3, $0xC;
	p3 =	por !p3, !p3;
	v23 =	vadd.f32 v23, v60;
	v28 =	vadd.f32 v28, v61  }
0xf1: {  	p5 =	por !p5, !p6;
	v62 =	vpsel !p2, $0x0, v43;
	v52 =	vmax.f32 @p3 v15, $1.000000000e+00;
	v63 =	vpsel !p4, $0x0, v24  }
0xf2: {  	p6 =	sgt.s32 s3, $0xD;
	p2 =	por !p5, !p5;
	p5 =	slt.s32 s28, $0xE;
	(erf) = vrcp.f32 @p3 v52;
	v23 =	vadd.f32 v23, v62;
	v28 =	vadd.f32 v28, v63  }
0xf3: {  	p6 =	por !p5, !p6;
	v54 =	vpsel !p4, $0x0, v44;
	v55 =	vpsel !p2, $0x0, v36  }
0xf4: {  	p5 =	slt.s32 s28, $0xF;
	p4 =	por !p6, !p6;
	p6 =	sgt.s32 s3, $0xE;
	v23 =	vadd.f32 v23, v54;
	v28 =	vadd.f32 v28, v55  }
0xf5: {  	p5 =	por !p5, !p6;
	v56 =	vpsel !p2, $0x0, v46;
	v57 =	vpsel !p4, $0x0, v39  }
0xf6: {  	p5 =	por !p5, !p5;
	v23 =	vadd.f32 v23, v56;
	v28 =	vadd.f32 v28, v57  }
0xf7: {  	v58 =	vpsel !p4, $0x0, v47;
	v59 =	vpsel !p5, $0x0, v42  }
0xf8: {  	p2 =	sgt.s32 s3, $0xF;
	v23 =	vadd.f32 v23, v58;
	v28 =	vadd.f32 v28, v59  }
0xf9: {  	v60 =	vpsel !p5, $0x0, v48;
	v61 =	vpsel !p2, $0x0, v45  }
0xfa: {  	v23 =	vadd.f32 v23, v60;
	v28 =	vadd.f32 v28, v61  }
0xfb: {  	v62 =	vpsel !p2, $0x0, v49;
	v51 =	vpop @p3 (erf)  }
0xfc: {  	v23 =	vadd.f32 v23, v62;
	v50 =	vmul.f32 @p3 v28, v51;
	_ =	sdelay $0x1  }
0xfd: {  	v51 =	vmul.f32 @p3 v23, v51;
	v52 =	vmul.f32 @p3 v50, v50;
	_ =	sdelay $0x1  }
0xfe: {  	v51 =	vsub.f32 @p3 v51, v52;
	_ =	sdelay $0x1  }
0xff: {  	v51 =	vmax.f32 @p3 v51, $0.0e+00  }
0x100: {  	v52 =	vshra.s32 @p3 v51, $0x1  }
0x101: {  	v52 =	vadd.s32 @p3 $0x1FBD1DF5, v52  }
0x102: {  	(erf) = vrcp.f32 @p3 v52;
	_ =	sdelay $0x8  }
0x103: {  	v53 =	vpop @p3 (erf)  }
0x104: {  	v53 =	vmul.f32 @p3 v53, v51;
	_ =	sdelay $0x1  }
0x105: {  	v52 =	vadd.f32 @p3 v52, v53;
	_ =	sdelay $0x1  }
0x106: {  	v52 =	vmul.f32 @p3 $5.000000000e-01, v52;
	_ =	sdelay $0x1  }
0x107: {  	(erf) = vrcp.f32 @p3 v52;
	_ =	sdelay $0x8  }
0x108: {  	v53 =	vpop @p3 (erf)  }
0x109: {  	v53 =	vmul.f32 @p3 v53, v51;
	_ =	sdelay $0x1  }
0x10a: {  	v52 =	vadd.f32 @p3 v53, v52;
	_ =	sdelay $0x1  }
0x10b: {  	v52 =	vmul.f32 @p3 $5.000000000e-01, v52;
	_ =	sdelay $0x1  }
0x10c: {  	(erf) = vrcp.f32 @p3 v52;
	_ =	sdelay $0x8  }
0x10d: {  	v53 =	vpop @p3 (erf)  }
0x10e: {  	v51 =	vmul.f32 @p3 v53, v51;
	_ =	sdelay $0x1  }
0x10f: {  	v51 =	vadd.f32 @p3 v51, v52;
	_ =	sdelay $0x1  }
0x110: {  	v51 =	vmul.f32 @p3 $5.000000000e-01, v51;
	_ =	sdelay $0x1  }
0x111: {  	v51 =	vadd.f32 @p3 $9.999999930e-09, v51;
	_ =	sdelay $0x1  }
0x112: {  	s3 =	sshra.s32 @p3 s31, $0x1F;
	(erf) = vrcp.f32 @p3 v51  }
0x113: {  	s3 =	sshrl.u32 @p3 s3, $0x1C  }
0x114: {  	s3 =	sadd.s32 @p3 s3, s31  }
0x115: {  	s18 =	sand.u32 @p3 $0xFFFFFFF0, s3  }
0x116: {  	p4 =	slt.s32 @p3 s31, $0x1;
	p5 =	sne.s32 @p3 s31, s18  }
0x117: {  	p4 =	por @p3 !p4, !p5  }
0x118: {  	p4 =	por @p3 !p4, !p4  }
0x119: {  	s18 =	simm.s32 @p3 $0x1;
	p4 =	por !p4, !p3  }
0x11a: {  	vm6 =	vgt.f32 @p3 v15, $1.500000000e+00;
	s20 =	sshll.u32 @p3 s31, $0x7;
	s3 =	sshrl.u32 @p3 s3, $0x4;
	s18 =	simm.s32 @p4 $0x0  }
0x11b: {  	s20 =	sshra.s32 @p3 s20, $0x2;
	s3 =	ssub.s32 @p3 s3, s18;
	v50 =	vsel @p3 vm6, v50, v12;
	v51 =	vpop @p3 (erf)  }
0x11c: {  	s3 =	sshll.u32 @p3 s3, $0x6;
	[tilespmem:s20+$0x8810] =	vst @p3 v50;
	v51 =	vsel @p3 vm6, v51, v13  }
0x11d: {  	p4 =	slt.s32 s29, $0xF;
	s18 =	smov.u32 s29;
	s3 =	sshra.s32 @p3 s3, $0x2;
	[tilespmem:s20+$0x8820] =	vst @p3 v51  }
0x11e: {  	s18 =	simm.s32 @!p4 $0xF;
	v50 =	vld @p3 [tilespmem:s3+$0x9890]  }
0x11f: {  	v63 =	vmov s18;
	s18 =	sand.u32 @p3 $0xF, s31  }
0x120: {  	v53 =	vlaneseq.u32 @p3;
	v52 =	vmov @p3 s18;
	v51 =	vperm.xlane v14, v63  }
0x121: {  	s18 =	simm.s32 $0x1;
	vm6 =	veq.s32 @p3 v52, v53  }
0x122: {  	s18 =	simm.s32 @!p3 $0x0;
	v51 =	vnsel @p3 vm6, $0x0, v51  }
0x123: {  	s31 =	sadd.s32 s18, s31;
	v50 =	vadd.s32 @p3 v51, v50  }
0x124: {  	[tilespmem:s3+$0x9890] =	vst @p3 v50;
	p3 =	sne.s32 s31, $0x80  }
0x125: {  	v50 =	vld @!p3 [tilespmem:$0x9890]  }
0x126: {  	v51 =	vld @!p3 [tilespmem:$0x98A0]  }
0x127: {  	v52 =	vld @!p3 [tilespmem:$0x98B0]  }
0x128: {  	v53 =	vld @!p3 [tilespmem:$0x98C0]  }
0x129: {  	v54 =	vld @!p3 [tilespmem:$0x98D0]  }
0x12a: {  	[tilespmem:$0x9810] =	vst @!p3 v50;
	v50 =	vld @!p3 [tilespmem:$0x98E0]  }
0x12b: {  	[tilespmem:$0x9820] =	vst @!p3 v51;
	v51 =	vld @!p3 [tilespmem:$0x98F0]  }
0x12c: {  	[tilespmem:$0x9830] =	vst @!p3 v52;
	v52 =	vld @!p3 [tilespmem:$0x9900]  }
0x12d: {  	[tilespmem:$0x9840] =	vst @!p3 v53  }
0x12e: {  	[tilespmem:$0x9850] =	vst @!p3 v54  }
0x12f: {  	[tilespmem:$0x9860] =	vst @!p3 v50  }
0x130: {  	[tilespmem:$0x9870] =	vst @!p3 v51  }
0x131: {  	s3 =	simm.s32 @!p3 $0x80;
	s18 =	simm.s32 @!p3 $0x9810;
	s20 =	simm.s32 @!p3 $0x8810;
	[tilespmem:$0x9880] =	vst @!p3 v52  }
0x132: {  	[hbm4b:s8+s3] =	stream.indirect.scatter @!p3 [tilespmem:s20], [sflag:$0x1], $0x20, s18, s3, $0xb8;
	[tilespmem:$0x9950] =	vst v63  }
0x133: {  	s3 =	simm.s32 @!p3 $0x1  }
0x134: {  	_ =	swait.ge @!p3 [sflag:s3], $0x1000  }
0x135: {  	s29 =	sadd.s32 s5, s29;
	[sflag:s3] =	ssyncset.done @!p3 $0x0  }
0x136: {  	p6 =	sge.s32 s29, s9;
	v50 =	vimm.s32 @!p3 $0x0;
	[sflag:s3] =	ssyncadd.s32 @!p3 $0xFFFFF000  }
0x137: {  	p4 =	por !p1, !p6;
	[tilespmem:$0x9890] =	vst @!p3 v50  }
0x138: {  	p4 =	por !p4, !p4;
	[tilespmem:$0x98A0] =	vst @!p3 v50  }
0x139: {  	p2 =	por p2, p4;
	[tilespmem:$0x98B0] =	vst @!p3 v50  }
.Ltmp2:
0x13a: {  	[tilespmem:$0x98C0] =	vst @!p3 v50;
	(pc) =	sbr.rel @!p2 .LBB2_3-.Ltmp2, $4  }
0x13b: {  	[tilespmem:$0x98D0] =	vst @!p3 v50  }
0x13c: {  	[tilespmem:$0x98E0] =	vst @!p3 v50  }
0x13d: {  	[tilespmem:$0x98F0] =	vst @!p3 v50  }
0x13e: {  	s6 =	simm.s32 @p1 $0x1;
	v15 =	vpsel p1, $0x0, v15;
	v28 =	vpsel p1, $0x0, v28;
	v23 =	vpsel p1, $0x0, v23;
	s31 =	simm.s32 @!p3 $0x0;
	[tilespmem:$0x9900] =	vst @!p3 v50  }
0x13f: {  	p1 =	slt.u32 s5, $0x30D3F0;
	p2 =	por !p4, !p4  }
0x140: {  	p1 =	por !p1, !p2  }
0x141: {  	p1 =	por !p1, !p1  }
.Ltmp3:
0x142: {  	_ = 	snop;
	(pc) =	sbr.rel @p1 .LBB2_2-.Ltmp3, $2  }
0x143: {  	_ =	sdelay $0x2  }
0x144: {  	s5 =	sadd.s32 $0x10, s5  }
0x145: {  	p1 =	slt.s32 s31, $0x1  }
.Ltmp4:
0x146: {  	_ = 	snop;
	(pc) =	sbr.rel @p1 .LBB2_11-.Ltmp4, $1  }
0x147: {  	_ =	sdelay $0x3  }
0x148: {  	p1 =	sgt.u32 s31, $0x7F  }
.Ltmp5:
0x149: {  	_ = 	snop;
	(pc) =	sbr.rel @p1 .LBB2_10-.Ltmp5, $1  }
0x14a: {  	_ =	sdelay $0x3  }
0x14b: {  	s6 =	sadd.s32 $0xFFFFFFFF, s31  }
0x14c: {  	s3 =	sshll.u32 s6, $0x7  }
0x14d: {  	s3 =	sshra.s32 s3, $0x2  }
0x14e: {  	v12 =	vld [tilespmem:s3+$0x8810]  }
0x14f: {  	s28 =	sshll.u32 s6, $0x2;
	v13 =	vld [tilespmem:s3+$0x8820]  }
0x150: {  	s4 =	sshll.u32 s31, $0x7;
	s3 =	sshra.s32 s28, $0x2  }
0x151: {  	s4 =	sshra.s32 s4, $0x2;
	s3 =	sand.u32 $0xFFFFFFF0, s3  }
0x152: {  	s4 =	sadd.s32 $0x8820, s4;
	v14 =	vld [tilespmem:s3+$0x9890];
	s3 =	sshll.u32 s31, $0x2  }
0x153: {  	s5 =	sand.u32 $0x7FFFFFC0, s3;
	[tilespmem:s4+$0xFFFFFFF0] =	vst v12  }
0x154: {  	s5 =	sshrl.u32 s5, $0x2;
	[tilespmem:s4+$0x0] =	vst v13  }
0x155: {  	p1 =	sne.s32 s31, $0x7F;
	v15 =	vld [tilespmem:s5+$0x9890]  }
.Ltmp6:
0x156: {  	s29 =	sand.u32 $0xF, s31;
	v16 =	vmov s6;
	(pc) =	sbr.rel @!p1 .LBB2_9-.Ltmp6, $4  }
0x157: {  	v14 =	vperm.xlane v14, v16;
	v16 =	vmov s29  }
0x158: {  	vm5 =	veq.s32 v16, v1  }
0x159: {  	v16 =	vnsel vm5, $0x0, v14  }
0x15a: {  	s6 =	sadd.s32 $0x1, s31;
	v15 =	vadd.s32 v16, v15  }
.LBB2_8:
0x15b: {  	p1 =	sne.s32 s6, $0x7F;
	[tilespmem:s5+$0x9890] =	vst v15;
	s3 =	sadd.s32 $0x4, s3;
	s4 =	sadd.s32 $0x20, s4  }
0x15c: {  	s11 =	smov.u32 s6;
	s6 =	sadd.s32 $0x1, s6;
	[tilespmem:s4+$0xFFFFFFF0] =	vst v12;
	s5 =	sand.u32 $0x7FFFFFC0, s3  }
0x15d: {  	[tilespmem:s4+$0x0] =	vst v13;
	s5 =	sshrl.u32 s5, $0x2  }
0x15e: {  	v15 =	vld [tilespmem:s5+$0x9890]  }
.Ltmp7:
0x15f: {  	s11 =	sand.u32 $0xF, s11;
	(pc) =	sbr.rel @p1 .LBB2_8-.Ltmp7, $4  }
0x160: {  	v16 =	vmov s11  }
0x161: {  	vm5 =	veq.s32 v16, v1  }
0x162: {  	v16 =	vnsel vm5, $0x0, v14  }
0x163: {  	v15 =	vadd.s32 v16, v15  }
.Ltmp8:
0x164: {  	_ = 	snop;
	(pc) =	sbr.rel .LBB2_9-.Ltmp8, $1  }
0x165: {  	_ =	sdelay $0x3  }
.LBB2_12:
0x166: {  	_ =	sfence.sel $0x180000  }
0x167: {  	[bflag:$0x0] =	sbarrier.arrive $0xFFFF  }
0x168: {  	_ =	strace $0x90000047  }
0x169: {  	s0 =	stileid.u32;
	[bflag:$0x2] =	sbarrier.arrive $0xFFFF  }
0x16a: {  	p0 =	sne.s32 s0, $0x0;
	s0 =	rddreg [dreg:$0x5]  }
0x16b: {  	s0 =	sadd.s32 @!p0 $0x100000, s0  }
0x16c: {  	[sflag:s0] =	ssyncadd.tile.s32 @!p0 $0x1;
	_ =	shalt  }
.Lfunc_end2:
_tile_overlayer_lowered:
.L_overlay_start_2:
0x16d: {  	(tag) =	ssettag $0x2  }
0x16e: {  	s0 =	rddreg [dreg:$0x0];
	s2 =	stileid.u32  }
0x16f: {  	s1 =	rddreg [dreg:$0x1];
	p0 =	sne.s32 s2, $0x0  }
0x170: {  	s3 =	rddreg [dreg:$0x2];
	[bflag:$0x3] =	sbarrier.arrive $0xFFFF;
	s2 =	simm.s32 @!p0 $0x1C01  }
0x171: {  	[timem:s3], [sflag:s2] =	dma.local @!p0 [hbm:s0], s1  }
0x172: {  	s0 =	simm.s32 @!p0 $0x1  }
0x173: {  	_ =	swait.ge @!p0 [sflag:s0], s1  }
0x174: {  	s1 =	ssub.s32 @!p0 $0x0, s1;
	[sflag:s0] =	ssyncset.done @!p0 $0x0  }
0x175: {  	[sflag:s0] =	ssyncadd.s32 @!p0 s1  }
0x176: {  	[bflag:$0x3] =	sbarrier.arrive $0xFFFF  }
0x177: {  	_ =	shalt  }

// kernel: _run.7.cloned.1.call-start
scs
__scs_entry_jumppad:
0x0: {  	(pc) =	sbr.rel $0x88, $3  }
0x1: {  	(tag) =	ssettag $0x0;
	lr =	simm.s32 $0x1  }
0x2: {  	[smem:$0x3F9D] =	sst lr;
	_ =	strace $0xD0000000  }
0x3: {  	_ = 	snop  }
0x4: {  	_ = 	snop  }
0x5: {  	_ = 	snop  }
0x6: {  	_ = 	snop  }
0x7: {  	_ = 	snop  }
__scs_overlays_trampoline_lowered:
0x8: {  	[smem:$0x3FAC] =	sst s0  }
0x9: {  	[smem:$0x3FAD] =	sst s1  }
0xa: {  	[smem:$0x3FAE] =	sst s2  }
0xb: {  	[smem:$0x3FAF] =	sst s3  }
0xc: {  	[smem:$0x3FB0] =	sst s4  }
0xd: {  	[smem:$0x3FB1] =	sst s5  }
0xe: {  	[smem:$0x3FB2] =	sst s6  }
0xf: {  	[smem:$0x3FB3] =	sst s7  }
0x10: {  	[smem:$0x3FB4] =	sst s8  }
0x11: {  	[smem:$0x3FB5] =	sst s9;
	s0 =	simm.s32 @!p0 $0x0  }
0x12: {  	s1 =	sld [smem:$0x3F9B];
	s0 =	simm.s32 @p0 $0x1  }
0x13: {  	[smem:$0x3FB6] =	sst s0;
	s0 =	simm.s32 @!p1 $0x0  }
0x14: {  	s2 =	sld [smem:$0x3F9A];
	s0 =	simm.s32 @p1 $0x1  }
0x15: {  	[smem:$0x3FB7] =	sst s0;
	s0 =	simm.s32 @!p2 $0x0  }
0x16: {  	s3 =	sld [smem:$0x3FDB];
	s0 =	simm.s32 @p2 $0x1  }
0x17: {  	s4 =	simm.s32 $0x1BF5;
	[smem:$0x3FB9] =	sst s0  }
0x18: {  	s0 =	sld [smem:$0x3F9C];
	_ =	swait.ge [sflag:s4], $0x0  }
0x19: {  	s7 =	sld [smem:$0x3F9D]  }
0x1a: {  	s8 =	sadd.s32 $0xFFFFE003, lr  }
0x1b: {  	s9 =	sadd.s32 $0xFFFFFEF7, lr;
	s5 =	simm.s32 $0xFFFFFFFF;
	p2 =	slt.u32 s8, $0xFFFFF086  }
0x1c: {  	p1 =	slt.u32 s9, $0xF7A;
	s5 =	simm.s32 @!p2 $0x0  }
0x1d: {  	s5 =	simm.s32 @p1 $0x1;
	p0 =	seq.s32 s7, s2  }
0x1e: {  	s7 =	smul.u32 @!p0 $0xF7A, s2;
	p2 =	seq.s32 @!p0 s5, $0x0  }
0x1f: {  	s9 =	smul.u32 $0xF7A, s1;
	s8 =	simm.s32 @!p0 $0x1BF5;
	p2 =	por !p2, p0  }
0x20: {  	[sflag:s8] =	ssyncset.s32 @!p0 $0xFFFFF086;
	s6 =	sadd.s32 @!p0 s3, s7;
	s7 =	simm.s32 @!p0 $0x108  }
0x21: {  	s3 =	sadd.s32 s3, s9;
	s6 =	sadd.s32 @!p0 $0x88, s6;
	s7 =	simm.s32 @p2 $0x1082  }
0x22: {  	[simem:s7], [sflag:s8] =	dma.local @!p0 [hbm:s6], $0xF7A  }
0x23: {  	s9 =	sor.u32 $0xD0000000, s2;
	s6 =	simm.s32 $0x108;
	_ =	swait.ge @!p0 [sflag:s8], $0x0  }
0x24: {  	s3 =	sadd.s32 $0x88, s3;
	s6 =	simm.s32 @!p1 $0x1082;
	[sflag:s4] =	ssyncset.s32 $0xFFFFF086  }
0x25: {  	[simem:s6], [sflag:s4] =	dma.local [hbm:s3], $0xF7A  }
0x26: {  	[smem:$0x3F9D] =	sst s1;
	(tag) =	ssettag s2;
	_ =	strace s9  }
0x27: {  	s1 =	sld [smem:$0x3FAD]  }
0x28: {  	s2 =	sld [smem:$0x3FAE]  }
0x29: {  	s4 =	sld [smem:$0x3FB0]  }
0x2a: {  	p0 =	seq.s32 s5, $0x0;
	s5 =	sld [smem:$0x3FB1]  }
0x2b: {  	s6 =	sld [smem:$0x3FB2]  }
0x2c: {  	s7 =	sld [smem:$0x3FB3]  }
0x2d: {  	s3 =	simm.s32 $0x108;
	s8 =	sld [smem:$0x3FB4]  }
0x2e: {  	s3 =	simm.s32 @!p0 $0x1082;
	s9 =	sld [smem:$0x3FB5]  }
0x2f: {  	lr =	sadd.s32 s0, s3;
	s0 =	sld [smem:$0x3FAC]  }
0x30: {  	s3 =	sld [smem:$0x3FAF]  }
0x31: {  	[smem:$0x3FB8] =	sst s10  }
0x32: {  	s10 =	sld [smem:$0x3FB6];
	_ =	sdelay $0x3  }
0x33: {  	p0 =	seq.s32 s10, $0x1;
	s10 =	sld [smem:$0x3FB8];
	_ =	sdelay $0x3  }
0x34: {  	[smem:$0x3FB8] =	sst s10  }
0x35: {  	s10 =	sld [smem:$0x3FB7];
	_ =	sdelay $0x3  }
0x36: {  	p1 =	seq.s32 s10, $0x1;
	s10 =	sld [smem:$0x3FB8];
	_ =	sdelay $0x3  }
0x37: {  	[smem:$0x3FB8] =	sst s10  }
0x38: {  	s10 =	sld [smem:$0x3FB9]  }
0x39: {  	_ = 	snop;
	(pc) =	sbr.ind lr, $3  }
0x3a: {  	_ = 	snop  }
0x3b: {  	_ = 	snop  }
0x3c: {  	p2 =	seq.s32 s10, $0x1;
	s10 =	sld [smem:$0x3FB8]  }
0x3d: {  	_ =	shalt  }
0x3e: {  	_ =	shalt  }
0x3f: {  	_ =	shalt  }
0x40: {  	_ =	shalt  }
0x41: {  	_ =	shalt  }
0x42: {  	_ =	shalt  }
0x43: {  	_ =	shalt  }
0x44: {  	_ =	shalt  }
0x45: {  	_ =	shalt  }
0x46: {  	_ =	shalt  }
0x47: {  	_ =	shalt  }
0x48: {  	_ =	shalt  }
0x49: {  	_ =	shalt  }
0x4a: {  	_ =	shalt  }
0x4b: {  	_ =	shalt  }
0x4c: {  	_ =	shalt  }
0x4d: {  	_ =	shalt  }
0x4e: {  	_ =	shalt  }
0x4f: {  	_ =	shalt  }
0x50: {  	_ =	shalt  }
0x51: {  	_ =	shalt  }
0x52: {  	_ =	shalt  }
0x53: {  	_ =	shalt  }
0x54: {  	_ =	shalt  }
0x55: {  	_ =	shalt  }
0x56: {  	_ =	shalt  }
0x57: {  	_ =	shalt  }
0x58: {  	_ =	shalt  }
0x59: {  	_ =	shalt  }
0x5a: {  	_ =	shalt  }
0x5b: {  	_ =	shalt  }
0x5c: {  	_ =	shalt  }
0x5d: {  	_ =	shalt  }
0x5e: {  	_ =	shalt  }
0x5f: {  	_ =	shalt  }
0x60: {  	_ =	shalt  }
0x61: {  	_ =	shalt  }
0x62: {  	_ =	shalt  }
0x63: {  	_ =	shalt  }
0x64: {  	_ =	shalt  }
0x65: {  	_ =	shalt  }
0x66: {  	_ =	shalt  }
0x67: {  	_ =	shalt  }
0x68: {  	_ =	shalt  }
0x69: {  	_ =	shalt  }
0x6a: {  	_ =	shalt  }
0x6b: {  	_ =	shalt  }
0x6c: {  	_ =	shalt  }
0x6d: {  	_ =	shalt  }
0x6e: {  	_ =	shalt  }
0x6f: {  	_ =	shalt  }
0x70: {  	_ =	shalt  }
0x71: {  	_ =	shalt  }
0x72: {  	_ =	shalt  }
0x73: {  	_ =	shalt  }
0x74: {  	_ =	shalt  }
0x75: {  	_ =	shalt  }
0x76: {  	_ =	shalt  }
0x77: {  	_ =	shalt  }
0x78: {  	_ =	shalt  }
0x79: {  	_ =	shalt  }
0x7a: {  	_ =	shalt  }
0x7b: {  	_ =	shalt  }
0x7c: {  	_ =	shalt  }
0x7d: {  	_ =	shalt  }
0x7e: {  	_ =	shalt  }
0x7f: {  	_ =	shalt  }
0x80: {  	_ =	shalt  }
0x81: {  	_ =	shalt  }
0x82: {  	_ =	shalt  }
0x83: {  	_ =	shalt  }
0x84: {  	_ =	shalt  }
0x85: {  	_ =	shalt  }
0x86: {  	_ =	shalt  }
0x87: {  	_ =	shalt  }
.Lfunc_end0:
.L_simem_size_0:
called_computation.1_lowered:
.L_overlay_start_0:
0x88: {  	s2 =	sld [smem:$0x3FD9]  }
0x89: {  	s3 =	sld [smem:$0x3FFE];
	_ =	sdelay $0x1  }
0x8a: {  	s1 =	srdreg.scid  }
0x8b: {  	s0 =	sand.u32 $0x1, s1  }
0x8c: {  	s17 =	sshll.u32 s0, $0xA;
	s2 =	sadd.s32 s3, s2  }
0x8d: {  	s2 =	sadd.s32 s2, s17  }
0x8e: {  	[smem:$0x3FC4] =	sst s2  }
0x8f: {  	_ = 	snop  }
0x90: {  	s2 =	sld [smem:$0x3FC9]  }
0x91: {  	s18 =	sld [smem:$0x3FC8]  }
0x92: {  	s4 =	sld [smem:$0x3FD0];
	(tm) =	ssettm $0x1  }
0x93: {  	s5 =	sld [smem:$0x3FFB];
	_ =	sdelay $0x3  }
0x94: {  	_ =	strace s5  }
0x95: {  	s5 =	sld [smem:$0x3FFC];
	_ =	sdelay $0x3  }
0x96: {  	_ =	strace s5  }
0x97: {  	s5 =	sld [smem:$0x3FFD];
	_ =	sdelay $0x3  }
0x98: {  	_ =	strace s5  }
0x99: {  	_ =	strace $0x8FFFFFFF  }
0x9a: {  	s19 =	sld [smem:$0x3FDB];
	_ =	sdelay $0x1  }
0x9b: {  	s6 =	simm.s32 $_scs_section_size  }
0x9c: {  	s7 =	simm.s32 $_size__tile_overlayer_lowered;
	s8 =	simm.s32 $_tile_overlayer_lowered  }
0x9d: {  	s22 =	simm.s32 $0x1BFF;
	s21 =	sshll.u32 s8, $0x1;
	s5 =	sadd.s32 s6, s19  }
0x9e: {  	s9 =	simm.s32 $0x0;
	s20 =	sshll.u32 s7, $0x1;
	s7 =	sadd.s32 s21, s5  }
0x9f: {  	[timem:s9], [sflag:s22] =	dma.local [hbm:s7], s20  }
0xa0: {  	_ =	swait.ge [sflag:s22], s20  }
0xa1: {  	s6 =	ssub.s32 $0x0, s20;
	[sflag:s22] =	ssyncset.done $0x0  }
0xa2: {  	[sflag:s22] =	ssyncadd.s32 s6;
	_ =	sdelay $0x1  }
0xa3: {  	s23 =	simm.s32 $0x1B8B  }
0xa4: {  	_ =	swait.ge [sflag:s23], $0x1  }
0xa5: {  	[sflag:s23] =	ssyncset.done $0x0  }
0xa6: {  	s25 =	simm.s32 $0x1B8E;
	s24 =	sld [smem:$0x3FFE];
	[sflag:s23] =	ssyncadd.s32 $0xFFFFFFFF  }
0xa7: {  	s26 =	simm.s32 $execute0_lowered;
	[smem:$0x3FD2] =	sst s25  }
0xa8: {  	s7 =	sshll.u32 s26, $0x1;
	_ =	strace $0x80000049;
	[dreg:$0x1] =	wrdreg $0xFFFFFFFF  }
0xa9: {  	s28 =	simm.s32 $_size_execute0_lowered;
	s5 =	sadd.s32 s5, s7;
	[dreg:$0x0] =	wrdreg $0x0  }
0xaa: {  	s7 =	sshll.u32 s28, $0x1;
	[dreg:$0x2] =	wrdreg s5  }
0xab: {  	[dreg:$0x3] =	wrdreg s7  }
0xac: {  	[dreg:$0x4] =	wrdreg $0xC0  }
0xad: {  	_ =	task [dreg:s9], $0x5FFFF  }
0xae: {  	[dreg:$0x1] =	wrdreg $0xFFFFFFFF  }
0xaf: {  	[dreg:$0x0] =	wrdreg $0x60  }
0xb0: {  	[dreg:$0x2] =	wrdreg s2  }
0xb1: {  	[dreg:$0x3] =	wrdreg s18  }
0xb2: {  	[dreg:$0x4] =	wrdreg s24  }
0xb3: {  	[dreg:$0x5] =	wrdreg s4  }
0xb4: {  	[dreg:$0x6] =	wrdreg $0x9  }
0xb5: {  	_ =	task.clear_ibuf [dreg:s9], $0x7FFFF;
	_ =	strace $0x90000049  }
0xb6: {  	s29 =	simm.s32 $0x9;
	_ =	strace $0x8000004B  }
0xb7: {  	_ =	swait.ge [sflag:s29], $0x1  }
0xb8: {  	[sflag:s29] =	ssyncadd.s32 $0xFFFFFFFF  }
0xb9: {  	_ =	strace $0x9000004B  }
0xba: {  	_ =	sfence  }
0xbb: {  	s30 =	sld [smem:$0x0];
	_ =	sdelay $0x2  }
0xbc: {  	s31 =	sshll.u32 s1, $0xD;
	s1 =	sshrl.u32 s1, $0x2  }
0xbd: {  	s3 =	sand.u32 $0x4000, s31;
	s1 =	sadd.s32 s1, s30  }
0xbe: {  	s0 =	sor.u32 s3, s0;
	s1 =	sshll.u32 s1, $0x11  }
0xbf: {  	s0 =	sor.u32 s1, s0  }
0xc0: {  	s0 =	sadd.s32 $0x8F2B, s0  }
0xc1: {  	[sflag:s0] =	ssyncadd.remote.s32 $0x1  }
0xc2: {  	_ =	sfence.sel $0xFFFF  }
0xc3: {  	[dreg:$0x0] =	wrdreg $0xFFFFFFFF;
	(pc) =	sbr.abs _section_cstart, $3  }
0xc4: {  	[dreg:$0x1] =	wrdreg $0xFFFFFFFF  }
0xc5: {  	_ =	task.clear_ibuf [dreg:s9], $0x2FFFF;
	_ =	strace $0x9FFFFFFF  }
0xc6: {  	(tm) =	ssettm $0x7FFFFFFF  }
0xc7: {  	_ =	shalt  }
tec
execute0_lowered:
.L_overlay_start_1:
0x0: {  	(tag) =	ssettag $0x1  }
0x1: {  	v0 =	vimm.s32 $0xFFEDCBA9  }
0x2: {  	s0 =	rddreg [dreg:$0x2];
	v1 =	vimm.s32 $0x87654321;
	v5 =	vlaneseq.u32;
	v7 =	vimm.s32 $0x0  }
0x3: {  	s1 =	srdreg.scid;
	s3 =	simm.s32 $0x0;
	s5 =	stileid.u32;
	v8 =	vimm.s32 $0x1;
	v0 =	vunpack.c.l.s4.s8 v0;
	v1 =	vunpack.c.l.s4.s8 v1  }
0x4: {  	s9 =	simm.s32 $0x3;
	s11 =	simm.s32 $0x8000;
	v9 =	vimm.s32 $0x2;
	v10 =	vimm.s32 $0x3;
	v13 =	vimm.s32 $0x4;
	s1 =	sand.u32 $0x1, s1  }
.Ltmp0:
0x5: {  	s12 =	simm.s32 $0x80;
	v15 =	vimm.s32 $0x5;
	s2 =	ssub.s32 $0x2, s1;
	v0 =	vunpack.c.0.s8.s32 v0;
	v1 =	vunpack.c.0.s8.s32 v1;
	(pc) =	sbr.rel .LBB2_1-.Ltmp0, $4  }
0x6: {  	v16 =	vimm.s32 $0x6;
	v17 =	vimm.s32 $0x7;
	v18 =	vimm.s32 $0x8;
	s29 =	simm.s32 $0x1;
	s13 =	simm.s32 $0x0;
	s30 =	sshrl.u32 s2, $0x1  }
0x7: {  	v19 =	vimm.s32 $0x9;
	v20 =	vimm.s32 $0xA;
	[smem:$0x7FF] =	sst s3;
	s6 =	sadd.s32 $0x800, s0;
	s31 =	ssub.s32 s2, s30;
	v0 =	vcombine.low v1, v0  }
0x8: {  	v21 =	vimm.s32 $0xB;
	v23 =	vimm.s32 $0xC;
	v4 =	vimm.s32 $0xD;
	_ =	strace $0x8000004A;
	s7 =	sshll.u32 s1, $0x4;
	s0 =	smax.u32 s31, $0x1  }
0x9: {  	v11 =	vimm.s32 $0xE;
	v12 =	vimm.s32 $0xF;
	v6 =	vadd.s32 $0x1, v5;
	s2 =	simm.s32 $0x0;
	[dreg:$0x5] =	wrdreg s0;
	s0 =	simm.s32 $0x2;
	[tilespmem:$0x1FFF0] =	vst v0  }
.LBB2_9:
0xa: {  	s2 =	rddreg [dreg:$0x6]  }
0xb: {  	s1 =	rddreg [dreg:$0x5];
	s2 =	sadd.s32 $0x1, s2  }
0xc: {  	p0 =	sne.s32 s2, s1  }
.Ltmp1:
0xd: {  	_ = 	snop;
	(pc) =	sbr.rel @!p0 .LBB2_10-.Ltmp1, $1  }
0xe: {  	_ =	sdelay $0x3  }
.LBB2_1:
.Ltmp2:
0xf: {  	(pc) =	sbr.rel .LBB2_2-.Ltmp2, $2  }
0x10: {  	_ =	sdelay $0x2  }
0x11: {  	[dreg:$0x6] =	wrdreg s2;
	s2 =	simm.s32 $0x0  }
.LBB2_8:
0x12: {  	s2 =	sadd.s32 $0x1, s2  }
0x13: {  	p0 =	sne.s32 s2, $0x62  }
.Ltmp3:
0x14: {  	_ = 	snop;
	(pc) =	sbr.rel @!p0 .LBB2_9-.Ltmp3, $1  }
0x15: {  	_ =	sdelay $0x3  }
.LBB2_2:
0x16: {  	s1 =	sshll.u32 s2, $0x5  }
0x17: {  	s1 =	sor.u32 s1, s7  }
0x18: {  	s1 =	sor.u32 s5, s1  }
0x19: {  	p0 =	sgt.u32 s1, $0xC34  }
.Ltmp4:
0x1a: {  	_ = 	snop;
	(pc) =	sbr.rel @p0 .LBB2_8-.Ltmp4, $1  }
0x1b: {  	_ =	sdelay $0x3  }
0x1c: {  	s8 =	sshll.u32 s1, $0xA;
	s4 =	rddreg [dreg:$0x0]  }
0x1d: {  	s3 =	sadd.s32 s4, s8  }
0x1e: {  	[tilespmem:s13], [sflag:$0x3] =	stream.linear.gather [hbm4b:s3+s13], $0x2000, $0x38;
	[tilespmem:$0x10400] =	vst v63  }
0x1f: {  	_ =	swait.ge [sflag:s9], $0x2000  }
0x20: {  	s10 =	sadd.s32 $0x30D400, s8;
	[sflag:s9] =	ssyncset.done $0x0  }
0x21: {  	s31 =	simm.s32 $0x2000;
	s30 =	sadd.s32 s4, s10;
	[sflag:s9] =	ssyncadd.s32 $0xFFFFE000  }
0x22: {  	[tilespmem:s31], [sflag:$0x3] =	stream.linear.gather [hbm4b:s30+s13], $0x2000, $0x38;
	[tilespmem:$0x10400] =	vst v63  }
0x23: {  	_ =	swait.ge [sflag:s9], $0x2000  }
0x24: {  	[sflag:s9] =	ssyncset.done $0x0  }
0x25: {  	[sflag:s9] =	ssyncadd.s32 $0xFFFFE000  }
0x26: {  	s4 =	sshll.u32 s1, $0x7;
	s14 =	rddreg [dreg:$0x1]  }
0x27: {  	s1 =	sadd.s32 s14, s4  }
0x28: {  	[tilespmem:s11], [sflag:$0x3] =	stream.linear.gather [hbm4b:s1+s13], $0x400, $0x38;
	[tilespmem:$0x10400] =	vst v63  }
0x29: {  	_ =	swait.ge [sflag:s9], $0x400  }
0x2a: {  	[sflag:s9] =	ssyncset.done $0x0  }
0x2b: {  	s15 =	simm.s32 $0x8400;
	[sflag:s9] =	ssyncadd.s32 $0xFFFFFC00  }
0x2c: {  	[tilespmem:s15], [sflag:$0x1] =	stream.indirect.gather [hbm4b:s6+s12], $0x20, s11, s12, $0xb8;
	[tilespmem:$0x10400] =	vst v63  }
0x2d: {  	s16 =	simm.s32 $0x8080;
	s17 =	simm.s32 $0x9400  }
0x2e: {  	[tilespmem:s17], [sflag:$0x1] =	stream.indirect.gather [hbm4b:s6+s12], $0x20, s16, s12, $0xb8;
	[tilespmem:$0x10400] =	vst v63  }
0x2f: {  	s18 =	simm.s32 $0x8100;
	s19 =	simm.s32 $0xA400  }
0x30: {  	[tilespmem:s19], [sflag:$0x1] =	stream.indirect.gather [hbm4b:s6+s12], $0x20, s18, s12, $0xb8;
	[tilespmem:$0x10400] =	vst v63  }
0x31: {  	s20 =	simm.s32 $0x8180;
	s21 =	simm.s32 $0xB400  }
0x32: {  	[tilespmem:s21], [sflag:$0x1] =	stream.indirect.gather [hbm4b:s6+s12], $0x20, s20, s12, $0xb8;
	[tilespmem:$0x10400] =	vst v63  }
0x33: {  	s22 =	simm.s32 $0x8200;
	s23 =	simm.s32 $0xC400  }
0x34: {  	[tilespmem:s23], [sflag:$0x1] =	stream.indirect.gather [hbm4b:s6+s12], $0x20, s22, s12, $0xb8;
	[tilespmem:$0x10400] =	vst v63  }
0x35: {  	s24 =	simm.s32 $0x8280;
	s25 =	simm.s32 $0xD400  }
0x36: {  	[tilespmem:s25], [sflag:$0x1] =	stream.indirect.gather [hbm4b:s6+s12], $0x20, s24, s12, $0xb8;
	[tilespmem:$0x10400] =	vst v63  }
0x37: {  	s26 =	simm.s32 $0x8300;
	s28 =	simm.s32 $0xE400  }
0x38: {  	[tilespmem:s28], [sflag:$0x1] =	stream.indirect.gather [hbm4b:s6+s12], $0x20, s26, s12, $0xb8;
	[tilespmem:$0x10400] =	vst v63  }
0x39: {  	s30 =	simm.s32 $0x8380;
	s31 =	simm.s32 $0xF400  }
0x3a: {  	[tilespmem:s31], [sflag:$0x1] =	stream.indirect.gather [hbm4b:s6+s12], $0x20, s30, s12, $0xb8;
	[tilespmem:$0x10400] =	vst v63  }
0x3b: {  	_ =	swait.ge [sflag:s29], $0x1000  }
0x3c: {  	[sflag:s29] =	ssyncset.done $0x0  }
0x3d: {  	[sflag:s29] =	ssyncadd.s32 $0xFFFFF000  }
0x3e: {  	_ =	swait.ge [sflag:s29], $0x1000  }
0x3f: {  	[sflag:s29] =	ssyncset.done $0x0  }
0x40: {  	[sflag:s29] =	ssyncadd.s32 $0xFFFFF000  }
0x41: {  	_ =	swait.ge [sflag:s29], $0x1000  }
0x42: {  	[sflag:s29] =	ssyncset.done $0x0  }
0x43: {  	[sflag:s29] =	ssyncadd.s32 $0xFFFFF000  }
0x44: {  	_ =	swait.ge [sflag:s29], $0x1000  }
0x45: {  	[sflag:s29] =	ssyncset.done $0x0  }
0x46: {  	[sflag:s29] =	ssyncadd.s32 $0xFFFFF000  }
0x47: {  	_ =	swait.ge [sflag:s29], $0x1000  }
0x48: {  	[sflag:s29] =	ssyncset.done $0x0  }
0x49: {  	[sflag:s29] =	ssyncadd.s32 $0xFFFFF000  }
0x4a: {  	_ =	swait.ge [sflag:s29], $0x1000  }
0x4b: {  	[sflag:s29] =	ssyncset.done $0x0  }
0x4c: {  	[sflag:s29] =	ssyncadd.s32 $0xFFFFF000  }
0x4d: {  	_ =	swait.ge [sflag:s29], $0x1000  }
0x4e: {  	[sflag:s29] =	ssyncset.done $0x0  }
0x4f: {  	[sflag:s29] =	ssyncadd.s32 $0xFFFFF000  }
0x50: {  	_ =	swait.ge [sflag:s29], $0x1000  }
0x51: {  	[sflag:s29] =	ssyncset.done $0x0  }
0x52: {  	s14 =	simm.s32 $0x0;
	[sflag:s29] =	ssyncadd.s32 $0xFFFFF000  }
.LBB2_4:
0x53: {  	s15 =	sshll.u32 s14, $0x4;
	v1 =	vld [tilespmem:$0x1FFF0]  }
0x54: {  	v0 =	vld [tilespmem:s15+$0x8000];
	_ =	sdelay $0x1  }
0x55: {  	s1 =	sadd.s32 $0x0, s15  }
0x56: {  	s1 =	sshll.u32 s1, $0x7  }
0x57: {  	s1 =	sshra.s32 s1, $0x2  }
0x58: {  	v2 =	vld [tilespmem:s1+$0x8400];
	v1 =	vperm.xlane v0, v1  }
0x59: {  	v3 =	vmov s13  }
0x5a: {  	vm1 =	vlt.s32 v3, v6;
	vm0 =	vne.s32 v0, v1  }
0x5b: {  	vm2 =	vmand vm0, vm1  }
0x5c: {  	v0 =	vmctz.xlane vm2  }
0x5d: {  	v1 =	vperm.xlane v2, v7;
	v3 =	vperm.xlane v2, v8  }
0x5e: {  	s3 =	sshll.u32 s14, $0x7;
	v27 =	vperm.xlane v2, v9;
	v30 =	vperm.xlane v2, v13;
	v0 =	vxor.u32 $0x80000000, v0  }
0x5f: {  	s4 =	sand.u32 $0x70, s15;
	s16 =	sand.u32 $0x1C00, s3;
	v35 =	vld [tilespmem:s1+$0x8410];
	v31 =	vperm.xlane v2, v15;
	v32 =	vperm.xlane v2, v16;
	(xrf0) =	vmax.scan.msk.u32 $0xffff, v0  }
0x60: {  	s16 =	sor.u32 s4, s16;
	v33 =	vperm.xlane v2, v17;
	v34 =	vperm.xlane v2, v18  }
0x61: {  	v14 =	vld [tilespmem:s16+$0x0];
	v51 =	vperm.xlane v2, v19;
	v58 =	vperm.xlane v2, v20  }
0x62: {  	v24 =	vld [tilespmem:s16+$0x80];
	v61 =	vperm.xlane v2, v21;
	v62 =	vperm.xlane v2, v23  }
0x63: {  	v25 =	vld [tilespmem:s16+$0x100];
	v63 =	vperm.xlane v2, v4;
	v43 =	vperm.xlane v2, v11  }
0x64: {  	v26 =	vld [tilespmem:s16+$0x180];
	v44 =	vperm.xlane v35, v8;
	v45 =	vperm.xlane v35, v9  }
0x65: {  	v36 =	vld [tilespmem:s16+$0x200];
	v46 =	vperm.xlane v35, v10;
	v47 =	vperm.xlane v35, v13;
	v28, _, _ =	vpop (xrf0)  }
0x66: {  	s3 =	sor.u32 s15, s3;
	v49 =	vperm.xlane v35, v15;
	v54 =	vsub.f32 v14, v1;
	v1 =	vld [tilespmem:s16+$0x280];
	(v2sf) =	vpush v28, $0xF  }
0x67: {  	s17 =	sor.u32 $0x380, s3;
	[tilespmem:$0x1FF60] =	vst v14;
	v50 =	vperm.xlane v35, v16;
	v53 =	vperm.xlane v35, v17;
	v14 =	vld [tilespmem:s16+$0x300]  }
0x68: {  	[tilespmem:$0x1FF70] =	vst v24;
	v55 =	vperm.xlane v35, v18;
	v57 =	vperm.xlane v35, v19;
	v3 =	vsub.f32 v24, v3;
	v24 =	vld [tilespmem:s17+$0x0]  }
0x69: {  	[tilespmem:$0x1FF80] =	vst v25;
	v60 =	vperm.xlane v35, v20;
	v39 =	vperm.xlane v35, v21;
	v42 =	vsub.f32 v25, v27;
	v25 =	vld [tilespmem:s16+$0x2000]  }
0x6a: {  	v40 =	vperm.xlane v35, v23;
	v37 =	vperm.xlane v35, v4;
	v27 =	vld [tilespmem:s16+$0x2100]  }
0x6b: {  	v22 =	vimm.f32 $0.0e+00;
	v41 =	vperm.xlane v35, v11;
	v0 =	vperm.xlane v2, v10  }
0x6c: {  	[tilespmem:$0x1FF90] =	vst v26;
	vm1 =	vmmov vm1;
	v48 =	vsub.f32 v36, v30;
	v2 =	vperm.xlane v2, v12  }
0x6d: {  	[tilespmem:$0x1FFA0] =	vst v36;
	v12 =	vld [tilespmem:s16+$0x2180];
	v3 =	vmul.f32 v44, v3;
	v0 =	vsub.f32 v26, v0;
	v52 =	vsub.f32 v1, v31  }
0x6e: {  	v44 =	vimm.f32 $0.0e+00;
	[tilespmem:$0x1FFE0] =	vst v2;
	v26 =	vld [tilespmem:s16+$0x2080];
	v56 =	vsub.f32 v14, v32;
	v59 =	vsub.f32 v24, v33  }
0x6f: {  	v2 =	vperm.xlane v35, v7;
	[tilespmem:$0x1FFC0] =	vst v14;
	v14 =	vld [tilespmem:s16+$0x2200];
	v38 =	vsub.f32 v25, v34;
	v36 =	vsub.f32 v27, v58  }
0x70: {  	v33 =	vld [tilespmem:s16+$0x2280];
	v29 =	vmovc v25;
	v58 =	vmul.f32 v45, v42;
	v45 =	vimm.f32 $0.0e+00;
	v25 =	vimm.s32 $0xD  }
0x71: {  	v34 =	vld [tilespmem:s16+$0x2300];
	v54 =	vmul.f32 v2, v54;
	v0 =	vmul.f32 v46, v0;
	v46 =	vimm.f32 $0.0e+00  }
0x72: {  	v42 =	vsub.f32 v12, v61;
	v61 =	vmul.f32 v47, v48;
	v2 =	vmul.f32 v49, v52  }
0x73: {  	[tilespmem:$0x1FFB0] =	vst v1;
	v47 =	vimm.f32 $0.0e+00;
	v28 =	vimm.s32 $0xF;
	v1 =	vsub.f32 v26, v51  }
0x74: {  	v31 =	vmovc v26;
	v26 =	vimm.s32 $0xE;
	v51 =	vperm.xlane v35, v28;
	v48 =	vsub.f32 v14, v62  }
0x75: {  	v62 =	vmul.f32 v50, v56;
	v49 =	vsub.f32 v33, v63;
	v63 =	vmul.f32 v53, v59;
	s4 =	spop (v2sf)  }
0x76: {  	s18 =	sor.u32 $0x2380, s3;
	v4 =	vld [tilespmem:$0x1FFE0];
	v59 =	vmul.f32 v55, v38;
	v50 =	vsub.f32 v34, v43;
	v55 =	vmul.f32 v60, v36;
	s4 =	sadd.s32 $0x80000001, s4  }
0x77: {  	v35 =	vld [tilespmem:s18+$0x0];
	v60 =	vmul.f32 v39, v42;
	v42 =	vimm.f32 $0.0e+00;
	v43 =	vimm.f32 $0.0e+00;
	p0 =	slt.s32 s4, $0x10  }
.Ltmp5:
0x78: {  	s22 =	sor.u32 $0x80, s16;
	s20 =	sor.u32 $0x100, s16;
	v38 =	vimm.f32 $0.0e+00;
	v39 =	vimm.f32 $0.0e+00;
	v1 =	vmul.f32 v57, v1;
	(pc) =	sbr.rel @!p0 .LBB2_6-.Ltmp5, $4  }
0x79: {  	s25 =	sor.u32 $0x180, s16;
	s23 =	sor.u32 $0x200, s16;
	s21 =	sor.u32 $0x280, s16;
	v36 =	vimm.f32 $0.0e+00;
	v56 =	vmul.f32 v40, v48;
	v57 =	vmul.f32 v37, v49  }
0x7a: {  	s26 =	sor.u32 $0x300, s16;
	s19 =	sor.u32 $0x2000, s16;
	s28 =	sor.u32 $0x2080, s16;
	v53 =	vmul.f32 v41, v50;
	v37 =	vimm.f32 $0.0e+00;
	v48 =	vimm.f32 $0.0e+00  }
0x7b: {  	s24 =	sor.u32 $0x2100, s16;
	s30 =	sor.u32 $0x2200, s16;
	s3 =	sor.u32 $0x2280, s16;
	v32 =	vmovc v12;
	v49 =	vimm.f32 $0.0e+00;
	v50 =	vimm.f32 $0.0e+00;
	v40 =	vimm.f32 $0.0e+00  }
0x7c: {  	s31 =	sor.u32 $0x2300, s16;
	s1 =	sor.u32 $0x2180, s16;
	[tilespmem:$0x1FFD0] =	vst v24;
	v30 =	vmovc v14;
	v28 =	vmovc v27;
	v41 =	vimm.f32 $0.0e+00;
	v27 =	vimm.s32 $0xF;
	v52 =	vsub.f32 v35, v4;
	s4 =	simm.s32 @!p0 $0x10  }
.LBB2_5:
0x7d: {  	v4 =	vmov s4;
	s4 =	sadd.s32 s15, s4  }
0x7e: {  	s4 =	sshll.u32 s4, $0x7  }
0x7f: {  	s4 =	sshra.s32 s4, $0x2  }
0x80: {  	v51 =	vmul.f32 v51, v52;
	vm3 =	vlt.s32 v4, v6;
	v52 =	vld [tilespmem:s4+$0x8400]  }
0x81: {  	vm4 =	vmand vm0, vm3  }
0x82: {  	vm2 =	vgt.s32 v4, v5;
	v5 =	vld [tilespmem:$0x1FF60];
	v4 =	vmctz.xlane vm4  }
0x83: {  	vm2 =	vmand vm1, vm2  }
0x84: {  	v37 =	vsel vm2, v0, v37;
	v0 =	vxor.u32 $0x80000000, v4  }
0x85: {  	(xrf0) =	vmax.scan.msk.u32 $0xffff, v0;
	v0 =	vperm.xlane v52, v7;
	_ =	sdelay $0x1  }
0x86: {  	v0 =	vsub.f32 v5, v0;
	v5 =	vld [tilespmem:$0x1FF70];
	_ =	sdelay $0x2  }
0x87: {  	v39 =	vsel vm2, v1, v39;
	v1 =	vperm.xlane v52, v8;
	_ =	sdelay $0x1  }
0x88: {  	v1 =	vsub.f32 v5, v1;
	v5 =	vld [tilespmem:$0x1FF80];
	_ =	sdelay $0x1  }
0x89: {  	vm1 =	vmmov vm3;
	v22 =	vsel vm2, v54, v22;
	v47 =	vsel vm2, v3, v47  }
0x8a: {  	v42 =	vsel vm2, v58, v42;
	v43 =	vsel vm2, v2, v43;
	v2 =	vperm.xlane v52, v9  }
0x8b: {  	v48 =	vsel vm2, v61, v48;
	v38 =	vsel vm2, v62, v38;
	v49 =	vsel vm2, v63, v49  }
0x8c: {  	v44 =	vsel vm2, v59, v44;
	v50 =	vsel vm2, v55, v50;
	v2 =	vsub.f32 v5, v2;
	v5 =	vld [tilespmem:$0x1FF90]  }
0x8d: {  	v24 =	vmovc v6;
	v6 =	vld [tilespmem:$0x1FFB0];
	v45 =	vsel vm2, v60, v45;
	v40 =	vsel vm2, v56, v40;
	v4 =	vperm.xlane v52, v10  }
0x8e: {  	v3 =	vld [tilespmem:s4+$0x8410];
	v41 =	vsel vm2, v53, v41;
	v53 =	vperm.xlane v52, v13;
	v54 =	vperm.xlane v52, v15  }
0x8f: {  	v46 =	vsel vm2, v57, v46;
	v55 =	vperm.xlane v52, v16;
	v56 =	vperm.xlane v52, v17;
	v59, _, _ =	vpop (xrf0)  }
0x90: {  	v57 =	vperm.xlane v52, v18;
	v58 =	vperm.xlane v52, v19;
	(v2sf) =	vpush v59, $0xF  }
0x91: {  	v60 =	vperm.xlane v52, v20;
	v61 =	vperm.xlane v52, v21;
	v4 =	vsub.f32 v5, v4;
	v5 =	vld [tilespmem:$0x1FFA0]  }
0x92: {  	v36 =	vsel vm2, v51, v36;
	v62 =	vperm.xlane v52, v25;
	v63 =	vperm.xlane v52, v26  }
0x93: {  	v10 =	vimm.s32 $0x3;
	v51 =	vperm.xlane v3, v27;
	v6 =	vsub.f32 v6, v54  }
0x94: {  	v10 =	vperm.xlane v3, v10;
	v57 =	vsub.f32 v29, v57;
	v60 =	vsub.f32 v28, v60  }
0x95: {  	v14 =	vsub.f32 v34, v63;
	v63 =	vperm.xlane v3, v16;
	v16 =	vperm.xlane v3, v18  }
0x96: {  	v59 =	vperm.xlane v52, v23;
	v53 =	vsub.f32 v5, v53;
	v5 =	vperm.xlane v3, v7;
	v7 =	vld [tilespmem:$0x1FFC0]  }
0x97: {  	v11 =	vsub.f32 v32, v61;
	v18 =	vperm.xlane v3, v20;
	v20 =	vperm.xlane v3, v23  }
0x98: {  	v52 =	vperm.xlane v52, v27;
	v23 =	vperm.xlane v3, v26;
	v12 =	vsub.f32 v30, v59  }
0x99: {  	v59 =	vperm.xlane v3, v13;
	v13 =	vsub.f32 v33, v62;
	v62 =	vperm.xlane v3, v15  }
0x9a: {  	v52 =	vsub.f32 v35, v52;
	v15 =	vperm.xlane v3, v17;
	v17 =	vperm.xlane v3, v19  }
0x9b: {  	v19 =	vperm.xlane v3, v21;
	v55 =	vsub.f32 v7, v55;
	v7 =	vperm.xlane v3, v8;
	v8 =	vld [tilespmem:$0x1FFD0]  }
0x9c: {  	v21 =	vperm.xlane v3, v25;
	v54 =	vmul.f32 v5, v0;
	v5 =	vlaneseq.u32  }
0x9d: {  	v0 =	vmul.f32 v10, v4;
	v10 =	vimm.s32 $0x3;
	v61 =	vmul.f32 v59, v53  }
0x9e: {  	v59 =	vmul.f32 v16, v57;
	v16 =	vimm.s32 $0x6;
	v57 =	vmul.f32 v21, v13  }
0x9f: {  	s4 =	spop (v2sf);
	v21 =	vimm.s32 $0xB;
	v13 =	vimm.s32 $0x4;
	v53 =	vmul.f32 v23, v14  }
0xa0: {  	s4 =	sadd.s32 $0x80000001, s4;
	v23 =	vimm.s32 $0xC;
	v56 =	vsub.f32 v8, v56;
	v8 =	vperm.xlane v3, v9  }
0xa1: {  	p0 =	slt.s32 s4, $0x10;
	v9 =	vsub.f32 v31, v58;
	v3 =	vmul.f32 v7, v1;
	v7 =	vimm.s32 $0x0  }
.Ltmp6:
0xa2: {  	v58 =	vmul.f32 v8, v2;
	v8 =	vimm.s32 $0x1;
	v2 =	vmul.f32 v62, v6;
	(pc) =	sbr.rel @p0 .LBB2_5-.Ltmp6, $4  }
0xa3: {  	v62 =	vmul.f32 v63, v55;
	v63 =	vmul.f32 v15, v56;
	v15 =	vimm.s32 $0x5  }
0xa4: {  	v1 =	vmul.f32 v17, v9;
	v17 =	vimm.s32 $0x7;
	v9 =	vimm.s32 $0x2  }
0xa5: {  	v55 =	vmul.f32 v18, v60;
	v18 =	vimm.s32 $0x8;
	v60 =	vmul.f32 v19, v11  }
0xa6: {  	s4 =	simm.s32 @!p0 $0x10;
	v6 =	vmovc v24;
	v19 =	vimm.s32 $0x9;
	v56 =	vmul.f32 v20, v12;
	v20 =	vimm.s32 $0xA  }
.LBB2_6:
0xa7: {  	v4 =	vmov s4  }
0xa8: {  	vm0 =	vgt.s32 v4, v5  }
0xa9: {  	vm0 =	vmand vm1, vm0  }
0xaa: {  	v4 =	vsel vm0, v54, v22  }
0xab: {  	v3 =	vsel vm0, v3, v47;
	[tilespmem:s16+$0x4000] =	vst v4  }
0xac: {  	v0 =	vsel vm0, v0, v37;
	[tilespmem:s22+$0x4000] =	vst v3  }
0xad: {  	v43 =	vsel vm0, v2, v43;
	[tilespmem:s25+$0x4000] =	vst v0  }
0xae: {  	v47 =	vsel vm0, v62, v38;
	[tilespmem:s21+$0x4000] =	vst v43  }
0xaf: {  	v4 =	vsel vm0, v58, v42;
	[tilespmem:s26+$0x4000] =	vst v47  }
0xb0: {  	v3 =	vsel vm0, v61, v48;
	[tilespmem:s20+$0x4000] =	vst v4  }
0xb1: {  	v48 =	vsel vm0, v63, v49;
	[tilespmem:s23+$0x4000] =	vst v3  }
0xb2: {  	v49 =	vsel vm0, v59, v44;
	[tilespmem:s17+$0x4000] =	vst v48  }
0xb3: {  	v54 =	vsel vm0, v1, v39;
	[tilespmem:s19+$0x4000] =	vst v49  }
0xb4: {  	s14 =	sadd.s32 $0x1, s14;
	v58 =	vsel vm0, v55, v50;
	[tilespmem:s28+$0x4000] =	vst v54  }
0xb5: {  	p0 =	sne.s32 s14, $0x40;
	v59 =	vsel vm0, v60, v45;
	[tilespmem:s24+$0x4000] =	vst v58  }
.Ltmp7:
0xb6: {  	v60 =	vsel vm0, v56, v40;
	[tilespmem:s1+$0x4000] =	vst v59;
	(pc) =	sbr.rel @p0 .LBB2_4-.Ltmp7, $4  }
0xb7: {  	v62 =	vsel vm0, v57, v46;
	v61 =	vmul.f32 v51, v52;
	[tilespmem:s30+$0x4000] =	vst v60  }
0xb8: {  	v63 =	vsel vm0, v53, v41;
	[tilespmem:s3+$0x4000] =	vst v62  }
0xb9: {  	v0 =	vsel vm0, v61, v36;
	[tilespmem:s31+$0x4000] =	vst v63  }
0xba: {  	v11 =	vimm.s32 $0xE;
	v12 =	vimm.s32 $0xF;
	v4 =	vimm.s32 $0xD;
	[tilespmem:s18+$0x4000] =	vst v0  }
0xbb: {  	s3 =	rddreg [dreg:$0x3]  }
0xbc: {  	s4 =	simm.s32 $0x0;
	s28 =	simm.s32 $0x4000;
	s1 =	sadd.s32 s3, s8  }
0xbd: {  	[hbm4b:s1+s4] =	stream.linear.scatter [tilespmem:s28], [sflag:$0x3], $0x2000, $0x38;
	[tilespmem:$0x10400] =	vst v63  }
0xbe: {  	_ =	swait.ge [sflag:s9], $0x2000  }
0xbf: {  	s31 =	simm.s32 $0x6000;
	[sflag:s9] =	ssyncset.done $0x0  }
.Ltmp8:
0xc0: {  	s30 =	sadd.s32 s3, s10;
	[sflag:s9] =	ssyncadd.s32 $0xFFFFE000;
	(pc) =	sbr.rel .LBB2_8-.Ltmp8, $4  }
0xc1: {  	[hbm4b:s30+s4] =	stream.linear.scatter [tilespmem:s31], [sflag:$0x2], $0x2000, $0x38;
	[tilespmem:$0x10400] =	vst v63  }
0xc2: {  	_ =	swait.ge [sflag:s0], $0x2000  }
0xc3: {  	[sflag:s0] =	ssyncset.done $0x0  }
0xc4: {  	[sflag:s0] =	ssyncadd.s32 $0xFFFFE000  }
.LBB2_10:
0xc5: {  	_ =	sfence.sel $0x180000  }
0xc6: {  	[bflag:$0x0] =	sbarrier.arrive $0xFFFF  }
0xc7: {  	_ =	strace $0x9000004A  }
0xc8: {  	[bflag:$0x2] =	sbarrier.arrive $0xFFFF  }
0xc9: {  	p0 =	sne.s32 s5, $0x0;
	s0 =	rddreg [dreg:$0x4]  }
0xca: {  	s0 =	sadd.s32 @!p0 $0x100000, s0  }
0xcb: {  	[sflag:s0] =	ssyncadd.tile.s32 @!p0 $0x1;
	_ =	shalt  }
.Lfunc_end2:
_tile_overlayer_lowered:
.L_overlay_start_2:
0xcc: {  	(tag) =	ssettag $0x2  }
0xcd: {  	s0 =	rddreg [dreg:$0x0];
	s2 =	stileid.u32  }
0xce: {  	s1 =	rddreg [dreg:$0x1];
	p0 =	sne.s32 s2, $0x0  }
0xcf: {  	s3 =	rddreg [dreg:$0x2];
	[bflag:$0x3] =	sbarrier.arrive $0xFFFF;
	s2 =	simm.s32 @!p0 $0x1C02  }
0xd0: {  	[timem:s3], [sflag:s2] =	dma.local @!p0 [hbm:s0], s1  }
0xd1: {  	s0 =	simm.s32 @!p0 $0x2  }
0xd2: {  	_ =	swait.ge @!p0 [sflag:s0], s1  }
0xd3: {  	s1 =	ssub.s32 @!p0 $0x0, s1;
	[sflag:s0] =	ssyncset.done @!p0 $0x0  }
0xd4: {  	[sflag:s0] =	ssyncadd.s32 @!p0 s1  }
0xd5: {  	[bflag:$0x3] =	sbarrier.arrive $0xFFFF  }
0xd6: {  	_ =	shalt  }

</sc_bundles>
